<compile_context>
chip_gen: v7x
topology: tpu7x:2x2x1
jax: 0.10.2.dev20260603
libtpu: 0.0.44.dev20260713+nightly
codegen_flags: <defaults>
</compile_context>

<pallas_src>
import functools

import numpy as np

import jax
import jax.numpy as jnp
from jax import lax
from jax.experimental import pallas as pl
from jax.experimental.pallas import tpu as pltpu
from jax.experimental.pallas import tpu_sc as plsc

N = 10000
E = 320000
D = 128
G = 256
L = 3

NW = 32
EDGES_PER_W = 10240
E_PAD = NW * EDGES_PER_W
NPAD = 10240
CHUNK = 128
K = 8
ROWS_OUT = N // 16


def _sc_edge_agg():
    mesh = plsc.VectorSubcoreMesh(core_axis_name="c", subcore_axis_name="s",
                                  num_cores=2, num_subcores=16)

    NCH = EDGES_PER_W // CHUNK
    NT = NCH // 2

    @functools.partial(
        pl.kernel,
        out_type=jax.ShapeDtypeStruct((2 * N, D), jnp.float32),
        mesh=mesh,
        scratch_types=[
            pltpu.VMEM((32, CHUNK), jnp.int32),
            pltpu.VMEM((32, CHUNK), jnp.int32),
            pltpu.VMEM((CHUNK, D), jnp.float32),
            pltpu.VMEM((CHUNK, D), jnp.float32),
            pltpu.VMEM_SHARED((NPAD, D), jnp.float32),
            pltpu.SemaphoreType.DMA,
            pltpu.SemaphoreType.DMA,
            pltpu.SemaphoreType.DMA,
            pltpu.SemaphoreType.DMA,
        ],
    )
    def k(h_hbm, src_hbm, dst_hbm, out_hbm, src_v, dst_v,
          r_a, r_b, agg_sh, sg_a, sg_b, ss_a, ss_b):
        cid = lax.axis_index("c")
        sid = lax.axis_index("s")
        wid = cid * 16 + sid
        base_row = wid * NCH

        pltpu.sync_copy(src_hbm.at[pl.ds(base_row, 16)], src_v.at[pl.ds(0, 16)])
        pltpu.sync_copy(dst_hbm.at[pl.ds(base_row, 16)], dst_v.at[pl.ds(0, 16)])

        pltpu.async_copy(h_hbm.at[src_v.at[1]], r_b, sg_b)

        def zrow(r, carry):
            for c8 in range(D // 16):
                r_a[r, pl.ds(c8 * 16, 16)] = jnp.zeros((16,), jnp.float32)
            return carry
        lax.fori_loop(0, CHUNK, zrow, 0)
        for z in range(NPAD // 16 // CHUNK):
            pltpu.sync_copy(r_a, agg_sh.at[pl.ds(sid * (NPAD // 16) + z * CHUNK, CHUNK)])
        pltpu.async_copy(h_hbm.at[src_v.at[0]], r_a, sg_a)
        plsc.subcore_barrier()

        def g_wait(buf, sem):
            pltpu.make_async_copy(h_hbm.at[pl.ds(0, CHUNK)], buf, sem).wait()

        def s_wait(buf, sem):
            pltpu.make_async_copy(buf, out_hbm.at[pl.ds(0, CHUNK)], sem).wait()

        def body(t, carry):
            c = 2 * t

            @pl.when(jnp.logical_and(t % 8 == 0, t < 32))
            def _():
                q1 = (((t // 8) + 1) % 2) * 16
                off = pl.multiple_of(base_row + c + 16, 8)
                pltpu.sync_copy(src_hbm.at[pl.ds(off, 16)],
                                src_v.at[pl.ds(q1, 16)])
                pltpu.sync_copy(dst_hbm.at[pl.ds(off, 16)],
                                dst_v.at[pl.ds(q1, 16)])

            g_wait(r_a, sg_a)
            pltpu.async_copy(r_a, agg_sh.at[dst_v.at[c % 32]], ss_a, add=True)
            g_wait(r_b, sg_b)
            s_wait(r_a, ss_a)

            @pl.when(t < NT - 1)
            def _():
                pltpu.async_copy(h_hbm.at[src_v.at[(c + 2) % 32]], r_a, sg_a)
            pltpu.async_copy(r_b, agg_sh.at[dst_v.at[(c + 1) % 32]], ss_b, add=True)
            s_wait(r_b, ss_b)

            @pl.when(t < NT - 1)
            def _():
                pltpu.async_copy(h_hbm.at[src_v.at[(c + 3) % 32]], r_b, sg_b)
            return carry

        lax.fori_loop(0, NT, body, 0)

        plsc.subcore_barrier()
        @pl.when(sid < 15)
        def _():
            pltpu.sync_copy(
                agg_sh.at[pl.ds(sid * 624, 624)],
                out_hbm.at[pl.ds(cid * N + sid * 624, 624)],
            )

        @pl.when(sid == 15)
        def _():
            pltpu.sync_copy(
                agg_sh.at[pl.ds(15 * 624, 640)],
                out_hbm.at[pl.ds(cid * N + 15 * 624, 640)],
            )

    return k


_sc_cache = {}


def _sc_edge_agg_fn(h, src2d, dst2d):
    if "k" not in _sc_cache:
        _sc_cache["k"] = _sc_edge_agg()
    return _sc_cache["k"](h, src2d, dst2d)


R = 1000
NBLK = N // R


def _tc_in(x_ref, w_ref, b_ref, o_ref):
    o_ref[...] = jnp.maximum(
        jnp.dot(x_ref[...], w_ref[...], preferred_element_type=jnp.float32)
        + b_ref[...], 0.0)


def _tc_layer(p0_ref, p1_ref, h_ref, wrel_ref, wroot_ref, b_ref, o_ref):
    agg = p0_ref[...] + p1_ref[...]
    o_ref[...] = jnp.maximum(
        jnp.dot(agg, wrel_ref[...], preferred_element_type=jnp.float32)
        + jnp.dot(h_ref[...], wroot_ref[...], preferred_element_type=jnp.float32)
        + b_ref[...], 0.0)


def _tc_layer_pool(p0_ref, p1_ref, h_ref, wrel_ref, wroot_ref, b_ref, batch_ref,
                   w1_ref, b1_ref, w2_ref, b2_ref, w3_ref, b3_ref,
                   o_ref, sums_s, cnt_s):
    i = pl.program_id(0)

    @pl.when(i == 0)
    def _():
        sums_s[...] = jnp.zeros_like(sums_s)
        cnt_s[...] = jnp.zeros_like(cnt_s)

    agg = p0_ref[...] + p1_ref[...]
    hblk = jnp.maximum(
        jnp.dot(agg, wrel_ref[...], preferred_element_type=jnp.float32)
        + jnp.dot(h_ref[...], wroot_ref[...], preferred_element_type=jnp.float32)
        + b_ref[...], 0.0)

    ids = lax.broadcasted_iota(jnp.int32, (G, R), 0)
    oh_t = (batch_ref[0] == ids).astype(jnp.float32)
    dn = (((1,), (0,)), ((), ()))
    sums_s[...] += lax.dot_general(oh_t, hblk, dn,
                                   precision=lax.Precision.HIGHEST,
                                   preferred_element_type=jnp.float32)
    cnt_s[...] += lax.dot_general(oh_t, jnp.ones((R, D), jnp.float32), dn,
                                  preferred_element_type=jnp.float32)

    @pl.when(i == NBLK - 1)
    def _():
        pooled = sums_s[...] / jnp.maximum(cnt_s[...], 1.0)
        m = jnp.maximum(
            jnp.dot(pooled, w1_ref[...], preferred_element_type=jnp.float32)
            + b1_ref[...], 0.0)
        m = jnp.maximum(
            jnp.dot(m, w2_ref[...], preferred_element_type=jnp.float32)
            + b2_ref[...], 0.0)
        o_ref[...] = (jnp.dot(m, w3_ref[...], preferred_element_type=jnp.float32)
                      + b3_ref[...])


def kernel(x, edge_index, batch, W_in, b_in, W_root, W_rel, b_rel, W1, b1, W2, b2, W3, b3):
    pad = E_PAD - E
    pad_src = jnp.asarray(np.arange(pad, dtype=np.int32) % N)
    pad_dst = jnp.asarray(N + (np.arange(pad, dtype=np.int32) % (NPAD - N)))
    src2d = jnp.concatenate([edge_index[0], pad_src]).reshape(E_PAD // CHUNK, CHUNK)
    dst2d = jnp.concatenate([edge_index[1], pad_dst]).reshape(E_PAD // CHUNK, CHUNK)

    full = pl.BlockSpec((R, D), lambda i: (i, 0))
    wspec = pl.BlockSpec((D, D), lambda i: (0, 0))
    bspec = pl.BlockSpec((1, D), lambda i: (0, 0))

    h = pl.pallas_call(
        _tc_in,
        grid=(NBLK,),
        in_specs=[full, wspec, bspec],
        out_specs=full,
        out_shape=jax.ShapeDtypeStruct((N, D), jnp.float32),
    )(x, W_in, b_in.reshape(1, D))

    for i in range(L - 1):
        pflat = _sc_edge_agg_fn(h, src2d, dst2d)
        h = pl.pallas_call(
            _tc_layer,
            grid=(NBLK,),
            in_specs=[
                pl.BlockSpec((R, D), lambda i: (i, 0)),
                pl.BlockSpec((R, D), lambda i: (NBLK + i, 0)),
                full, wspec, wspec, bspec,
            ],
            out_specs=full,
            out_shape=jax.ShapeDtypeStruct((N, D), jnp.float32),
        )(pflat, pflat, h, W_rel[i], W_root[i], b_rel[i].reshape(1, D))

    pflat = _sc_edge_agg_fn(h, src2d, dst2d)
    out = pl.pallas_call(
        _tc_layer_pool,
        grid=(NBLK,),
        in_specs=[
            pl.BlockSpec((R, D), lambda i: (i, 0)),
            pl.BlockSpec((R, D), lambda i: (NBLK + i, 0)),
            full, wspec, wspec, bspec,
            pl.BlockSpec((1, 1, R), lambda i: (i, 0, 0)),
            pl.BlockSpec((D, D), lambda i: (0, 0)),
            pl.BlockSpec((1, D), lambda i: (0, 0)),
            pl.BlockSpec((D, D // 2), lambda i: (0, 0)),
            pl.BlockSpec((1, D // 2), lambda i: (0, 0)),
            pl.BlockSpec((D // 2, 1), lambda i: (0, 0)),
            pl.BlockSpec((1, 1), lambda i: (0, 0)),
        ],
        out_specs=pl.BlockSpec((G, 1), lambda i: (0, 0)),
        out_shape=jax.ShapeDtypeStruct((G, 1), jnp.float32),
        scratch_shapes=[
            pltpu.VMEM((G, D), jnp.float32),
            pltpu.VMEM((G, D), jnp.float32),
        ],
    )(pflat, pflat, h, W_rel[L - 1], W_root[L - 1], b_rel[L - 1].reshape(1, D),
      batch.reshape(NBLK, 1, R), W1, b1.reshape(1, D), W2, b2.reshape(1, D // 2),
      W3, b3.reshape(1, 1))

    return out

# --- scband reference (transcript-rebuilt; emitter-appended) ---
"""Pipeline reference for scband-graph-neural-network-54133767798874 (READ-ONLY COPY).

The authoritative reference and input builder live on the scoring server;
editing this copy changes nothing except your own understanding.
"""

import jax, jax.numpy as jnp
import numpy as np

N = 10000
E = 320000
D = 128
G = 256
L = 3


def setup_inputs(seed: int = 0) -> dict:
    key = jax.random.key(seed)
    ks = jax.random.split(key, 16)
    s = 1.0 / np.sqrt(D)
    x = jax.random.normal(ks[0], (N, D), dtype=jnp.float32)
    edge_index = jax.random.randint(ks[1], (2, E), 0, N, dtype=jnp.int32)
    batch = jnp.sort(jax.random.randint(ks[2], (N,), 0, G, dtype=jnp.int32))
    W_in = jax.random.normal(ks[3], (D, D), dtype=jnp.float32) * s
    b_in = jax.random.normal(ks[4], (D,), dtype=jnp.float32) * s
    W_root = jax.random.normal(ks[5], (L, D, D), dtype=jnp.float32) * s
    W_rel = jax.random.normal(ks[6], (L, D, D), dtype=jnp.float32) * s
    b_rel = jax.random.normal(ks[7], (L, D), dtype=jnp.float32) * s
    W1 = jax.random.normal(ks[8], (D, D), dtype=jnp.float32) * s
    b1 = jax.random.normal(ks[9], (D,), dtype=jnp.float32) * s
    W2 = jax.random.normal(ks[10], (D, D // 2), dtype=jnp.float32) * s
    b2 = jax.random.normal(ks[11], (D // 2,), dtype=jnp.float32) * s
    W3 = jax.random.normal(ks[12], (D // 2, 1), dtype=jnp.float32) * (1.0 / np.sqrt(D // 2))
    b3 = jax.random.normal(ks[13], (1,), dtype=jnp.float32) * s
    return {"x": x, "edge_index": edge_index, "batch": batch,
            "W_in": W_in, "b_in": b_in, "W_root": W_root, "W_rel": W_rel, "b_rel": b_rel,
            "W1": W1, "b1": b1, "W2": W2, "b2": b2, "W3": W3, "b3": b3}


def reference(x, edge_index, batch, W_in, b_in, W_root, W_rel, b_rel, W1, b1, W2, b2, W3, b3):
    src = edge_index[0]
    dst = edge_index[1]
    h = jnp.maximum(x @ W_in + b_in, 0.0)
    for i in range(L):
        # GraphConv: out = lin_rel(sum-aggr of neighbor feats) + lin_root(x)
        msgs = jnp.take(h, src, axis=0)
        agg = jax.ops.segment_sum(msgs, dst, num_segments=N)
        h = agg @ W_rel[i] + b_rel[i] + h @ W_root[i]
        h = jnp.maximum(h, 0.0)
        # dropout is identity in eval mode
    # global mean pool over graphs
    sums = jax.ops.segment_sum(h, batch, num_segments=G)
    counts = jax.ops.segment_sum(jnp.ones((N,), dtype=jnp.float32), batch, num_segments=G)
    pooled = sums / jnp.maximum(counts, 1.0)[:, None]
    m = jnp.maximum(pooled @ W1 + b1, 0.0)
    m = jnp.maximum(m @ W2 + b2, 0.0)
    out = m @ W3 + b3
    return out

if __name__ == "__main__":
    import jax
    _d = setup_inputs()
    print(jax.jit(kernel)(*tuple(_d.values())))

</pallas_src>

<mosaic_0001>
#map = affine_map<(d0, d1) -> (0, 0)>
module attributes {stable_mosaic.version = 14 : i64} {
  func.func @k(%arg0: i32, %arg1: i32, %arg2: memref<10000x128xf32, #tpu.memory_space<hbm>>, %arg3: memref<2560x128xi32, #tpu.memory_space<hbm>>, %arg4: memref<2560x128xi32, #tpu.memory_space<hbm>>, %arg5: memref<20000x128xf32, #tpu.memory_space<hbm>>, %arg6: memref<32x128xi32, #tpu.memory_space<vmem>>, %arg7: memref<32x128xi32, #tpu.memory_space<vmem>>, %arg8: memref<128x128xf32, #tpu.memory_space<vmem>>, %arg9: memref<128x128xf32, #tpu.memory_space<vmem>>, %arg10: memref<10240x128xf32, #tpu.memory_space<vmem_shared>>, %arg11: memref<!tpu.dma_semaphore, #tpu.memory_space<semaphore_mem>>, %arg12: memref<!tpu.dma_semaphore, #tpu.memory_space<semaphore_mem>>, %arg13: memref<!tpu.dma_semaphore, #tpu.memory_space<semaphore_mem>>, %arg14: memref<!tpu.dma_semaphore, #tpu.memory_space<semaphore_mem>>) attributes {dimension_semantics = [#tpu.dimension_semantics<core_parallel>, #tpu.dimension_semantics<subcore_parallel>], iteration_bounds = array<i64: 2, 16>, scalar_prefetch = 0 : i64, scratch_operands = 9 : i64, tpu.core_type = #tpu.core_type<sc_vector_subcore>, window_params = [{transform_indices = #map}, {transform_indices = #map}, {transform_indices = #map}, {transform_indices = #map}]} {
    %mul3A = arith.constant 16 : i32
    %mul3A_0 = arith.muli %arg0, %mul3A : i32
    %add3A = arith.addi %mul3A_0, %arg1 : i32
    %mul3A_1 = arith.constant 80 : i32
    %mul3A_2 = arith.muli %add3A, %mul3A_1 : i32
    "tpu.region"() ({
      %run_scoped3A = tpu.sem_alloc : memref<!tpu.dma_semaphore, #tpu.memory_space<semaphore_mem>>
      %dma_start3A_54 = arith.constant 0 : i32
      %dma_start3A_55 = arith.constant 0 : i32
      %dma_start3A_56 = tpu.memref_slice %arg6[%dma_start3A_54, %dma_start3A_55] : memref<32x128xi32, #tpu.memory_space<vmem>> -> memref<16x128xi32, #tpu.memory_space<vmem>>
      %dma_start3A_57 = arith.constant 0 : i32
      %dma_start3A_58 = tpu.memref_slice %arg3[%mul3A_2, %dma_start3A_57] : memref<2560x128xi32, #tpu.memory_space<hbm>> -> memref<16x128xi32, #tpu.memory_space<hbm>>
      %dma_start3A_59 = arith.constant 0 : i32
      %dma_start3A_60 = arith.constant 0 : i32
      %dma_start3A_61 = tpu.memref_slice %arg6[%dma_start3A_59, %dma_start3A_60] : memref<32x128xi32, #tpu.memory_space<vmem>> -> memref<16x128xi32, #tpu.memory_space<vmem>>
      %dma_start3A_62 = arith.constant 0 : i32
      %dma_start3A_63 = tpu.memref_slice %arg3[%mul3A_2, %dma_start3A_62] : memref<2560x128xi32, #tpu.memory_space<hbm>> -> memref<16x128xi32, #tpu.memory_space<hbm>>
      tpu.enqueue_dma source(%dma_start3A_63 : memref<16x128xi32, #tpu.memory_space<hbm>>) target(%dma_start3A_61 : memref<16x128xi32, #tpu.memory_space<vmem>>) target_semaphore(%run_scoped3A : memref<!tpu.dma_semaphore, #tpu.memory_space<semaphore_mem>>)
      %dma_wait3A = arith.constant 0 : i32
      %dma_wait3A_64 = arith.constant 0 : i32
      %dma_wait3A_65 = tpu.memref_slice %arg6[%dma_wait3A, %dma_wait3A_64] : memref<32x128xi32, #tpu.memory_space<vmem>> -> memref<16x128xi32, #tpu.memory_space<vmem>>
      %dma_wait3A_66 = arith.constant 0 : i32
      %dma_wait3A_67 = tpu.memref_slice %arg3[%mul3A_2, %dma_wait3A_66] : memref<2560x128xi32, #tpu.memory_space<hbm>> -> memref<16x128xi32, #tpu.memory_space<hbm>>
      %dma_wait3A_68 = arith.constant 0 : i32
      %dma_wait3A_69 = arith.constant 0 : i32
      %dma_wait3A_70 = tpu.memref_slice %arg6[%dma_wait3A_68, %dma_wait3A_69] : memref<32x128xi32, #tpu.memory_space<vmem>> -> memref<16x128xi32, #tpu.memory_space<vmem>>
      %dma_wait3A_71 = arith.constant 0 : i32
      %dma_wait3A_72 = tpu.memref_slice %arg3[%mul3A_2, %dma_wait3A_71] : memref<2560x128xi32, #tpu.memory_space<hbm>> -> memref<16x128xi32, #tpu.memory_space<hbm>>
      tpu.wait_dma2 semaphore(%run_scoped3A : memref<!tpu.dma_semaphore, #tpu.memory_space<semaphore_mem>>) src(%dma_wait3A_72 : memref<16x128xi32, #tpu.memory_space<hbm>>) dst(%dma_wait3A_70 : memref<16x128xi32, #tpu.memory_space<vmem>>)
      tpu.yield
    }) : () -> ()
    "tpu.region"() ({
      %run_scoped3A = tpu.sem_alloc : memref<!tpu.dma_semaphore, #tpu.memory_space<semaphore_mem>>
      %dma_start3A_54 = arith.constant 0 : i32
      %dma_start3A_55 = arith.constant 0 : i32
      %dma_start3A_56 = tpu.memref_slice %arg7[%dma_start3A_54, %dma_start3A_55] : memref<32x128xi32, #tpu.memory_space<vmem>> -> memref<16x128xi32, #tpu.memory_space<vmem>>
      %dma_start3A_57 = arith.constant 0 : i32
      %dma_start3A_58 = tpu.memref_slice %arg4[%mul3A_2, %dma_start3A_57] : memref<2560x128xi32, #tpu.memory_space<hbm>> -> memref<16x128xi32, #tpu.memory_space<hbm>>
      %dma_start3A_59 = arith.constant 0 : i32
      %dma_start3A_60 = arith.constant 0 : i32
      %dma_start3A_61 = tpu.memref_slice %arg7[%dma_start3A_59, %dma_start3A_60] : memref<32x128xi32, #tpu.memory_space<vmem>> -> memref<16x128xi32, #tpu.memory_space<vmem>>
      %dma_start3A_62 = arith.constant 0 : i32
      %dma_start3A_63 = tpu.memref_slice %arg4[%mul3A_2, %dma_start3A_62] : memref<2560x128xi32, #tpu.memory_space<hbm>> -> memref<16x128xi32, #tpu.memory_space<hbm>>
      tpu.enqueue_dma source(%dma_start3A_63 : memref<16x128xi32, #tpu.memory_space<hbm>>) target(%dma_start3A_61 : memref<16x128xi32, #tpu.memory_space<vmem>>) target_semaphore(%run_scoped3A : memref<!tpu.dma_semaphore, #tpu.memory_space<semaphore_mem>>)
      %dma_wait3A = arith.constant 0 : i32
      %dma_wait3A_64 = arith.constant 0 : i32
      %dma_wait3A_65 = tpu.memref_slice %arg7[%dma_wait3A, %dma_wait3A_64] : memref<32x128xi32, #tpu.memory_space<vmem>> -> memref<16x128xi32, #tpu.memory_space<vmem>>
      %dma_wait3A_66 = arith.constant 0 : i32
      %dma_wait3A_67 = tpu.memref_slice %arg4[%mul3A_2, %dma_wait3A_66] : memref<2560x128xi32, #tpu.memory_space<hbm>> -> memref<16x128xi32, #tpu.memory_space<hbm>>
      %dma_wait3A_68 = arith.constant 0 : i32
      %dma_wait3A_69 = arith.constant 0 : i32
      %dma_wait3A_70 = tpu.memref_slice %arg7[%dma_wait3A_68, %dma_wait3A_69] : memref<32x128xi32, #tpu.memory_space<vmem>> -> memref<16x128xi32, #tpu.memory_space<vmem>>
      %dma_wait3A_71 = arith.constant 0 : i32
      %dma_wait3A_72 = tpu.memref_slice %arg4[%mul3A_2, %dma_wait3A_71] : memref<2560x128xi32, #tpu.memory_space<hbm>> -> memref<16x128xi32, #tpu.memory_space<hbm>>
      tpu.wait_dma2 semaphore(%run_scoped3A : memref<!tpu.dma_semaphore, #tpu.memory_space<semaphore_mem>>) src(%dma_wait3A_72 : memref<16x128xi32, #tpu.memory_space<hbm>>) dst(%dma_wait3A_70 : memref<16x128xi32, #tpu.memory_space<vmem>>)
      tpu.yield
    }) : () -> ()
    %dma_start3A = arith.constant 1 : i32
    %dma_start3A_3 = arith.constant 0 : i32
    %dma_start3A_4 = tpu.memref_slice %arg6[%dma_start3A, %dma_start3A_3] : memref<32x128xi32, #tpu.memory_space<vmem>> -> memref<1x128xi32, #tpu.memory_space<vmem>>
    %dma_start3A_5 = tpu.memref_squeeze %dma_start3A_4 : memref<1x128xi32, #tpu.memory_space<vmem>> -> memref<128xi32, #tpu.memory_space<vmem>>
    %dma_start3A_6 = arith.constant 0 : i32
    %dma_start3A_7 = arith.constant 0 : i32
    %dma_start3A_8 = tpu.memref_slice %arg2[%dma_start3A_6, %dma_start3A_7] : memref<10000x128xf32, #tpu.memory_space<hbm>> -> memref<10000x128xf32, #tpu.memory_space<hbm>>
    tpu.enqueue_indirect_dma source(%dma_start3A_8 : memref<10000x128xf32, #tpu.memory_space<hbm>>) target(%arg9 : memref<128x128xf32, #tpu.memory_space<vmem>>) offsets(%dma_start3A_5 : memref<128xi32, #tpu.memory_space<vmem>>) semaphore(%arg12 : memref<!tpu.dma_semaphore, #tpu.memory_space<semaphore_mem>>)
    %scan3A = arith.constant 0 : i32
    %scan3A_9 = arith.constant 0 : i32
    %scan3A_10 = arith.constant 128 : i32
    %scan3A_11 = arith.addi %scan3A_9, %scan3A_10 : i32
    %scan3A_12 = arith.constant 1 : i32
    scf.for %scan3A_54 = %scan3A_9 to %scan3A_11 step %scan3A_12  : i32 {
      %broadcast_in_dim3A = arith.constant 0.000000e+00 : f32
      %broadcast_in_dim3A_55 = vector.broadcast %broadcast_in_dim3A : f32 to vector<16xf32>
      %swap3A = arith.index_cast %scan3A_54 : i32 to index
      %swap3A_56 = arith.constant 0 : index
      %swap3A_57 = tpu.vector_load %arg8[%swap3A, %swap3A_56] {strides = array<i32>} : memref<128x128xf32, #tpu.memory_space<vmem>>, vector<1x16xf32>,
      %swap3A_58 = vector.shape_cast %swap3A_57 : vector<1x16xf32> to vector<16xf32>
      %swap3A_59 = vector.shape_cast %broadcast_in_dim3A_55 : vector<16xf32> to vector<1x16xf32>
      tpu.vector_store %arg8[%swap3A, %swap3A_56], %swap3A_59 {strides = array<i32>} : memref<128x128xf32, #tpu.memory_space<vmem>>, vector<1x16xf32>,
      %broadcast_in_dim3A_60 = arith.constant 0.000000e+00 : f32
      %broadcast_in_dim3A_61 = vector.broadcast %broadcast_in_dim3A_60 : f32 to vector<16xf32>
      %swap3A_62 = arith.index_cast %scan3A_54 : i32 to index
      %swap3A_63 = arith.constant 16 : index
      %swap3A_64 = tpu.vector_load %arg8[%swap3A_62, %swap3A_63] {strides = array<i32>} : memref<128x128xf32, #tpu.memory_space<vmem>>, vector<1x16xf32>,
      %swap3A_65 = vector.shape_cast %swap3A_64 : vector<1x16xf32> to vector<16xf32>
      %swap3A_66 = vector.shape_cast %broadcast_in_dim3A_61 : vector<16xf32> to vector<1x16xf32>
      tpu.vector_store %arg8[%swap3A_62, %swap3A_63], %swap3A_66 {strides = array<i32>} : memref<128x128xf32, #tpu.memory_space<vmem>>, vector<1x16xf32>,
      %broadcast_in_dim3A_67 = arith.constant 0.000000e+00 : f32
      %broadcast_in_dim3A_68 = vector.broadcast %broadcast_in_dim3A_67 : f32 to vector<16xf32>
      %swap3A_69 = arith.index_cast %scan3A_54 : i32 to index
      %swap3A_70 = arith.constant 32 : index
      %swap3A_71 = tpu.vector_load %arg8[%swap3A_69, %swap3A_70] {strides = array<i32>} : memref<128x128xf32, #tpu.memory_space<vmem>>, vector<1x16xf32>,
      %swap3A_72 = vector.shape_cast %swap3A_71 : vector<1x16xf32> to vector<16xf32>
      %swap3A_73 = vector.shape_cast %broadcast_in_dim3A_68 : vector<16xf32> to vector<1x16xf32>
      tpu.vector_store %arg8[%swap3A_69, %swap3A_70], %swap3A_73 {strides = array<i32>} : memref<128x128xf32, #tpu.memory_space<vmem>>, vector<1x16xf32>,
      %broadcast_in_dim3A_74 = arith.constant 0.000000e+00 : f32
      %broadcast_in_dim3A_75 = vector.broadcast %broadcast_in_dim3A_74 : f32 to vector<16xf32>
      %swap3A_76 = arith.index_cast %scan3A_54 : i32 to index
      %swap3A_77 = arith.constant 48 : index
      %swap3A_78 = tpu.vector_load %arg8[%swap3A_76, %swap3A_77] {strides = array<i32>} : memref<128x128xf32, #tpu.memory_space<vmem>>, vector<1x16xf32>,
      %swap3A_79 = vector.shape_cast %swap3A_78 : vector<1x16xf32> to vector<16xf32>
      %swap3A_80 = vector.shape_cast %broadcast_in_dim3A_75 : vector<16xf32> to vector<1x16xf32>
      tpu.vector_store %arg8[%swap3A_76, %swap3A_77], %swap3A_80 {strides = array<i32>} : memref<128x128xf32, #tpu.memory_space<vmem>>, vector<1x16xf32>,
      %broadcast_in_dim3A_81 = arith.constant 0.000000e+00 : f32
      %broadcast_in_dim3A_82 = vector.broadcast %broadcast_in_dim3A_81 : f32 to vector<16xf32>
      %swap3A_83 = arith.index_cast %scan3A_54 : i32 to index
      %swap3A_84 = arith.constant 64 : index
      %swap3A_85 = tpu.vector_load %arg8[%swap3A_83, %swap3A_84] {strides = array<i32>} : memref<128x128xf32, #tpu.memory_space<vmem>>, vector<1x16xf32>,
      %swap3A_86 = vector.shape_cast %swap3A_85 : vector<1x16xf32> to vector<16xf32>
      %swap3A_87 = vector.shape_cast %broadcast_in_dim3A_82 : vector<16xf32> to vector<1x16xf32>
      tpu.vector_store %arg8[%swap3A_83, %swap3A_84], %swap3A_87 {strides = array<i32>} : memref<128x128xf32, #tpu.memory_space<vmem>>, vector<1x16xf32>,
      %broadcast_in_dim3A_88 = arith.constant 0.000000e+00 : f32
      %broadcast_in_dim3A_89 = vector.broadcast %broadcast_in_dim3A_88 : f32 to vector<16xf32>
      %swap3A_90 = arith.index_cast %scan3A_54 : i32 to index
      %swap3A_91 = arith.constant 80 : index
      %swap3A_92 = tpu.vector_load %arg8[%swap3A_90, %swap3A_91] {strides = array<i32>} : memref<128x128xf32, #tpu.memory_space<vmem>>, vector<1x16xf32>,
      %swap3A_93 = vector.shape_cast %swap3A_92 : vector<1x16xf32> to vector<16xf32>
      %swap3A_94 = vector.shape_cast %broadcast_in_dim3A_89 : vector<16xf32> to vector<1x16xf32>
      tpu.vector_store %arg8[%swap3A_90, %swap3A_91], %swap3A_94 {strides = array<i32>} : memref<128x128xf32, #tpu.memory_space<vmem>>, vector<1x16xf32>,
      %broadcast_in_dim3A_95 = arith.constant 0.000000e+00 : f32
      %broadcast_in_dim3A_96 = vector.broadcast %broadcast_in_dim3A_95 : f32 to vector<16xf32>
      %swap3A_97 = arith.index_cast %scan3A_54 : i32 to index
      %swap3A_98 = arith.constant 96 : index
      %swap3A_99 = tpu.vector_load %arg8[%swap3A_97, %swap3A_98] {strides = array<i32>} : memref<128x128xf32, #tpu.memory_space<vmem>>, vector<1x16xf32>,
      %swap3A_100 = vector.shape_cast %swap3A_99 : vector<1x16xf32> to vector<16xf32>
      %swap3A_101 = vector.shape_cast %broadcast_in_dim3A_96 : vector<16xf32> to vector<1x16xf32>
      tpu.vector_store %arg8[%swap3A_97, %swap3A_98], %swap3A_101 {strides = array<i32>} : memref<128x128xf32, #tpu.memory_space<vmem>>, vector<1x16xf32>,
      %broadcast_in_dim3A_102 = arith.constant 0.000000e+00 : f32
      %broadcast_in_dim3A_103 = vector.broadcast %broadcast_in_dim3A_102 : f32 to vector<16xf32>
      %swap3A_104 = arith.index_cast %scan3A_54 : i32 to index
      %swap3A_105 = arith.constant 112 : index
      %swap3A_106 = tpu.vector_load %arg8[%swap3A_104, %swap3A_105] {strides = array<i32>} : memref<128x128xf32, #tpu.memory_space<vmem>>, vector<1x16xf32>,
      %swap3A_107 = vector.shape_cast %swap3A_106 : vector<1x16xf32> to vector<16xf32>
      %swap3A_108 = vector.shape_cast %broadcast_in_dim3A_103 : vector<16xf32> to vector<1x16xf32>
      tpu.vector_store %arg8[%swap3A_104, %swap3A_105], %swap3A_108 {strides = array<i32>} : memref<128x128xf32, #tpu.memory_space<vmem>>, vector<1x16xf32>,
    }
    %scan3A_13 = arith.constant 128 : i32
    %mul3A_14 = arith.constant 640 : i32
    %mul3A_15 = arith.muli %arg1, %mul3A_14 : i32
    %add3A_16 = arith.constant 0 : i32
    %add3A_17 = arith.addi %mul3A_15, %add3A_16 : i32
    "tpu.region"() ({
      %run_scoped3A = tpu.sem_alloc : memref<!tpu.dma_semaphore, #tpu.memory_space<semaphore_mem>>
      %dma_start3A_54 = arith.constant 0 : i32
      %dma_start3A_55 = tpu.memref_slice %arg10[%add3A_17, %dma_start3A_54] : memref<10240x128xf32, #tpu.memory_space<vmem_shared>> -> memref<128x128xf32, #tpu.memory_space<vmem_shared>>
      %dma_start3A_56 = arith.constant 0 : i32
      %dma_start3A_57 = tpu.memref_slice %arg10[%add3A_17, %dma_start3A_56] : memref<10240x128xf32, #tpu.memory_space<vmem_shared>> -> memref<128x128xf32, #tpu.memory_space<vmem_shared>>
      tpu.enqueue_dma source(%arg8 : memref<128x128xf32, #tpu.memory_space<vmem>>) target(%dma_start3A_57 : memref<128x128xf32, #tpu.memory_space<vmem_shared>>) target_semaphore(%run_scoped3A : memref<!tpu.dma_semaphore, #tpu.memory_space<semaphore_mem>>)
      %dma_wait3A = arith.constant 0 : i32
      %dma_wait3A_58 = tpu.memref_slice %arg10[%add3A_17, %dma_wait3A] : memref<10240x128xf32, #tpu.memory_space<vmem_shared>> -> memref<128x128xf32, #tpu.memory_space<vmem_shared>>
      %dma_wait3A_59 = arith.constant 0 : i32
      %dma_wait3A_60 = tpu.memref_slice %arg10[%add3A_17, %dma_wait3A_59] : memref<10240x128xf32, #tpu.memory_space<vmem_shared>> -> memref<128x128xf32, #tpu.memory_space<vmem_shared>>
      tpu.wait_dma2 semaphore(%run_scoped3A : memref<!tpu.dma_semaphore, #tpu.memory_space<semaphore_mem>>) src(%arg8 : memref<128x128xf32, #tpu.memory_space<vmem>>) dst(%dma_wait3A_60 : memref<128x128xf32, #tpu.memory_space<vmem_shared>>)
      tpu.yield
    }) : () -> ()
    %mul3A_18 = arith.constant 640 : i32
    %mul3A_19 = arith.muli %arg1, %mul3A_18 : i32
    %add3A_20 = arith.constant 128 : i32
    %add3A_21 = arith.addi %mul3A_19, %add3A_20 : i32
    "tpu.region"() ({
      %run_scoped3A = tpu.sem_alloc : memref<!tpu.dma_semaphore, #tpu.memory_space<semaphore_mem>>
      %dma_start3A_54 = arith.constant 0 : i32
      %dma_start3A_55 = tpu.memref_slice %arg10[%add3A_21, %dma_start3A_54] : memref<10240x128xf32, #tpu.memory_space<vmem_shared>> -> memref<128x128xf32, #tpu.memory_space<vmem_shared>>
      %dma_start3A_56 = arith.constant 0 : i32
      %dma_start3A_57 = tpu.memref_slice %arg10[%add3A_21, %dma_start3A_56] : memref<10240x128xf32, #tpu.memory_space<vmem_shared>> -> memref<128x128xf32, #tpu.memory_space<vmem_shared>>
      tpu.enqueue_dma source(%arg8 : memref<128x128xf32, #tpu.memory_space<vmem>>) target(%dma_start3A_57 : memref<128x128xf32, #tpu.memory_space<vmem_shared>>) target_semaphore(%run_scoped3A : memref<!tpu.dma_semaphore, #tpu.memory_space<semaphore_mem>>)
      %dma_wait3A = arith.constant 0 : i32
      %dma_wait3A_58 = tpu.memref_slice %arg10[%add3A_21, %dma_wait3A] : memref<10240x128xf32, #tpu.memory_space<vmem_shared>> -> memref<128x128xf32, #tpu.memory_space<vmem_shared>>
      %dma_wait3A_59 = arith.constant 0 : i32
      %dma_wait3A_60 = tpu.memref_slice %arg10[%add3A_21, %dma_wait3A_59] : memref<10240x128xf32, #tpu.memory_space<vmem_shared>> -> memref<128x128xf32, #tpu.memory_space<vmem_shared>>
      tpu.wait_dma2 semaphore(%run_scoped3A : memref<!tpu.dma_semaphore, #tpu.memory_space<semaphore_mem>>) src(%arg8 : memref<128x128xf32, #tpu.memory_space<vmem>>) dst(%dma_wait3A_60 : memref<128x128xf32, #tpu.memory_space<vmem_shared>>)
      tpu.yield
    }) : () -> ()
    %mul3A_22 = arith.constant 640 : i32
    %mul3A_23 = arith.muli %arg1, %mul3A_22 : i32
    %add3A_24 = arith.constant 256 : i32
    %add3A_25 = arith.addi %mul3A_23, %add3A_24 : i32
    "tpu.region"() ({
      %run_scoped3A = tpu.sem_alloc : memref<!tpu.dma_semaphore, #tpu.memory_space<semaphore_mem>>
      %dma_start3A_54 = arith.constant 0 : i32
      %dma_start3A_55 = tpu.memref_slice %arg10[%add3A_25, %dma_start3A_54] : memref<10240x128xf32, #tpu.memory_space<vmem_shared>> -> memref<128x128xf32, #tpu.memory_space<vmem_shared>>
      %dma_start3A_56 = arith.constant 0 : i32
      %dma_start3A_57 = tpu.memref_slice %arg10[%add3A_25, %dma_start3A_56] : memref<10240x128xf32, #tpu.memory_space<vmem_shared>> -> memref<128x128xf32, #tpu.memory_space<vmem_shared>>
      tpu.enqueue_dma source(%arg8 : memref<128x128xf32, #tpu.memory_space<vmem>>) target(%dma_start3A_57 : memref<128x128xf32, #tpu.memory_space<vmem_shared>>) target_semaphore(%run_scoped3A : memref<!tpu.dma_semaphore, #tpu.memory_space<semaphore_mem>>)
      %dma_wait3A = arith.constant 0 : i32
      %dma_wait3A_58 = tpu.memref_slice %arg10[%add3A_25, %dma_wait3A] : memref<10240x128xf32, #tpu.memory_space<vmem_shared>> -> memref<128x128xf32, #tpu.memory_space<vmem_shared>>
      %dma_wait3A_59 = arith.constant 0 : i32
      %dma_wait3A_60 = tpu.memref_slice %arg10[%add3A_25, %dma_wait3A_59] : memref<10240x128xf32, #tpu.memory_space<vmem_shared>> -> memref<128x128xf32, #tpu.memory_space<vmem_shared>>
      tpu.wait_dma2 semaphore(%run_scoped3A : memref<!tpu.dma_semaphore, #tpu.memory_space<semaphore_mem>>) src(%arg8 : memref<128x128xf32, #tpu.memory_space<vmem>>) dst(%dma_wait3A_60 : memref<128x128xf32, #tpu.memory_space<vmem_shared>>)
      tpu.yield
    }) : () -> ()
    %mul3A_26 = arith.constant 640 : i32
    %mul3A_27 = arith.muli %arg1, %mul3A_26 : i32
    %add3A_28 = arith.constant 384 : i32
    %add3A_29 = arith.addi %mul3A_27, %add3A_28 : i32
    "tpu.region"() ({
      %run_scoped3A = tpu.sem_alloc : memref<!tpu.dma_semaphore, #tpu.memory_space<semaphore_mem>>
      %dma_start3A_54 = arith.constant 0 : i32
      %dma_start3A_55 = tpu.memref_slice %arg10[%add3A_29, %dma_start3A_54] : memref<10240x128xf32, #tpu.memory_space<vmem_shared>> -> memref<128x128xf32, #tpu.memory_space<vmem_shared>>
      %dma_start3A_56 = arith.constant 0 : i32
      %dma_start3A_57 = tpu.memref_slice %arg10[%add3A_29, %dma_start3A_56] : memref<10240x128xf32, #tpu.memory_space<vmem_shared>> -> memref<128x128xf32, #tpu.memory_space<vmem_shared>>
      tpu.enqueue_dma source(%arg8 : memref<128x128xf32, #tpu.memory_space<vmem>>) target(%dma_start3A_57 : memref<128x128xf32, #tpu.memory_space<vmem_shared>>) target_semaphore(%run_scoped3A : memref<!tpu.dma_semaphore, #tpu.memory_space<semaphore_mem>>)
      %dma_wait3A = arith.constant 0 : i32
      %dma_wait3A_58 = tpu.memref_slice %arg10[%add3A_29, %dma_wait3A] : memref<10240x128xf32, #tpu.memory_space<vmem_shared>> -> memref<128x128xf32, #tpu.memory_space<vmem_shared>>
      %dma_wait3A_59 = arith.constant 0 : i32
      %dma_wait3A_60 = tpu.memref_slice %arg10[%add3A_29, %dma_wait3A_59] : memref<10240x128xf32, #tpu.memory_space<vmem_shared>> -> memref<128x128xf32, #tpu.memory_space<vmem_shared>>
      tpu.wait_dma2 semaphore(%run_scoped3A : memref<!tpu.dma_semaphore, #tpu.memory_space<semaphore_mem>>) src(%arg8 : memref<128x128xf32, #tpu.memory_space<vmem>>) dst(%dma_wait3A_60 : memref<128x128xf32, #tpu.memory_space<vmem_shared>>)
      tpu.yield
    }) : () -> ()
    %mul3A_30 = arith.constant 640 : i32
    %mul3A_31 = arith.muli %arg1, %mul3A_30 : i32
    %add3A_32 = arith.constant 512 : i32
    %add3A_33 = arith.addi %mul3A_31, %add3A_32 : i32
    "tpu.region"() ({
      %run_scoped3A = tpu.sem_alloc : memref<!tpu.dma_semaphore, #tpu.memory_space<semaphore_mem>>
      %dma_start3A_54 = arith.constant 0 : i32
      %dma_start3A_55 = tpu.memref_slice %arg10[%add3A_33, %dma_start3A_54] : memref<10240x128xf32, #tpu.memory_space<vmem_shared>> -> memref<128x128xf32, #tpu.memory_space<vmem_shared>>
      %dma_start3A_56 = arith.constant 0 : i32
      %dma_start3A_57 = tpu.memref_slice %arg10[%add3A_33, %dma_start3A_56] : memref<10240x128xf32, #tpu.memory_space<vmem_shared>> -> memref<128x128xf32, #tpu.memory_space<vmem_shared>>
      tpu.enqueue_dma source(%arg8 : memref<128x128xf32, #tpu.memory_space<vmem>>) target(%dma_start3A_57 : memref<128x128xf32, #tpu.memory_space<vmem_shared>>) target_semaphore(%run_scoped3A : memref<!tpu.dma_semaphore, #tpu.memory_space<semaphore_mem>>)
      %dma_wait3A = arith.constant 0 : i32
      %dma_wait3A_58 = tpu.memref_slice %arg10[%add3A_33, %dma_wait3A] : memref<10240x128xf32, #tpu.memory_space<vmem_shared>> -> memref<128x128xf32, #tpu.memory_space<vmem_shared>>
      %dma_wait3A_59 = arith.constant 0 : i32
      %dma_wait3A_60 = tpu.memref_slice %arg10[%add3A_33, %dma_wait3A_59] : memref<10240x128xf32, #tpu.memory_space<vmem_shared>> -> memref<128x128xf32, #tpu.memory_space<vmem_shared>>
      tpu.wait_dma2 semaphore(%run_scoped3A : memref<!tpu.dma_semaphore, #tpu.memory_space<semaphore_mem>>) src(%arg8 : memref<128x128xf32, #tpu.memory_space<vmem>>) dst(%dma_wait3A_60 : memref<128x128xf32, #tpu.memory_space<vmem_shared>>)
      tpu.yield
    }) : () -> ()
    %dma_start3A_34 = arith.constant 0 : i32
    %dma_start3A_35 = arith.constant 0 : i32
    %dma_start3A_36 = tpu.memref_slice %arg6[%dma_start3A_34, %dma_start3A_35] : memref<32x128xi32, #tpu.memory_space<vmem>> -> memref<1x128xi32, #tpu.memory_space<vmem>>
    %dma_start3A_37 = tpu.memref_squeeze %dma_start3A_36 : memref<1x128xi32, #tpu.memory_space<vmem>> -> memref<128xi32, #tpu.memory_space<vmem>>
    %dma_start3A_38 = arith.constant 0 : i32
    %dma_start3A_39 = arith.constant 0 : i32
    %dma_start3A_40 = tpu.memref_slice %arg2[%dma_start3A_38, %dma_start3A_39] : memref<10000x128xf32, #tpu.memory_space<hbm>> -> memref<10000x128xf32, #tpu.memory_space<hbm>>
    tpu.enqueue_indirect_dma source(%dma_start3A_40 : memref<10000x128xf32, #tpu.memory_space<hbm>>) target(%arg8 : memref<128x128xf32, #tpu.memory_space<vmem>>) offsets(%dma_start3A_37 : memref<128xi32, #tpu.memory_space<vmem>>) semaphore(%arg11 : memref<!tpu.dma_semaphore, #tpu.memory_space<semaphore_mem>>)
    %barrier3A = arith.constant 0 : index
    tpu.barrier barrier_id(%barrier3A)
    %scan3A_41 = arith.constant 0 : i32
    %scan3A_42 = arith.constant 0 : i32
    %scan3A_43 = arith.constant 40 : i32
    %scan3A_44 = arith.addi %scan3A_42, %scan3A_43 : i32
    %scan3A_45 = arith.constant 1 : i32
    scf.for %scan3A_54 = %scan3A_42 to %scan3A_44 step %scan3A_45  : i32 {
      %mul3A_55 = arith.constant 2 : i32
      %mul3A_56 = arith.muli %mul3A_55, %scan3A_54 : i32
      %jit3A = arith.constant 8 : i32
      %eq3A_57 = arith.constant 0 : i32
      %eq3A_58 = arith.cmpi eq, %jit3A, %eq3A_57 : i32
      %jit3A_59 = arith.constant 1 : i32
      %select_n3A = arith.select %eq3A_58, %jit3A_59, %jit3A : i32
      %rem3A = arith.remsi %scan3A_54, %select_n3A : i32
      %ne3A = arith.constant 0 : i32
      %ne3A_60 = arith.cmpi ne, %rem3A, %ne3A : i32
      %lt3A_61 = arith.constant 0 : i32
      %lt3A_62 = arith.cmpi slt, %rem3A, %lt3A_61 : i32
      %lt3A_63 = arith.constant 0 : i32
      %lt3A_64 = arith.cmpi slt, %select_n3A, %lt3A_63 : i32
      %ne3A_65 = arith.xori %lt3A_62, %lt3A_64 : i1
      %and3A = arith.andi %ne3A_65, %ne3A_60 : i1
      %add3A_66 = arith.addi %rem3A, %select_n3A : i32
      %select_n3A_67 = arith.select %and3A, %add3A_66, %rem3A : i32
      %eq3A_68 = arith.constant 0 : i32
      %eq3A_69 = arith.cmpi eq, %select_n3A_67, %eq3A_68 : i32
      %lt3A_70 = arith.constant 32 : i32
      %lt3A_71 = arith.cmpi slt, %scan3A_54, %lt3A_70 : i32
      %and3A_72 = arith.andi %eq3A_69, %lt3A_71 : i1
      %convert_element_type3A_73 = arith.extui %and3A_72 : i1 to i32
      %cond3A_74 = arith.constant 0 : i32
      %cond3A_75 = arith.cmpi ne, %convert_element_type3A_73, %cond3A_74 : i32
      scf.if %cond3A_75 {
        %jit3A_155 = arith.constant 8 : i32
        %div3A = arith.divsi %scan3A_54, %jit3A_155 : i32
        %sign3A = arith.constant 0 : i32
        %sign3A_156 = arith.cmpi sgt, %scan3A_54, %sign3A : i32
        %sign3A_157 = arith.extui %sign3A_156 : i1 to i32
        %sign3A_158 = arith.constant 0 : i32
        %sign3A_159 = arith.cmpi slt, %scan3A_54, %sign3A_158 : i32
        %sign3A_160 = arith.extui %sign3A_159 : i1 to i32
        %sign3A_161 = arith.subi %sign3A_157, %sign3A_160 : i32
        %sign3A_162 = arith.constant 0 : i32
        %sign3A_163 = arith.cmpi sgt, %jit3A_155, %sign3A_162 : i32
        %sign3A_164 = arith.extui %sign3A_163 : i1 to i32
        %sign3A_165 = arith.constant 0 : i32
        %sign3A_166 = arith.cmpi slt, %jit3A_155, %sign3A_165 : i32
        %sign3A_167 = arith.extui %sign3A_166 : i1 to i32
        %sign3A_168 = arith.subi %sign3A_164, %sign3A_167 : i32
        %ne3A_169 = arith.cmpi ne, %sign3A_161, %sign3A_168 : i32
        %rem3A_170 = arith.remsi %scan3A_54, %jit3A_155 : i32
        %ne3A_171 = arith.constant 0 : i32
        %ne3A_172 = arith.cmpi ne, %rem3A_170, %ne3A_171 : i32
        %and3A_173 = arith.andi %ne3A_169, %ne3A_172 : i1
        %sub3A = arith.constant 1 : i32
        %sub3A_174 = arith.subi %div3A, %sub3A : i32
        %select_n3A_175 = arith.select %and3A_173, %sub3A_174, %div3A : i32
        %add3A_176 = arith.constant 1 : i32
        %add3A_177 = arith.addi %select_n3A_175, %add3A_176 : i32
        %jit3A_178 = arith.constant 2 : i32
        %eq3A_179 = arith.constant 0 : i32
        %eq3A_180 = arith.cmpi eq, %jit3A_178, %eq3A_179 : i32
        %jit3A_181 = arith.constant 1 : i32
        %select_n3A_182 = arith.select %eq3A_180, %jit3A_181, %jit3A_178 : i32
        %rem3A_183 = arith.remsi %add3A_177, %select_n3A_182 : i32
        %ne3A_184 = arith.constant 0 : i32
        %ne3A_185 = arith.cmpi ne, %rem3A_183, %ne3A_184 : i32
        %lt3A_186 = arith.constant 0 : i32
        %lt3A_187 = arith.cmpi slt, %rem3A_183, %lt3A_186 : i32
        %lt3A_188 = arith.constant 0 : i32
        %lt3A_189 = arith.cmpi slt, %select_n3A_182, %lt3A_188 : i32
        %ne3A_190 = arith.xori %lt3A_187, %lt3A_189 : i1
        %and3A_191 = arith.andi %ne3A_190, %ne3A_185 : i1
        %add3A_192 = arith.addi %rem3A_183, %select_n3A_182 : i32
        %select_n3A_193 = arith.select %and3A_191, %add3A_192, %rem3A_183 : i32
        %mul3A_194 = arith.constant 16 : i32
        %mul3A_195 = arith.muli %select_n3A_193, %mul3A_194 : i32
        %add3A_196 = arith.addi %mul3A_2, %mul3A_56 : i32
        %add3A_197 = arith.constant 16 : i32
        %add3A_198 = arith.addi %add3A_196, %add3A_197 : i32
        %multiple_of3A = tpu.assume_multiple %add3A_198, 8 : i32
        "tpu.region"() ({
          %run_scoped3A = tpu.sem_alloc : memref<!tpu.dma_semaphore, #tpu.memory_space<semaphore_mem>>
          %dma_start3A_199 = arith.constant 0 : i32
          %dma_start3A_200 = tpu.memref_slice %arg6[%mul3A_195, %dma_start3A_199] : memref<32x128xi32, #tpu.memory_space<vmem>> -> memref<16x128xi32, #tpu.memory_space<vmem>>
          %dma_start3A_201 = arith.constant 0 : i32
          %dma_start3A_202 = tpu.memref_slice %arg3[%multiple_of3A, %dma_start3A_201] : memref<2560x128xi32, #tpu.memory_space<hbm>> -> memref<16x128xi32, #tpu.memory_space<hbm>>
          %dma_start3A_203 = arith.constant 0 : i32
          %dma_start3A_204 = tpu.memref_slice %arg6[%mul3A_195, %dma_start3A_203] : memref<32x128xi32, #tpu.memory_space<vmem>> -> memref<16x128xi32, #tpu.memory_space<vmem>>
          %dma_start3A_205 = arith.constant 0 : i32
          %dma_start3A_206 = tpu.memref_slice %arg3[%multiple_of3A, %dma_start3A_205] : memref<2560x128xi32, #tpu.memory_space<hbm>> -> memref<16x128xi32, #tpu.memory_space<hbm>>
          tpu.enqueue_dma source(%dma_start3A_206 : memref<16x128xi32, #tpu.memory_space<hbm>>) target(%dma_start3A_204 : memref<16x128xi32, #tpu.memory_space<vmem>>) target_semaphore(%run_scoped3A : memref<!tpu.dma_semaphore, #tpu.memory_space<semaphore_mem>>)
          %dma_wait3A_207 = arith.constant 0 : i32
          %dma_wait3A_208 = tpu.memref_slice %arg6[%mul3A_195, %dma_wait3A_207] : memref<32x128xi32, #tpu.memory_space<vmem>> -> memref<16x128xi32, #tpu.memory_space<vmem>>
          %dma_wait3A_209 = arith.constant 0 : i32
          %dma_wait3A_210 = tpu.memref_slice %arg3[%multiple_of3A, %dma_wait3A_209] : memref<2560x128xi32, #tpu.memory_space<hbm>> -> memref<16x128xi32, #tpu.memory_space<hbm>>
          %dma_wait3A_211 = arith.constant 0 : i32
          %dma_wait3A_212 = tpu.memref_slice %arg6[%mul3A_195, %dma_wait3A_211] : memref<32x128xi32, #tpu.memory_space<vmem>> -> memref<16x128xi32, #tpu.memory_space<vmem>>
          %dma_wait3A_213 = arith.constant 0 : i32
          %dma_wait3A_214 = tpu.memref_slice %arg3[%multiple_of3A, %dma_wait3A_213] : memref<2560x128xi32, #tpu.memory_space<hbm>> -> memref<16x128xi32, #tpu.memory_space<hbm>>
          tpu.wait_dma2 semaphore(%run_scoped3A : memref<!tpu.dma_semaphore, #tpu.memory_space<semaphore_mem>>) src(%dma_wait3A_214 : memref<16x128xi32, #tpu.memory_space<hbm>>) dst(%dma_wait3A_212 : memref<16x128xi32, #tpu.memory_space<vmem>>)
          tpu.yield
        }) : () -> ()
        "tpu.region"() ({
          %run_scoped3A = tpu.sem_alloc : memref<!tpu.dma_semaphore, #tpu.memory_space<semaphore_mem>>
          %dma_start3A_199 = arith.constant 0 : i32
          %dma_start3A_200 = tpu.memref_slice %arg7[%mul3A_195, %dma_start3A_199] : memref<32x128xi32, #tpu.memory_space<vmem>> -> memref<16x128xi32, #tpu.memory_space<vmem>>
          %dma_start3A_201 = arith.constant 0 : i32
          %dma_start3A_202 = tpu.memref_slice %arg4[%multiple_of3A, %dma_start3A_201] : memref<2560x128xi32, #tpu.memory_space<hbm>> -> memref<16x128xi32, #tpu.memory_space<hbm>>
          %dma_start3A_203 = arith.constant 0 : i32
          %dma_start3A_204 = tpu.memref_slice %arg7[%mul3A_195, %dma_start3A_203] : memref<32x128xi32, #tpu.memory_space<vmem>> -> memref<16x128xi32, #tpu.memory_space<vmem>>
          %dma_start3A_205 = arith.constant 0 : i32
          %dma_start3A_206 = tpu.memref_slice %arg4[%multiple_of3A, %dma_start3A_205] : memref<2560x128xi32, #tpu.memory_space<hbm>> -> memref<16x128xi32, #tpu.memory_space<hbm>>
          tpu.enqueue_dma source(%dma_start3A_206 : memref<16x128xi32, #tpu.memory_space<hbm>>) target(%dma_start3A_204 : memref<16x128xi32, #tpu.memory_space<vmem>>) target_semaphore(%run_scoped3A : memref<!tpu.dma_semaphore, #tpu.memory_space<semaphore_mem>>)
          %dma_wait3A_207 = arith.constant 0 : i32
          %dma_wait3A_208 = tpu.memref_slice %arg7[%mul3A_195, %dma_wait3A_207] : memref<32x128xi32, #tpu.memory_space<vmem>> -> memref<16x128xi32, #tpu.memory_space<vmem>>
          %dma_wait3A_209 = arith.constant 0 : i32
          %dma_wait3A_210 = tpu.memref_slice %arg4[%multiple_of3A, %dma_wait3A_209] : memref<2560x128xi32, #tpu.memory_space<hbm>> -> memref<16x128xi32, #tpu.memory_space<hbm>>
          %dma_wait3A_211 = arith.constant 0 : i32
          %dma_wait3A_212 = tpu.memref_slice %arg7[%mul3A_195, %dma_wait3A_211] : memref<32x128xi32, #tpu.memory_space<vmem>> -> memref<16x128xi32, #tpu.memory_space<vmem>>
          %dma_wait3A_213 = arith.constant 0 : i32
          %dma_wait3A_214 = tpu.memref_slice %arg4[%multiple_of3A, %dma_wait3A_213] : memref<2560x128xi32, #tpu.memory_space<hbm>> -> memref<16x128xi32, #tpu.memory_space<hbm>>
          tpu.wait_dma2 semaphore(%run_scoped3A : memref<!tpu.dma_semaphore, #tpu.memory_space<semaphore_mem>>) src(%dma_wait3A_214 : memref<16x128xi32, #tpu.memory_space<hbm>>) dst(%dma_wait3A_212 : memref<16x128xi32, #tpu.memory_space<vmem>>)
          tpu.yield
        }) : () -> ()
      } else {
      }
      %dma_wait3A = arith.constant 0 : i32
      %dma_wait3A_76 = arith.constant 0 : i32
      %dma_wait3A_77 = tpu.memref_slice %arg2[%dma_wait3A, %dma_wait3A_76] : memref<10000x128xf32, #tpu.memory_space<hbm>> -> memref<128x128xf32, #tpu.memory_space<hbm>>
      %dma_wait3A_78 = arith.constant 0 : i32
      %dma_wait3A_79 = arith.constant 0 : i32
      %dma_wait3A_80 = tpu.memref_slice %arg2[%dma_wait3A_78, %dma_wait3A_79] : memref<10000x128xf32, #tpu.memory_space<hbm>> -> memref<128x128xf32, #tpu.memory_space<hbm>>
      tpu.wait_dma2 semaphore(%arg11 : memref<!tpu.dma_semaphore, #tpu.memory_space<semaphore_mem>>) src(%dma_wait3A_80 : memref<128x128xf32, #tpu.memory_space<hbm>>) dst(%arg8 : memref<128x128xf32, #tpu.memory_space<vmem>>)
      %jit3A_81 = arith.constant 32 : i32
      %eq3A_82 = arith.constant 0 : i32
      %eq3A_83 = arith.cmpi eq, %jit3A_81, %eq3A_82 : i32
      %jit3A_84 = arith.constant 1 : i32
      %select_n3A_85 = arith.select %eq3A_83, %jit3A_84, %jit3A_81 : i32
      %rem3A_86 = arith.remsi %mul3A_56, %select_n3A_85 : i32
      %ne3A_87 = arith.constant 0 : i32
      %ne3A_88 = arith.cmpi ne, %rem3A_86, %ne3A_87 : i32
      %lt3A_89 = arith.constant 0 : i32
      %lt3A_90 = arith.cmpi slt, %rem3A_86, %lt3A_89 : i32
      %lt3A_91 = arith.constant 0 : i32
      %lt3A_92 = arith.cmpi slt, %select_n3A_85, %lt3A_91 : i32
      %ne3A_93 = arith.xori %lt3A_90, %lt3A_92 : i1
      %and3A_94 = arith.andi %ne3A_93, %ne3A_88 : i1
      %add3A_95 = arith.addi %rem3A_86, %select_n3A_85 : i32
      %select_n3A_96 = arith.select %and3A_94, %add3A_95, %rem3A_86 : i32
      %dma_start3A_97 = arith.constant 0 : i32
      %dma_start3A_98 = tpu.memref_slice %arg7[%select_n3A_96, %dma_start3A_97] : memref<32x128xi32, #tpu.memory_space<vmem>> -> memref<1x128xi32, #tpu.memory_space<vmem>>
      %dma_start3A_99 = tpu.memref_squeeze %dma_start3A_98 : memref<1x128xi32, #tpu.memory_space<vmem>> -> memref<128xi32, #tpu.memory_space<vmem>>
      %dma_start3A_100 = arith.constant 0 : i32
      %dma_start3A_101 = arith.constant 0 : i32
      %dma_start3A_102 = tpu.memref_slice %arg10[%dma_start3A_100, %dma_start3A_101] : memref<10240x128xf32, #tpu.memory_space<vmem_shared>> -> memref<10240x128xf32, #tpu.memory_space<vmem_shared>>
      tpu.enqueue_indirect_dma source(%arg8 : memref<128x128xf32, #tpu.memory_space<vmem>>) target(%dma_start3A_102 : memref<10240x128xf32, #tpu.memory_space<vmem_shared>>) offsets(%dma_start3A_99 : memref<128xi32, #tpu.memory_space<vmem>>) semaphore(%arg13 : memref<!tpu.dma_semaphore, #tpu.memory_space<semaphore_mem>>) {add = true}
      %dma_wait3A_103 = arith.constant 0 : i32
      %dma_wait3A_104 = arith.constant 0 : i32
      %dma_wait3A_105 = tpu.memref_slice %arg2[%dma_wait3A_103, %dma_wait3A_104] : memref<10000x128xf32, #tpu.memory_space<hbm>> -> memref<128x128xf32, #tpu.memory_space<hbm>>
      %dma_wait3A_106 = arith.constant 0 : i32
      %dma_wait3A_107 = arith.constant 0 : i32
      %dma_wait3A_108 = tpu.memref_slice %arg2[%dma_wait3A_106, %dma_wait3A_107] : memref<10000x128xf32, #tpu.memory_space<hbm>> -> memref<128x128xf32, #tpu.memory_space<hbm>>
      tpu.wait_dma2 semaphore(%arg12 : memref<!tpu.dma_semaphore, #tpu.memory_space<semaphore_mem>>) src(%dma_wait3A_108 : memref<128x128xf32, #tpu.memory_space<hbm>>) dst(%arg9 : memref<128x128xf32, #tpu.memory_space<vmem>>)
      %dma_wait3A_109 = arith.constant 0 : i32
      %dma_wait3A_110 = arith.constant 0 : i32
      %dma_wait3A_111 = tpu.memref_slice %arg5[%dma_wait3A_109, %dma_wait3A_110] : memref<20000x128xf32, #tpu.memory_space<hbm>> -> memref<128x128xf32, #tpu.memory_space<hbm>>
      %dma_wait3A_112 = arith.constant 0 : i32
      %dma_wait3A_113 = arith.constant 0 : i32
      %dma_wait3A_114 = tpu.memref_slice %arg5[%dma_wait3A_112, %dma_wait3A_113] : memref<20000x128xf32, #tpu.memory_space<hbm>> -> memref<128x128xf32, #tpu.memory_space<hbm>>
      tpu.wait_dma2 semaphore(%arg13 : memref<!tpu.dma_semaphore, #tpu.memory_space<semaphore_mem>>) src(%arg8 : memref<128x128xf32, #tpu.memory_space<vmem>>) dst(%dma_wait3A_114 : memref<128x128xf32, #tpu.memory_space<hbm>>)
      %lt3A_115 = arith.constant 39 : i32
      %lt3A_116 = arith.cmpi slt, %scan3A_54, %lt3A_115 : i32
      %convert_element_type3A_117 = arith.extui %lt3A_116 : i1 to i32
      %cond3A_118 = arith.constant 0 : i32
      %cond3A_119 = arith.cmpi ne, %convert_element_type3A_117, %cond3A_118 : i32
      scf.if %cond3A_119 {
        %add3A_155 = arith.constant 2 : i32
        %add3A_156 = arith.addi %mul3A_56, %add3A_155 : i32
        %jit3A_157 = arith.constant 32 : i32
        %eq3A_158 = arith.constant 0 : i32
        %eq3A_159 = arith.cmpi eq, %jit3A_157, %eq3A_158 : i32
        %jit3A_160 = arith.constant 1 : i32
        %select_n3A_161 = arith.select %eq3A_159, %jit3A_160, %jit3A_157 : i32
        %rem3A_162 = arith.remsi %add3A_156, %select_n3A_161 : i32
        %ne3A_163 = arith.constant 0 : i32
        %ne3A_164 = arith.cmpi ne, %rem3A_162, %ne3A_163 : i32
        %lt3A_165 = arith.constant 0 : i32
        %lt3A_166 = arith.cmpi slt, %rem3A_162, %lt3A_165 : i32
        %lt3A_167 = arith.constant 0 : i32
        %lt3A_168 = arith.cmpi slt, %select_n3A_161, %lt3A_167 : i32
        %ne3A_169 = arith.xori %lt3A_166, %lt3A_168 : i1
        %and3A_170 = arith.andi %ne3A_169, %ne3A_164 : i1
        %add3A_171 = arith.addi %rem3A_162, %select_n3A_161 : i32
        %select_n3A_172 = arith.select %and3A_170, %add3A_171, %rem3A_162 : i32
        %dma_start3A_173 = arith.constant 0 : i32
        %dma_start3A_174 = tpu.memref_slice %arg6[%select_n3A_172, %dma_start3A_173] : memref<32x128xi32, #tpu.memory_space<vmem>> -> memref<1x128xi32, #tpu.memory_space<vmem>>
        %dma_start3A_175 = tpu.memref_squeeze %dma_start3A_174 : memref<1x128xi32, #tpu.memory_space<vmem>> -> memref<128xi32, #tpu.memory_space<vmem>>
        %dma_start3A_176 = arith.constant 0 : i32
        %dma_start3A_177 = arith.constant 0 : i32
        %dma_start3A_178 = tpu.memref_slice %arg2[%dma_start3A_176, %dma_start3A_177] : memref<10000x128xf32, #tpu.memory_space<hbm>> -> memref<10000x128xf32, #tpu.memory_space<hbm>>
        tpu.enqueue_indirect_dma source(%dma_start3A_178 : memref<10000x128xf32, #tpu.memory_space<hbm>>) target(%arg8 : memref<128x128xf32, #tpu.memory_space<vmem>>) offsets(%dma_start3A_175 : memref<128xi32, #tpu.memory_space<vmem>>) semaphore(%arg11 : memref<!tpu.dma_semaphore, #tpu.memory_space<semaphore_mem>>)
      } else {
      }
      %add3A_120 = arith.constant 1 : i32
      %add3A_121 = arith.addi %mul3A_56, %add3A_120 : i32
      %jit3A_122 = arith.constant 32 : i32
      %eq3A_123 = arith.constant 0 : i32
      %eq3A_124 = arith.cmpi eq, %jit3A_122, %eq3A_123 : i32
      %jit3A_125 = arith.constant 1 : i32
      %select_n3A_126 = arith.select %eq3A_124, %jit3A_125, %jit3A_122 : i32
      %rem3A_127 = arith.remsi %add3A_121, %select_n3A_126 : i32
      %ne3A_128 = arith.constant 0 : i32
      %ne3A_129 = arith.cmpi ne, %rem3A_127, %ne3A_128 : i32
      %lt3A_130 = arith.constant 0 : i32
      %lt3A_131 = arith.cmpi slt, %rem3A_127, %lt3A_130 : i32
      %lt3A_132 = arith.constant 0 : i32
      %lt3A_133 = arith.cmpi slt, %select_n3A_126, %lt3A_132 : i32
      %ne3A_134 = arith.xori %lt3A_131, %lt3A_133 : i1
      %and3A_135 = arith.andi %ne3A_134, %ne3A_129 : i1
      %add3A_136 = arith.addi %rem3A_127, %select_n3A_126 : i32
      %select_n3A_137 = arith.select %and3A_135, %add3A_136, %rem3A_127 : i32
      %dma_start3A_138 = arith.constant 0 : i32
      %dma_start3A_139 = tpu.memref_slice %arg7[%select_n3A_137, %dma_start3A_138] : memref<32x128xi32, #tpu.memory_space<vmem>> -> memref<1x128xi32, #tpu.memory_space<vmem>>
      %dma_start3A_140 = tpu.memref_squeeze %dma_start3A_139 : memref<1x128xi32, #tpu.memory_space<vmem>> -> memref<128xi32, #tpu.memory_space<vmem>>
      %dma_start3A_141 = arith.constant 0 : i32
      %dma_start3A_142 = arith.constant 0 : i32
      %dma_start3A_143 = tpu.memref_slice %arg10[%dma_start3A_141, %dma_start3A_142] : memref<10240x128xf32, #tpu.memory_space<vmem_shared>> -> memref<10240x128xf32, #tpu.memory_space<vmem_shared>>
      tpu.enqueue_indirect_dma source(%arg9 : memref<128x128xf32, #tpu.memory_space<vmem>>) target(%dma_start3A_143 : memref<10240x128xf32, #tpu.memory_space<vmem_shared>>) offsets(%dma_start3A_140 : memref<128xi32, #tpu.memory_space<vmem>>) semaphore(%arg14 : memref<!tpu.dma_semaphore, #tpu.memory_space<semaphore_mem>>) {add = true}
      %dma_wait3A_144 = arith.constant 0 : i32
      %dma_wait3A_145 = arith.constant 0 : i32
      %dma_wait3A_146 = tpu.memref_slice %arg5[%dma_wait3A_144, %dma_wait3A_145] : memref<20000x128xf32, #tpu.memory_space<hbm>> -> memref<128x128xf32, #tpu.memory_space<hbm>>
      %dma_wait3A_147 = arith.constant 0 : i32
      %dma_wait3A_148 = arith.constant 0 : i32
      %dma_wait3A_149 = tpu.memref_slice %arg5[%dma_wait3A_147, %dma_wait3A_148] : memref<20000x128xf32, #tpu.memory_space<hbm>> -> memref<128x128xf32, #tpu.memory_space<hbm>>
      tpu.wait_dma2 semaphore(%arg14 : memref<!tpu.dma_semaphore, #tpu.memory_space<semaphore_mem>>) src(%arg9 : memref<128x128xf32, #tpu.memory_space<vmem>>) dst(%dma_wait3A_149 : memref<128x128xf32, #tpu.memory_space<hbm>>)
      %lt3A_150 = arith.constant 39 : i32
      %lt3A_151 = arith.cmpi slt, %scan3A_54, %lt3A_150 : i32
      %convert_element_type3A_152 = arith.extui %lt3A_151 : i1 to i32
      %cond3A_153 = arith.constant 0 : i32
      %cond3A_154 = arith.cmpi ne, %convert_element_type3A_152, %cond3A_153 : i32
      scf.if %cond3A_154 {
        %add3A_155 = arith.constant 3 : i32
        %add3A_156 = arith.addi %mul3A_56, %add3A_155 : i32
        %jit3A_157 = arith.constant 32 : i32
        %eq3A_158 = arith.constant 0 : i32
        %eq3A_159 = arith.cmpi eq, %jit3A_157, %eq3A_158 : i32
        %jit3A_160 = arith.constant 1 : i32
        %select_n3A_161 = arith.select %eq3A_159, %jit3A_160, %jit3A_157 : i32
        %rem3A_162 = arith.remsi %add3A_156, %select_n3A_161 : i32
        %ne3A_163 = arith.constant 0 : i32
        %ne3A_164 = arith.cmpi ne, %rem3A_162, %ne3A_163 : i32
        %lt3A_165 = arith.constant 0 : i32
        %lt3A_166 = arith.cmpi slt, %rem3A_162, %lt3A_165 : i32
        %lt3A_167 = arith.constant 0 : i32
        %lt3A_168 = arith.cmpi slt, %select_n3A_161, %lt3A_167 : i32
        %ne3A_169 = arith.xori %lt3A_166, %lt3A_168 : i1
        %and3A_170 = arith.andi %ne3A_169, %ne3A_164 : i1
        %add3A_171 = arith.addi %rem3A_162, %select_n3A_161 : i32
        %select_n3A_172 = arith.select %and3A_170, %add3A_171, %rem3A_162 : i32
        %dma_start3A_173 = arith.constant 0 : i32
        %dma_start3A_174 = tpu.memref_slice %arg6[%select_n3A_172, %dma_start3A_173] : memref<32x128xi32, #tpu.memory_space<vmem>> -> memref<1x128xi32, #tpu.memory_space<vmem>>
        %dma_start3A_175 = tpu.memref_squeeze %dma_start3A_174 : memref<1x128xi32, #tpu.memory_space<vmem>> -> memref<128xi32, #tpu.memory_space<vmem>>
        %dma_start3A_176 = arith.constant 0 : i32
        %dma_start3A_177 = arith.constant 0 : i32
        %dma_start3A_178 = tpu.memref_slice %arg2[%dma_start3A_176, %dma_start3A_177] : memref<10000x128xf32, #tpu.memory_space<hbm>> -> memref<10000x128xf32, #tpu.memory_space<hbm>>
        tpu.enqueue_indirect_dma source(%dma_start3A_178 : memref<10000x128xf32, #tpu.memory_space<hbm>>) target(%arg9 : memref<128x128xf32, #tpu.memory_space<vmem>>) offsets(%dma_start3A_175 : memref<128xi32, #tpu.memory_space<vmem>>) semaphore(%arg12 : memref<!tpu.dma_semaphore, #tpu.memory_space<semaphore_mem>>)
      } else {
      }
    }
    %scan3A_46 = arith.constant 40 : i32
    %barrier3A_47 = arith.constant 0 : index
    tpu.barrier barrier_id(%barrier3A_47)
    %lt3A = arith.constant 15 : i32
    %lt3A_48 = arith.cmpi slt, %arg1, %lt3A : i32
    %convert_element_type3A = arith.extui %lt3A_48 : i1 to i32
    %cond3A = arith.constant 0 : i32
    %cond3A_49 = arith.cmpi ne, %convert_element_type3A, %cond3A : i32
    scf.if %cond3A_49 {
      %mul3A_54 = arith.constant 624 : i32
      %mul3A_55 = arith.muli %arg1, %mul3A_54 : i32
      %mul3A_56 = arith.constant 10000 : i32
      %mul3A_57 = arith.muli %arg0, %mul3A_56 : i32
      %mul3A_58 = arith.constant 624 : i32
      %mul3A_59 = arith.muli %arg1, %mul3A_58 : i32
      %add3A_60 = arith.addi %mul3A_57, %mul3A_59 : i32
      "tpu.region"() ({
        %run_scoped3A = tpu.sem_alloc : memref<!tpu.dma_semaphore, #tpu.memory_space<semaphore_mem>>
        %dma_start3A_61 = arith.constant 0 : i32
        %dma_start3A_62 = tpu.memref_slice %arg5[%add3A_60, %dma_start3A_61] : memref<20000x128xf32, #tpu.memory_space<hbm>> -> memref<624x128xf32, #tpu.memory_space<hbm>>
        %dma_start3A_63 = arith.constant 0 : i32
        %dma_start3A_64 = tpu.memref_slice %arg10[%mul3A_55, %dma_start3A_63] : memref<10240x128xf32, #tpu.memory_space<vmem_shared>> -> memref<624x128xf32, #tpu.memory_space<vmem_shared>>
        tpu.enqueue_dma source(%dma_start3A_64 : memref<624x128xf32, #tpu.memory_space<vmem_shared>>) target(%dma_start3A_62 : memref<624x128xf32, #tpu.memory_space<hbm>>) target_semaphore(%run_scoped3A : memref<!tpu.dma_semaphore, #tpu.memory_space<semaphore_mem>>)
        %dma_wait3A = arith.constant 0 : i32
        %dma_wait3A_65 = tpu.memref_slice %arg5[%add3A_60, %dma_wait3A] : memref<20000x128xf32, #tpu.memory_space<hbm>> -> memref<624x128xf32, #tpu.memory_space<hbm>>
        %dma_wait3A_66 = arith.constant 0 : i32
        %dma_wait3A_67 = tpu.memref_slice %arg10[%mul3A_55, %dma_wait3A_66] : memref<10240x128xf32, #tpu.memory_space<vmem_shared>> -> memref<624x128xf32, #tpu.memory_space<vmem_shared>>
        tpu.wait_dma2 semaphore(%run_scoped3A : memref<!tpu.dma_semaphore, #tpu.memory_space<semaphore_mem>>) src(%dma_wait3A_67 : memref<624x128xf32, #tpu.memory_space<vmem_shared>>) dst(%dma_wait3A_65 : memref<624x128xf32, #tpu.memory_space<hbm>>)
        tpu.yield
      }) : () -> ()
    } else {
    }
    %eq3A = arith.constant 15 : i32
    %eq3A_50 = arith.cmpi eq, %arg1, %eq3A : i32
    %convert_element_type3A_51 = arith.extui %eq3A_50 : i1 to i32
    %cond3A_52 = arith.constant 0 : i32
    %cond3A_53 = arith.cmpi ne, %convert_element_type3A_51, %cond3A_52 : i32
    scf.if %cond3A_53 {
      %mul3A_54 = arith.constant 10000 : i32
      %mul3A_55 = arith.muli %arg0, %mul3A_54 : i32
      %add3A_56 = arith.constant 9360 : i32
      %add3A_57 = arith.addi %mul3A_55, %add3A_56 : i32
      "tpu.region"() ({
        %run_scoped3A = tpu.sem_alloc : memref<!tpu.dma_semaphore, #tpu.memory_space<semaphore_mem>>
        %dma_start3A_58 = arith.constant 0 : i32
        %dma_start3A_59 = tpu.memref_slice %arg5[%add3A_57, %dma_start3A_58] : memref<20000x128xf32, #tpu.memory_space<hbm>> -> memref<640x128xf32, #tpu.memory_space<hbm>>
        %dma_start3A_60 = arith.constant 9360 : i32
        %dma_start3A_61 = arith.constant 0 : i32
        %dma_start3A_62 = tpu.memref_slice %arg10[%dma_start3A_60, %dma_start3A_61] : memref<10240x128xf32, #tpu.memory_space<vmem_shared>> -> memref<640x128xf32, #tpu.memory_space<vmem_shared>>
        tpu.enqueue_dma source(%dma_start3A_62 : memref<640x128xf32, #tpu.memory_space<vmem_shared>>) target(%dma_start3A_59 : memref<640x128xf32, #tpu.memory_space<hbm>>) target_semaphore(%run_scoped3A : memref<!tpu.dma_semaphore, #tpu.memory_space<semaphore_mem>>)
        %dma_wait3A = arith.constant 0 : i32
        %dma_wait3A_63 = tpu.memref_slice %arg5[%add3A_57, %dma_wait3A] : memref<20000x128xf32, #tpu.memory_space<hbm>> -> memref<640x128xf32, #tpu.memory_space<hbm>>
        %dma_wait3A_64 = arith.constant 9360 : i32
        %dma_wait3A_65 = arith.constant 0 : i32
        %dma_wait3A_66 = tpu.memref_slice %arg10[%dma_wait3A_64, %dma_wait3A_65] : memref<10240x128xf32, #tpu.memory_space<vmem_shared>> -> memref<640x128xf32, #tpu.memory_space<vmem_shared>>
        tpu.wait_dma2 semaphore(%run_scoped3A : memref<!tpu.dma_semaphore, #tpu.memory_space<semaphore_mem>>) src(%dma_wait3A_66 : memref<640x128xf32, #tpu.memory_space<vmem_shared>>) dst(%dma_wait3A_63 : memref<640x128xf32, #tpu.memory_space<hbm>>)
        tpu.yield
      }) : () -> ()
    } else {
    }
    return
  }
}

#map = affine_map<(d0, d1) -> (0, 0)>
module attributes {stable_mosaic.version = 14 : i64} {
  func.func @k(%arg0: i32, %arg1: i32, %arg2: memref<10000x128xf32, #tpu.memory_space<hbm>>, %arg3: memref<2560x128xi32, #tpu.memory_space<hbm>>, %arg4: memref<2560x128xi32, #tpu.memory_space<hbm>>, %arg5: memref<20000x128xf32, #tpu.memory_space<hbm>>, %arg6: memref<32x128xi32, #tpu.memory_space<vmem>>, %arg7: memref<32x128xi32, #tpu.memory_space<vmem>>, %arg8: memref<128x128xf32, #tpu.memory_space<vmem>>, %arg9: memref<128x128xf32, #tpu.memory_space<vmem>>, %arg10: memref<10240x128xf32, #tpu.memory_space<vmem_shared>>, %arg11: memref<!tpu.dma_semaphore, #tpu.memory_space<semaphore_mem>>, %arg12: memref<!tpu.dma_semaphore, #tpu.memory_space<semaphore_mem>>, %arg13: memref<!tpu.dma_semaphore, #tpu.memory_space<semaphore_mem>>, %arg14: memref<!tpu.dma_semaphore, #tpu.memory_space<semaphore_mem>>) attributes {dimension_semantics = [#tpu.dimension_semantics<core_parallel>, #tpu.dimension_semantics<subcore_parallel>], iteration_bounds = array<i64: 2, 16>, scalar_prefetch = 0 : i64, scratch_operands = 9 : i64, tpu.core_type = #tpu.core_type<sc_vector_subcore>, window_params = [{transform_indices = #map}, {transform_indices = #map}, {transform_indices = #map}, {transform_indices = #map}]} {
    %mul3A = arith.constant 16 : i32
    %mul3A_0 = arith.muli %arg0, %mul3A : i32
    %add3A = arith.addi %mul3A_0, %arg1 : i32
    %mul3A_1 = arith.constant 80 : i32
    %mul3A_2 = arith.muli %add3A, %mul3A_1 : i32
    "tpu.region"() ({
      %run_scoped3A = tpu.sem_alloc : memref<!tpu.dma_semaphore, #tpu.memory_space<semaphore_mem>>
      %dma_start3A_54 = arith.constant 0 : i32
      %dma_start3A_55 = arith.constant 0 : i32
      %dma_start3A_56 = tpu.memref_slice %arg6[%dma_start3A_54, %dma_start3A_55] : memref<32x128xi32, #tpu.memory_space<vmem>> -> memref<16x128xi32, #tpu.memory_space<vmem>>
      %dma_start3A_57 = arith.constant 0 : i32
      %dma_start3A_58 = tpu.memref_slice %arg3[%mul3A_2, %dma_start3A_57] : memref<2560x128xi32, #tpu.memory_space<hbm>> -> memref<16x128xi32, #tpu.memory_space<hbm>>
      %dma_start3A_59 = arith.constant 0 : i32
      %dma_start3A_60 = arith.constant 0 : i32
      %dma_start3A_61 = tpu.memref_slice %arg6[%dma_start3A_59, %dma_start3A_60] : memref<32x128xi32, #tpu.memory_space<vmem>> -> memref<16x128xi32, #tpu.memory_space<vmem>>
      %dma_start3A_62 = arith.constant 0 : i32
      %dma_start3A_63 = tpu.memref_slice %arg3[%mul3A_2, %dma_start3A_62] : memref<2560x128xi32, #tpu.memory_space<hbm>> -> memref<16x128xi32, #tpu.memory_space<hbm>>
      tpu.enqueue_dma source(%dma_start3A_63 : memref<16x128xi32, #tpu.memory_space<hbm>>) target(%dma_start3A_61 : memref<16x128xi32, #tpu.memory_space<vmem>>) target_semaphore(%run_scoped3A : memref<!tpu.dma_semaphore, #tpu.memory_space<semaphore_mem>>)
      %dma_wait3A = arith.constant 0 : i32
      %dma_wait3A_64 = arith.constant 0 : i32
      %dma_wait3A_65 = tpu.memref_slice %arg6[%dma_wait3A, %dma_wait3A_64] : memref<32x128xi32, #tpu.memory_space<vmem>> -> memref<16x128xi32, #tpu.memory_space<vmem>>
      %dma_wait3A_66 = arith.constant 0 : i32
      %dma_wait3A_67 = tpu.memref_slice %arg3[%mul3A_2, %dma_wait3A_66] : memref<2560x128xi32, #tpu.memory_space<hbm>> -> memref<16x128xi32, #tpu.memory_space<hbm>>
      %dma_wait3A_68 = arith.constant 0 : i32
      %dma_wait3A_69 = arith.constant 0 : i32
      %dma_wait3A_70 = tpu.memref_slice %arg6[%dma_wait3A_68, %dma_wait3A_69] : memref<32x128xi32, #tpu.memory_space<vmem>> -> memref<16x128xi32, #tpu.memory_space<vmem>>
      %dma_wait3A_71 = arith.constant 0 : i32
      %dma_wait3A_72 = tpu.memref_slice %arg3[%mul3A_2, %dma_wait3A_71] : memref<2560x128xi32, #tpu.memory_space<hbm>> -> memref<16x128xi32, #tpu.memory_space<hbm>>
      tpu.wait_dma2 semaphore(%run_scoped3A : memref<!tpu.dma_semaphore, #tpu.memory_space<semaphore_mem>>) src(%dma_wait3A_72 : memref<16x128xi32, #tpu.memory_space<hbm>>) dst(%dma_wait3A_70 : memref<16x128xi32, #tpu.memory_space<vmem>>)
      tpu.yield
    }) : () -> ()
    "tpu.region"() ({
      %run_scoped3A = tpu.sem_alloc : memref<!tpu.dma_semaphore, #tpu.memory_space<semaphore_mem>>
      %dma_start3A_54 = arith.constant 0 : i32
      %dma_start3A_55 = arith.constant 0 : i32
      %dma_start3A_56 = tpu.memref_slice %arg7[%dma_start3A_54, %dma_start3A_55] : memref<32x128xi32, #tpu.memory_space<vmem>> -> memref<16x128xi32, #tpu.memory_space<vmem>>
      %dma_start3A_57 = arith.constant 0 : i32
      %dma_start3A_58 = tpu.memref_slice %arg4[%mul3A_2, %dma_start3A_57] : memref<2560x128xi32, #tpu.memory_space<hbm>> -> memref<16x128xi32, #tpu.memory_space<hbm>>
      %dma_start3A_59 = arith.constant 0 : i32
      %dma_start3A_60 = arith.constant 0 : i32
      %dma_start3A_61 = tpu.memref_slice %arg7[%dma_start3A_59, %dma_start3A_60] : memref<32x128xi32, #tpu.memory_space<vmem>> -> memref<16x128xi32, #tpu.memory_space<vmem>>
      %dma_start3A_62 = arith.constant 0 : i32
      %dma_start3A_63 = tpu.memref_slice %arg4[%mul3A_2, %dma_start3A_62] : memref<2560x128xi32, #tpu.memory_space<hbm>> -> memref<16x128xi32, #tpu.memory_space<hbm>>
      tpu.enqueue_dma source(%dma_start3A_63 : memref<16x128xi32, #tpu.memory_space<hbm>>) target(%dma_start3A_61 : memref<16x128xi32, #tpu.memory_space<vmem>>) target_semaphore(%run_scoped3A : memref<!tpu.dma_semaphore, #tpu.memory_space<semaphore_mem>>)
      %dma_wait3A = arith.constant 0 : i32
      %dma_wait3A_64 = arith.constant 0 : i32
      %dma_wait3A_65 = tpu.memref_slice %arg7[%dma_wait3A, %dma_wait3A_64] : memref<32x128xi32, #tpu.memory_space<vmem>> -> memref<16x128xi32, #tpu.memory_space<vmem>>
      %dma_wait3A_66 = arith.constant 0 : i32
      %dma_wait3A_67 = tpu.memref_slice %arg4[%mul3A_2, %dma_wait3A_66] : memref<2560x128xi32, #tpu.memory_space<hbm>> -> memref<16x128xi32, #tpu.memory_space<hbm>>
      %dma_wait3A_68 = arith.constant 0 : i32
      %dma_wait3A_69 = arith.constant 0 : i32
      %dma_wait3A_70 = tpu.memref_slice %arg7[%dma_wait3A_68, %dma_wait3A_69] : memref<32x128xi32, #tpu.memory_space<vmem>> -> memref<16x128xi32, #tpu.memory_space<vmem>>
      %dma_wait3A_71 = arith.constant 0 : i32
      %dma_wait3A_72 = tpu.memref_slice %arg4[%mul3A_2, %dma_wait3A_71] : memref<2560x128xi32, #tpu.memory_space<hbm>> -> memref<16x128xi32, #tpu.memory_space<hbm>>
      tpu.wait_dma2 semaphore(%run_scoped3A : memref<!tpu.dma_semaphore, #tpu.memory_space<semaphore_mem>>) src(%dma_wait3A_72 : memref<16x128xi32, #tpu.memory_space<hbm>>) dst(%dma_wait3A_70 : memref<16x128xi32, #tpu.memory_space<vmem>>)
      tpu.yield
    }) : () -> ()
    %dma_start3A = arith.constant 1 : i32
    %dma_start3A_3 = arith.constant 0 : i32
    %dma_start3A_4 = tpu.memref_slice %arg6[%dma_start3A, %dma_start3A_3] : memref<32x128xi32, #tpu.memory_space<vmem>> -> memref<1x128xi32, #tpu.memory_space<vmem>>
    %dma_start3A_5 = tpu.memref_squeeze %dma_start3A_4 : memref<1x128xi32, #tpu.memory_space<vmem>> -> memref<128xi32, #tpu.memory_space<vmem>>
    %dma_start3A_6 = arith.constant 0 : i32
    %dma_start3A_7 = arith.constant 0 : i32
    %dma_start3A_8 = tpu.memref_slice %arg2[%dma_start3A_6, %dma_start3A_7] : memref<10000x128xf32, #tpu.memory_space<hbm>> -> memref<10000x128xf32, #tpu.memory_space<hbm>>
    tpu.enqueue_indirect_dma source(%dma_start3A_8 : memref<10000x128xf32, #tpu.memory_space<hbm>>) target(%arg9 : memref<128x128xf32, #tpu.memory_space<vmem>>) offsets(%dma_start3A_5 : memref<128xi32, #tpu.memory_space<vmem>>) semaphore(%arg12 : memref<!tpu.dma_semaphore, #tpu.memory_space<semaphore_mem>>)
    %scan3A = arith.constant 0 : i32
    %scan3A_9 = arith.constant 0 : i32
    %scan3A_10 = arith.constant 128 : i32
    %scan3A_11 = arith.addi %scan3A_9, %scan3A_10 : i32
    %scan3A_12 = arith.constant 1 : i32
    scf.for %scan3A_54 = %scan3A_9 to %scan3A_11 step %scan3A_12  : i32 {
      %broadcast_in_dim3A = arith.constant 0.000000e+00 : f32
      %broadcast_in_dim3A_55 = vector.broadcast %broadcast_in_dim3A : f32 to vector<16xf32>
      %swap3A = arith.index_cast %scan3A_54 : i32 to index
      %swap3A_56 = arith.constant 0 : index
      %swap3A_57 = tpu.vector_load %arg8[%swap3A, %swap3A_56] {strides = array<i32>} : memref<128x128xf32, #tpu.memory_space<vmem>>, vector<1x16xf32>,
      %swap3A_58 = vector.shape_cast %swap3A_57 : vector<1x16xf32> to vector<16xf32>
      %swap3A_59 = vector.shape_cast %broadcast_in_dim3A_55 : vector<16xf32> to vector<1x16xf32>
      tpu.vector_store %arg8[%swap3A, %swap3A_56], %swap3A_59 {strides = array<i32>} : memref<128x128xf32, #tpu.memory_space<vmem>>, vector<1x16xf32>,
      %broadcast_in_dim3A_60 = arith.constant 0.000000e+00 : f32
      %broadcast_in_dim3A_61 = vector.broadcast %broadcast_in_dim3A_60 : f32 to vector<16xf32>
      %swap3A_62 = arith.index_cast %scan3A_54 : i32 to index
      %swap3A_63 = arith.constant 16 : index
      %swap3A_64 = tpu.vector_load %arg8[%swap3A_62, %swap3A_63] {strides = array<i32>} : memref<128x128xf32, #tpu.memory_space<vmem>>, vector<1x16xf32>,
      %swap3A_65 = vector.shape_cast %swap3A_64 : vector<1x16xf32> to vector<16xf32>
      %swap3A_66 = vector.shape_cast %broadcast_in_dim3A_61 : vector<16xf32> to vector<1x16xf32>
      tpu.vector_store %arg8[%swap3A_62, %swap3A_63], %swap3A_66 {strides = array<i32>} : memref<128x128xf32, #tpu.memory_space<vmem>>, vector<1x16xf32>,
      %broadcast_in_dim3A_67 = arith.constant 0.000000e+00 : f32
      %broadcast_in_dim3A_68 = vector.broadcast %broadcast_in_dim3A_67 : f32 to vector<16xf32>
      %swap3A_69 = arith.index_cast %scan3A_54 : i32 to index
      %swap3A_70 = arith.constant 32 : index
      %swap3A_71 = tpu.vector_load %arg8[%swap3A_69, %swap3A_70] {strides = array<i32>} : memref<128x128xf32, #tpu.memory_space<vmem>>, vector<1x16xf32>,
      %swap3A_72 = vector.shape_cast %swap3A_71 : vector<1x16xf32> to vector<16xf32>
      %swap3A_73 = vector.shape_cast %broadcast_in_dim3A_68 : vector<16xf32> to vector<1x16xf32>
      tpu.vector_store %arg8[%swap3A_69, %swap3A_70], %swap3A_73 {strides = array<i32>} : memref<128x128xf32, #tpu.memory_space<vmem>>, vector<1x16xf32>,
      %broadcast_in_dim3A_74 = arith.constant 0.000000e+00 : f32
      %broadcast_in_dim3A_75 = vector.broadcast %broadcast_in_dim3A_74 : f32 to vector<16xf32>
      %swap3A_76 = arith.index_cast %scan3A_54 : i32 to index
      %swap3A_77 = arith.constant 48 : index
      %swap3A_78 = tpu.vector_load %arg8[%swap3A_76, %swap3A_77] {strides = array<i32>} : memref<128x128xf32, #tpu.memory_space<vmem>>, vector<1x16xf32>,
      %swap3A_79 = vector.shape_cast %swap3A_78 : vector<1x16xf32> to vector<16xf32>
      %swap3A_80 = vector.shape_cast %broadcast_in_dim3A_75 : vector<16xf32> to vector<1x16xf32>
      tpu.vector_store %arg8[%swap3A_76, %swap3A_77], %swap3A_80 {strides = array<i32>} : memref<128x128xf32, #tpu.memory_space<vmem>>, vector<1x16xf32>,
      %broadcast_in_dim3A_81 = arith.constant 0.000000e+00 : f32
      %broadcast_in_dim3A_82 = vector.broadcast %broadcast_in_dim3A_81 : f32 to vector<16xf32>
      %swap3A_83 = arith.index_cast %scan3A_54 : i32 to index
      %swap3A_84 = arith.constant 64 : index
      %swap3A_85 = tpu.vector_load %arg8[%swap3A_83, %swap3A_84] {strides = array<i32>} : memref<128x128xf32, #tpu.memory_space<vmem>>, vector<1x16xf32>,
      %swap3A_86 = vector.shape_cast %swap3A_85 : vector<1x16xf32> to vector<16xf32>
      %swap3A_87 = vector.shape_cast %broadcast_in_dim3A_82 : vector<16xf32> to vector<1x16xf32>
      tpu.vector_store %arg8[%swap3A_83, %swap3A_84], %swap3A_87 {strides = array<i32>} : memref<128x128xf32, #tpu.memory_space<vmem>>, vector<1x16xf32>,
      %broadcast_in_dim3A_88 = arith.constant 0.000000e+00 : f32
      %broadcast_in_dim3A_89 = vector.broadcast %broadcast_in_dim3A_88 : f32 to vector<16xf32>
      %swap3A_90 = arith.index_cast %scan3A_54 : i32 to index
      %swap3A_91 = arith.constant 80 : index
      %swap3A_92 = tpu.vector_load %arg8[%swap3A_90, %swap3A_91] {strides = array<i32>} : memref<128x128xf32, #tpu.memory_space<vmem>>, vector<1x16xf32>,
      %swap3A_93 = vector.shape_cast %swap3A_92 : vector<1x16xf32> to vector<16xf32>
      %swap3A_94 = vector.shape_cast %broadcast_in_dim3A_89 : vector<16xf32> to vector<1x16xf32>
      tpu.vector_store %arg8[%swap3A_90, %swap3A_91], %swap3A_94 {strides = array<i32>} : memref<128x128xf32, #tpu.memory_space<vmem>>, vector<1x16xf32>,
      %broadcast_in_dim3A_95 = arith.constant 0.000000e+00 : f32
      %broadcast_in_dim3A_96 = vector.broadcast %broadcast_in_dim3A_95 : f32 to vector<16xf32>
      %swap3A_97 = arith.index_cast %scan3A_54 : i32 to index
      %swap3A_98 = arith.constant 96 : index
      %swap3A_99 = tpu.vector_load %arg8[%swap3A_97, %swap3A_98] {strides = array<i32>} : memref<128x128xf32, #tpu.memory_space<vmem>>, vector<1x16xf32>,
      %swap3A_100 = vector.shape_cast %swap3A_99 : vector<1x16xf32> to vector<16xf32>
      %swap3A_101 = vector.shape_cast %broadcast_in_dim3A_96 : vector<16xf32> to vector<1x16xf32>
      tpu.vector_store %arg8[%swap3A_97, %swap3A_98], %swap3A_101 {strides = array<i32>} : memref<128x128xf32, #tpu.memory_space<vmem>>, vector<1x16xf32>,
      %broadcast_in_dim3A_102 = arith.constant 0.000000e+00 : f32
      %broadcast_in_dim3A_103 = vector.broadcast %broadcast_in_dim3A_102 : f32 to vector<16xf32>
      %swap3A_104 = arith.index_cast %scan3A_54 : i32 to index
      %swap3A_105 = arith.constant 112 : index
      %swap3A_106 = tpu.vector_load %arg8[%swap3A_104, %swap3A_105] {strides = array<i32>} : memref<128x128xf32, #tpu.memory_space<vmem>>, vector<1x16xf32>,
      %swap3A_107 = vector.shape_cast %swap3A_106 : vector<1x16xf32> to vector<16xf32>
      %swap3A_108 = vector.shape_cast %broadcast_in_dim3A_103 : vector<16xf32> to vector<1x16xf32>
      tpu.vector_store %arg8[%swap3A_104, %swap3A_105], %swap3A_108 {strides = array<i32>} : memref<128x128xf32, #tpu.memory_space<vmem>>, vector<1x16xf32>,
    }
    %scan3A_13 = arith.constant 128 : i32
    %mul3A_14 = arith.constant 640 : i32
    %mul3A_15 = arith.muli %arg1, %mul3A_14 : i32
    %add3A_16 = arith.constant 0 : i32
    %add3A_17 = arith.addi %mul3A_15, %add3A_16 : i32
    "tpu.region"() ({
      %run_scoped3A = tpu.sem_alloc : memref<!tpu.dma_semaphore, #tpu.memory_space<semaphore_mem>>
      %dma_start3A_54 = arith.constant 0 : i32
      %dma_start3A_55 = tpu.memref_slice %arg10[%add3A_17, %dma_start3A_54] : memref<10240x128xf32, #tpu.memory_space<vmem_shared>> -> memref<128x128xf32, #tpu.memory_space<vmem_shared>>
      %dma_start3A_56 = arith.constant 0 : i32
      %dma_start3A_57 = tpu.memref_slice %arg10[%add3A_17, %dma_start3A_56] : memref<10240x128xf32, #tpu.memory_space<vmem_shared>> -> memref<128x128xf32, #tpu.memory_space<vmem_shared>>
      tpu.enqueue_dma source(%arg8 : memref<128x128xf32, #tpu.memory_space<vmem>>) target(%dma_start3A_57 : memref<128x128xf32, #tpu.memory_space<vmem_shared>>) target_semaphore(%run_scoped3A : memref<!tpu.dma_semaphore, #tpu.memory_space<semaphore_mem>>)
      %dma_wait3A = arith.constant 0 : i32
      %dma_wait3A_58 = tpu.memref_slice %arg10[%add3A_17, %dma_wait3A] : memref<10240x128xf32, #tpu.memory_space<vmem_shared>> -> memref<128x128xf32, #tpu.memory_space<vmem_shared>>
      %dma_wait3A_59 = arith.constant 0 : i32
      %dma_wait3A_60 = tpu.memref_slice %arg10[%add3A_17, %dma_wait3A_59] : memref<10240x128xf32, #tpu.memory_space<vmem_shared>> -> memref<128x128xf32, #tpu.memory_space<vmem_shared>>
      tpu.wait_dma2 semaphore(%run_scoped3A : memref<!tpu.dma_semaphore, #tpu.memory_space<semaphore_mem>>) src(%arg8 : memref<128x128xf32, #tpu.memory_space<vmem>>) dst(%dma_wait3A_60 : memref<128x128xf32, #tpu.memory_space<vmem_shared>>)
      tpu.yield
    }) : () -> ()
    %mul3A_18 = arith.constant 640 : i32
    %mul3A_19 = arith.muli %arg1, %mul3A_18 : i32
    %add3A_20 = arith.constant 128 : i32
    %add3A_21 = arith.addi %mul3A_19, %add3A_20 : i32
    "tpu.region"() ({
      %run_scoped3A = tpu.sem_alloc : memref<!tpu.dma_semaphore, #tpu.memory_space<semaphore_mem>>
      %dma_start3A_54 = arith.constant 0 : i32
      %dma_start3A_55 = tpu.memref_slice %arg10[%add3A_21, %dma_start3A_54] : memref<10240x128xf32, #tpu.memory_space<vmem_shared>> -> memref<128x128xf32, #tpu.memory_space<vmem_shared>>
      %dma_start3A_56 = arith.constant 0 : i32
      %dma_start3A_57 = tpu.memref_slice %arg10[%add3A_21, %dma_start3A_56] : memref<10240x128xf32, #tpu.memory_space<vmem_shared>> -> memref<128x128xf32, #tpu.memory_space<vmem_shared>>
      tpu.enqueue_dma source(%arg8 : memref<128x128xf32, #tpu.memory_space<vmem>>) target(%dma_start3A_57 : memref<128x128xf32, #tpu.memory_space<vmem_shared>>) target_semaphore(%run_scoped3A : memref<!tpu.dma_semaphore, #tpu.memory_space<semaphore_mem>>)
      %dma_wait3A = arith.constant 0 : i32
      %dma_wait3A_58 = tpu.memref_slice %arg10[%add3A_21, %dma_wait3A] : memref<10240x128xf32, #tpu.memory_space<vmem_shared>> -> memref<128x128xf32, #tpu.memory_space<vmem_shared>>
      %dma_wait3A_59 = arith.constant 0 : i32
      %dma_wait3A_60 = tpu.memref_slice %arg10[%add3A_21, %dma_wait3A_59] : memref<10240x128xf32, #tpu.memory_space<vmem_shared>> -> memref<128x128xf32, #tpu.memory_space<vmem_shared>>
      tpu.wait_dma2 semaphore(%run_scoped3A : memref<!tpu.dma_semaphore, #tpu.memory_space<semaphore_mem>>) src(%arg8 : memref<128x128xf32, #tpu.memory_space<vmem>>) dst(%dma_wait3A_60 : memref<128x128xf32, #tpu.memory_space<vmem_shared>>)
      tpu.yield
    }) : () -> ()
    %mul3A_22 = arith.constant 640 : i32
    %mul3A_23 = arith.muli %arg1, %mul3A_22 : i32
    %add3A_24 = arith.constant 256 : i32
    %add3A_25 = arith.addi %mul3A_23, %add3A_24 : i32
    "tpu.region"() ({
      %run_scoped3A = tpu.sem_alloc : memref<!tpu.dma_semaphore, #tpu.memory_space<semaphore_mem>>
      %dma_start3A_54 = arith.constant 0 : i32
      %dma_start3A_55 = tpu.memref_slice %arg10[%add3A_25, %dma_start3A_54] : memref<10240x128xf32, #tpu.memory_space<vmem_shared>> -> memref<128x128xf32, #tpu.memory_space<vmem_shared>>
      %dma_start3A_56 = arith.constant 0 : i32
      %dma_start3A_57 = tpu.memref_slice %arg10[%add3A_25, %dma_start3A_56] : memref<10240x128xf32, #tpu.memory_space<vmem_shared>> -> memref<128x128xf32, #tpu.memory_space<vmem_shared>>
      tpu.enqueue_dma source(%arg8 : memref<128x128xf32, #tpu.memory_space<vmem>>) target(%dma_start3A_57 : memref<128x128xf32, #tpu.memory_space<vmem_shared>>) target_semaphore(%run_scoped3A : memref<!tpu.dma_semaphore, #tpu.memory_space<semaphore_mem>>)
      %dma_wait3A = arith.constant 0 : i32
      %dma_wait3A_58 = tpu.memref_slice %arg10[%add3A_25, %dma_wait3A] : memref<10240x128xf32, #tpu.memory_space<vmem_shared>> -> memref<128x128xf32, #tpu.memory_space<vmem_shared>>
      %dma_wait3A_59 = arith.constant 0 : i32
      %dma_wait3A_60 = tpu.memref_slice %arg10[%add3A_25, %dma_wait3A_59] : memref<10240x128xf32, #tpu.memory_space<vmem_shared>> -> memref<128x128xf32, #tpu.memory_space<vmem_shared>>
      tpu.wait_dma2 semaphore(%run_scoped3A : memref<!tpu.dma_semaphore, #tpu.memory_space<semaphore_mem>>) src(%arg8 : memref<128x128xf32, #tpu.memory_space<vmem>>) dst(%dma_wait3A_60 : memref<128x128xf32, #tpu.memory_space<vmem_shared>>)
      tpu.yield
    }) : () -> ()
    %mul3A_26 = arith.constant 640 : i32
    %mul3A_27 = arith.muli %arg1, %mul3A_26 : i32
    %add3A_28 = arith.constant 384 : i32
    %add3A_29 = arith.addi %mul3A_27, %add3A_28 : i32
    "tpu.region"() ({
      %run_scoped3A = tpu.sem_alloc : memref<!tpu.dma_semaphore, #tpu.memory_space<semaphore_mem>>
      %dma_start3A_54 = arith.constant 0 : i32
      %dma_start3A_55 = tpu.memref_slice %arg10[%add3A_29, %dma_start3A_54] : memref<10240x128xf32, #tpu.memory_space<vmem_shared>> -> memref<128x128xf32, #tpu.memory_space<vmem_shared>>
      %dma_start3A_56 = arith.constant 0 : i32
      %dma_start3A_57 = tpu.memref_slice %arg10[%add3A_29, %dma_start3A_56] : memref<10240x128xf32, #tpu.memory_space<vmem_shared>> -> memref<128x128xf32, #tpu.memory_space<vmem_shared>>
      tpu.enqueue_dma source(%arg8 : memref<128x128xf32, #tpu.memory_space<vmem>>) target(%dma_start3A_57 : memref<128x128xf32, #tpu.memory_space<vmem_shared>>) target_semaphore(%run_scoped3A : memref<!tpu.dma_semaphore, #tpu.memory_space<semaphore_mem>>)
      %dma_wait3A = arith.constant 0 : i32
      %dma_wait3A_58 = tpu.memref_slice %arg10[%add3A_29, %dma_wait3A] : memref<10240x128xf32, #tpu.memory_space<vmem_shared>> -> memref<128x128xf32, #tpu.memory_space<vmem_shared>>
      %dma_wait3A_59 = arith.constant 0 : i32
      %dma_wait3A_60 = tpu.memref_slice %arg10[%add3A_29, %dma_wait3A_59] : memref<10240x128xf32, #tpu.memory_space<vmem_shared>> -> memref<128x128xf32, #tpu.memory_space<vmem_shared>>
      tpu.wait_dma2 semaphore(%run_scoped3A : memref<!tpu.dma_semaphore, #tpu.memory_space<semaphore_mem>>) src(%arg8 : memref<128x128xf32, #tpu.memory_space<vmem>>) dst(%dma_wait3A_60 : memref<128x128xf32, #tpu.memory_space<vmem_shared>>)
      tpu.yield
    }) : () -> ()
    %mul3A_30 = arith.constant 640 : i32
    %mul3A_31 = arith.muli %arg1, %mul3A_30 : i32
    %add3A_32 = arith.constant 512 : i32
    %add3A_33 = arith.addi %mul3A_31, %add3A_32 : i32
    "tpu.region"() ({
      %run_scoped3A = tpu.sem_alloc : memref<!tpu.dma_semaphore, #tpu.memory_space<semaphore_mem>>
      %dma_start3A_54 = arith.constant 0 : i32
      %dma_start3A_55 = tpu.memref_slice %arg10[%add3A_33, %dma_start3A_54] : memref<10240x128xf32, #tpu.memory_space<vmem_shared>> -> memref<128x128xf32, #tpu.memory_space<vmem_shared>>
      %dma_start3A_56 = arith.constant 0 : i32
      %dma_start3A_57 = tpu.memref_slice %arg10[%add3A_33, %dma_start3A_56] : memref<10240x128xf32, #tpu.memory_space<vmem_shared>> -> memref<128x128xf32, #tpu.memory_space<vmem_shared>>
      tpu.enqueue_dma source(%arg8 : memref<128x128xf32, #tpu.memory_space<vmem>>) target(%dma_start3A_57 : memref<128x128xf32, #tpu.memory_space<vmem_shared>>) target_semaphore(%run_scoped3A : memref<!tpu.dma_semaphore, #tpu.memory_space<semaphore_mem>>)
      %dma_wait3A = arith.constant 0 : i32
      %dma_wait3A_58 = tpu.memref_slice %arg10[%add3A_33, %dma_wait3A] : memref<10240x128xf32, #tpu.memory_space<vmem_shared>> -> memref<128x128xf32, #tpu.memory_space<vmem_shared>>
      %dma_wait3A_59 = arith.constant 0 : i32
      %dma_wait3A_60 = tpu.memref_slice %arg10[%add3A_33, %dma_wait3A_59] : memref<10240x128xf32, #tpu.memory_space<vmem_shared>> -> memref<128x128xf32, #tpu.memory_space<vmem_shared>>
      tpu.wait_dma2 semaphore(%run_scoped3A : memref<!tpu.dma_semaphore, #tpu.memory_space<semaphore_mem>>) src(%arg8 : memref<128x128xf32, #tpu.memory_space<vmem>>) dst(%dma_wait3A_60 : memref<128x128xf32, #tpu.memory_space<vmem_shared>>)
      tpu.yield
    }) : () -> ()
    %dma_start3A_34 = arith.constant 0 : i32
    %dma_start3A_35 = arith.constant 0 : i32
    %dma_start3A_36 = tpu.memref_slice %arg6[%dma_start3A_34, %dma_start3A_35] : memref<32x128xi32, #tpu.memory_space<vmem>> -> memref<1x128xi32, #tpu.memory_space<vmem>>
    %dma_start3A_37 = tpu.memref_squeeze %dma_start3A_36 : memref<1x128xi32, #tpu.memory_space<vmem>> -> memref<128xi32, #tpu.memory_space<vmem>>
    %dma_start3A_38 = arith.constant 0 : i32
    %dma_start3A_39 = arith.constant 0 : i32
    %dma_start3A_40 = tpu.memref_slice %arg2[%dma_start3A_38, %dma_start3A_39] : memref<10000x128xf32, #tpu.memory_space<hbm>> -> memref<10000x128xf32, #tpu.memory_space<hbm>>
    tpu.enqueue_indirect_dma source(%dma_start3A_40 : memref<10000x128xf32, #tpu.memory_space<hbm>>) target(%arg8 : memref<128x128xf32, #tpu.memory_space<vmem>>) offsets(%dma_start3A_37 : memref<128xi32, #tpu.memory_space<vmem>>) semaphore(%arg11 : memref<!tpu.dma_semaphore, #tpu.memory_space<semaphore_mem>>)
    %barrier3A = arith.constant 0 : index
    tpu.barrier barrier_id(%barrier3A)
    %scan3A_41 = arith.constant 0 : i32
    %scan3A_42 = arith.constant 0 : i32
    %scan3A_43 = arith.constant 40 : i32
    %scan3A_44 = arith.addi %scan3A_42, %scan3A_43 : i32
    %scan3A_45 = arith.constant 1 : i32
    scf.for %scan3A_54 = %scan3A_42 to %scan3A_44 step %scan3A_45  : i32 {
      %mul3A_55 = arith.constant 2 : i32
      %mul3A_56 = arith.muli %mul3A_55, %scan3A_54 : i32
      %jit3A = arith.constant 8 : i32
      %eq3A_57 = arith.constant 0 : i32
      %eq3A_58 = arith.cmpi eq, %jit3A, %eq3A_57 : i32
      %jit3A_59 = arith.constant 1 : i32
      %select_n3A = arith.select %eq3A_58, %jit3A_59, %jit3A : i32
      %rem3A = arith.remsi %scan3A_54, %select_n3A : i32
      %ne3A = arith.constant 0 : i32
      %ne3A_60 = arith.cmpi ne, %rem3A, %ne3A : i32
      %lt3A_61 = arith.constant 0 : i32
      %lt3A_62 = arith.cmpi slt, %rem3A, %lt3A_61 : i32
      %lt3A_63 = arith.constant 0 : i32
      %lt3A_64 = arith.cmpi slt, %select_n3A, %lt3A_63 : i32
      %ne3A_65 = arith.xori %lt3A_62, %lt3A_64 : i1
      %and3A = arith.andi %ne3A_65, %ne3A_60 : i1
      %add3A_66 = arith.addi %rem3A, %select_n3A : i32
      %select_n3A_67 = arith.select %and3A, %add3A_66, %rem3A : i32
      %eq3A_68 = arith.constant 0 : i32
      %eq3A_69 = arith.cmpi eq, %select_n3A_67, %eq3A_68 : i32
      %lt3A_70 = arith.constant 32 : i32
      %lt3A_71 = arith.cmpi slt, %scan3A_54, %lt3A_70 : i32
      %and3A_72 = arith.andi %eq3A_69, %lt3A_71 : i1
      %convert_element_type3A_73 = arith.extui %and3A_72 : i1 to i32
      %cond3A_74 = arith.constant 0 : i32
      %cond3A_75 = arith.cmpi ne, %convert_element_type3A_73, %cond3A_74 : i32
      scf.if %cond3A_75 {
        %jit3A_155 = arith.constant 8 : i32
        %div3A = arith.divsi %scan3A_54, %jit3A_155 : i32
        %sign3A = arith.constant 0 : i32
        %sign3A_156 = arith.cmpi sgt, %scan3A_54, %sign3A : i32
        %sign3A_157 = arith.extui %sign3A_156 : i1 to i32
        %sign3A_158 = arith.constant 0 : i32
        %sign3A_159 = arith.cmpi slt, %scan3A_54, %sign3A_158 : i32
        %sign3A_160 = arith.extui %sign3A_159 : i1 to i32
        %sign3A_161 = arith.subi %sign3A_157, %sign3A_160 : i32
        %sign3A_162 = arith.constant 0 : i32
        %sign3A_163 = arith.cmpi sgt, %jit3A_155, %sign3A_162 : i32
        %sign3A_164 = arith.extui %sign3A_163 : i1 to i32
        %sign3A_165 = arith.constant 0 : i32
        %sign3A_166 = arith.cmpi slt, %jit3A_155, %sign3A_165 : i32
        %sign3A_167 = arith.extui %sign3A_166 : i1 to i32
        %sign3A_168 = arith.subi %sign3A_164, %sign3A_167 : i32
        %ne3A_169 = arith.cmpi ne, %sign3A_161, %sign3A_168 : i32
        %rem3A_170 = arith.remsi %scan3A_54, %jit3A_155 : i32
        %ne3A_171 = arith.constant 0 : i32
        %ne3A_172 = arith.cmpi ne, %rem3A_170, %ne3A_171 : i32
        %and3A_173 = arith.andi %ne3A_169, %ne3A_172 : i1
        %sub3A = arith.constant 1 : i32
        %sub3A_174 = arith.subi %div3A, %sub3A : i32
        %select_n3A_175 = arith.select %and3A_173, %sub3A_174, %div3A : i32
        %add3A_176 = arith.constant 1 : i32
        %add3A_177 = arith.addi %select_n3A_175, %add3A_176 : i32
        %jit3A_178 = arith.constant 2 : i32
        %eq3A_179 = arith.constant 0 : i32
        %eq3A_180 = arith.cmpi eq, %jit3A_178, %eq3A_179 : i32
        %jit3A_181 = arith.constant 1 : i32
        %select_n3A_182 = arith.select %eq3A_180, %jit3A_181, %jit3A_178 : i32
        %rem3A_183 = arith.remsi %add3A_177, %select_n3A_182 : i32
        %ne3A_184 = arith.constant 0 : i32
        %ne3A_185 = arith.cmpi ne, %rem3A_183, %ne3A_184 : i32
        %lt3A_186 = arith.constant 0 : i32
        %lt3A_187 = arith.cmpi slt, %rem3A_183, %lt3A_186 : i32
        %lt3A_188 = arith.constant 0 : i32
        %lt3A_189 = arith.cmpi slt, %select_n3A_182, %lt3A_188 : i32
        %ne3A_190 = arith.xori %lt3A_187, %lt3A_189 : i1
        %and3A_191 = arith.andi %ne3A_190, %ne3A_185 : i1
        %add3A_192 = arith.addi %rem3A_183, %select_n3A_182 : i32
        %select_n3A_193 = arith.select %and3A_191, %add3A_192, %rem3A_183 : i32
        %mul3A_194 = arith.constant 16 : i32
        %mul3A_195 = arith.muli %select_n3A_193, %mul3A_194 : i32
        %add3A_196 = arith.addi %mul3A_2, %mul3A_56 : i32
        %add3A_197 = arith.constant 16 : i32
        %add3A_198 = arith.addi %add3A_196, %add3A_197 : i32
        %multiple_of3A = tpu.assume_multiple %add3A_198, 8 : i32
        "tpu.region"() ({
          %run_scoped3A = tpu.sem_alloc : memref<!tpu.dma_semaphore, #tpu.memory_space<semaphore_mem>>
          %dma_start3A_199 = arith.constant 0 : i32
          %dma_start3A_200 = tpu.memref_slice %arg6[%mul3A_195, %dma_start3A_199] : memref<32x128xi32, #tpu.memory_space<vmem>> -> memref<16x128xi32, #tpu.memory_space<vmem>>
          %dma_start3A_201 = arith.constant 0 : i32
          %dma_start3A_202 = tpu.memref_slice %arg3[%multiple_of3A, %dma_start3A_201] : memref<2560x128xi32, #tpu.memory_space<hbm>> -> memref<16x128xi32, #tpu.memory_space<hbm>>
          %dma_start3A_203 = arith.constant 0 : i32
          %dma_start3A_204 = tpu.memref_slice %arg6[%mul3A_195, %dma_start3A_203] : memref<32x128xi32, #tpu.memory_space<vmem>> -> memref<16x128xi32, #tpu.memory_space<vmem>>
          %dma_start3A_205 = arith.constant 0 : i32
          %dma_start3A_206 = tpu.memref_slice %arg3[%multiple_of3A, %dma_start3A_205] : memref<2560x128xi32, #tpu.memory_space<hbm>> -> memref<16x128xi32, #tpu.memory_space<hbm>>
          tpu.enqueue_dma source(%dma_start3A_206 : memref<16x128xi32, #tpu.memory_space<hbm>>) target(%dma_start3A_204 : memref<16x128xi32, #tpu.memory_space<vmem>>) target_semaphore(%run_scoped3A : memref<!tpu.dma_semaphore, #tpu.memory_space<semaphore_mem>>)
          %dma_wait3A_207 = arith.constant 0 : i32
          %dma_wait3A_208 = tpu.memref_slice %arg6[%mul3A_195, %dma_wait3A_207] : memref<32x128xi32, #tpu.memory_space<vmem>> -> memref<16x128xi32, #tpu.memory_space<vmem>>
          %dma_wait3A_209 = arith.constant 0 : i32
          %dma_wait3A_210 = tpu.memref_slice %arg3[%multiple_of3A, %dma_wait3A_209] : memref<2560x128xi32, #tpu.memory_space<hbm>> -> memref<16x128xi32, #tpu.memory_space<hbm>>
          %dma_wait3A_211 = arith.constant 0 : i32
          %dma_wait3A_212 = tpu.memref_slice %arg6[%mul3A_195, %dma_wait3A_211] : memref<32x128xi32, #tpu.memory_space<vmem>> -> memref<16x128xi32, #tpu.memory_space<vmem>>
          %dma_wait3A_213 = arith.constant 0 : i32
          %dma_wait3A_214 = tpu.memref_slice %arg3[%multiple_of3A, %dma_wait3A_213] : memref<2560x128xi32, #tpu.memory_space<hbm>> -> memref<16x128xi32, #tpu.memory_space<hbm>>
          tpu.wait_dma2 semaphore(%run_scoped3A : memref<!tpu.dma_semaphore, #tpu.memory_space<semaphore_mem>>) src(%dma_wait3A_214 : memref<16x128xi32, #tpu.memory_space<hbm>>) dst(%dma_wait3A_212 : memref<16x128xi32, #tpu.memory_space<vmem>>)
          tpu.yield
        }) : () -> ()
        "tpu.region"() ({
          %run_scoped3A = tpu.sem_alloc : memref<!tpu.dma_semaphore, #tpu.memory_space<semaphore_mem>>
          %dma_start3A_199 = arith.constant 0 : i32
          %dma_start3A_200 = tpu.memref_slice %arg7[%mul3A_195, %dma_start3A_199] : memref<32x128xi32, #tpu.memory_space<vmem>> -> memref<16x128xi32, #tpu.memory_space<vmem>>
          %dma_start3A_201 = arith.constant 0 : i32
          %dma_start3A_202 = tpu.memref_slice %arg4[%multiple_of3A, %dma_start3A_201] : memref<2560x128xi32, #tpu.memory_space<hbm>> -> memref<16x128xi32, #tpu.memory_space<hbm>>
          %dma_start3A_203 = arith.constant 0 : i32
          %dma_start3A_204 = tpu.memref_slice %arg7[%mul3A_195, %dma_start3A_203] : memref<32x128xi32, #tpu.memory_space<vmem>> -> memref<16x128xi32, #tpu.memory_space<vmem>>
          %dma_start3A_205 = arith.constant 0 : i32
          %dma_start3A_206 = tpu.memref_slice %arg4[%multiple_of3A, %dma_start3A_205] : memref<2560x128xi32, #tpu.memory_space<hbm>> -> memref<16x128xi32, #tpu.memory_space<hbm>>
          tpu.enqueue_dma source(%dma_start3A_206 : memref<16x128xi32, #tpu.memory_space<hbm>>) target(%dma_start3A_204 : memref<16x128xi32, #tpu.memory_space<vmem>>) target_semaphore(%run_scoped3A : memref<!tpu.dma_semaphore, #tpu.memory_space<semaphore_mem>>)
          %dma_wait3A_207 = arith.constant 0 : i32
          %dma_wait3A_208 = tpu.memref_slice %arg7[%mul3A_195, %dma_wait3A_207] : memref<32x128xi32, #tpu.memory_space<vmem>> -> memref<16x128xi32, #tpu.memory_space<vmem>>
          %dma_wait3A_209 = arith.constant 0 : i32
          %dma_wait3A_210 = tpu.memref_slice %arg4[%multiple_of3A, %dma_wait3A_209] : memref<2560x128xi32, #tpu.memory_space<hbm>> -> memref<16x128xi32, #tpu.memory_space<hbm>>
          %dma_wait3A_211 = arith.constant 0 : i32
          %dma_wait3A_212 = tpu.memref_slice %arg7[%mul3A_195, %dma_wait3A_211] : memref<32x128xi32, #tpu.memory_space<vmem>> -> memref<16x128xi32, #tpu.memory_space<vmem>>
          %dma_wait3A_213 = arith.constant 0 : i32
          %dma_wait3A_214 = tpu.memref_slice %arg4[%multiple_of3A, %dma_wait3A_213] : memref<2560x128xi32, #tpu.memory_space<hbm>> -> memref<16x128xi32, #tpu.memory_space<hbm>>
          tpu.wait_dma2 semaphore(%run_scoped3A : memref<!tpu.dma_semaphore, #tpu.memory_space<semaphore_mem>>) src(%dma_wait3A_214 : memref<16x128xi32, #tpu.memory_space<hbm>>) dst(%dma_wait3A_212 : memref<16x128xi32, #tpu.memory_space<vmem>>)
          tpu.yield
        }) : () -> ()
      } else {
      }
      %dma_wait3A = arith.constant 0 : i32
      %dma_wait3A_76 = arith.constant 0 : i32
      %dma_wait3A_77 = tpu.memref_slice %arg2[%dma_wait3A, %dma_wait3A_76] : memref<10000x128xf32, #tpu.memory_space<hbm>> -> memref<128x128xf32, #tpu.memory_space<hbm>>
      %dma_wait3A_78 = arith.constant 0 : i32
      %dma_wait3A_79 = arith.constant 0 : i32
      %dma_wait3A_80 = tpu.memref_slice %arg2[%dma_wait3A_78, %dma_wait3A_79] : memref<10000x128xf32, #tpu.memory_space<hbm>> -> memref<128x128xf32, #tpu.memory_space<hbm>>
      tpu.wait_dma2 semaphore(%arg11 : memref<!tpu.dma_semaphore, #tpu.memory_space<semaphore_mem>>) src(%dma_wait3A_80 : memref<128x128xf32, #tpu.memory_space<hbm>>) dst(%arg8 : memref<128x128xf32, #tpu.memory_space<vmem>>)
      %jit3A_81 = arith.constant 32 : i32
      %eq3A_82 = arith.constant 0 : i32
      %eq3A_83 = arith.cmpi eq, %jit3A_81, %eq3A_82 : i32
      %jit3A_84 = arith.constant 1 : i32
      %select_n3A_85 = arith.select %eq3A_83, %jit3A_84, %jit3A_81 : i32
      %rem3A_86 = arith.remsi %mul3A_56, %select_n3A_85 : i32
      %ne3A_87 = arith.constant 0 : i32
      %ne3A_88 = arith.cmpi ne, %rem3A_86, %ne3A_87 : i32
      %lt3A_89 = arith.constant 0 : i32
      %lt3A_90 = arith.cmpi slt, %rem3A_86, %lt3A_89 : i32
      %lt3A_91 = arith.constant 0 : i32
      %lt3A_92 = arith.cmpi slt, %select_n3A_85, %lt3A_91 : i32
      %ne3A_93 = arith.xori %lt3A_90, %lt3A_92 : i1
      %and3A_94 = arith.andi %ne3A_93, %ne3A_88 : i1
      %add3A_95 = arith.addi %rem3A_86, %select_n3A_85 : i32
      %select_n3A_96 = arith.select %and3A_94, %add3A_95, %rem3A_86 : i32
      %dma_start3A_97 = arith.constant 0 : i32
      %dma_start3A_98 = tpu.memref_slice %arg7[%select_n3A_96, %dma_start3A_97] : memref<32x128xi32, #tpu.memory_space<vmem>> -> memref<1x128xi32, #tpu.memory_space<vmem>>
      %dma_start3A_99 = tpu.memref_squeeze %dma_start3A_98 : memref<1x128xi32, #tpu.memory_space<vmem>> -> memref<128xi32, #tpu.memory_space<vmem>>
      %dma_start3A_100 = arith.constant 0 : i32
      %dma_start3A_101 = arith.constant 0 : i32
      %dma_start3A_102 = tpu.memref_slice %arg10[%dma_start3A_100, %dma_start3A_101] : memref<10240x128xf32, #tpu.memory_space<vmem_shared>> -> memref<10240x128xf32, #tpu.memory_space<vmem_shared>>
      tpu.enqueue_indirect_dma source(%arg8 : memref<128x128xf32, #tpu.memory_space<vmem>>) target(%dma_start3A_102 : memref<10240x128xf32, #tpu.memory_space<vmem_shared>>) offsets(%dma_start3A_99 : memref<128xi32, #tpu.memory_space<vmem>>) semaphore(%arg13 : memref<!tpu.dma_semaphore, #tpu.memory_space<semaphore_mem>>) {add = true}
      %dma_wait3A_103 = arith.constant 0 : i32
      %dma_wait3A_104 = arith.constant 0 : i32
      %dma_wait3A_105 = tpu.memref_slice %arg2[%dma_wait3A_103, %dma_wait3A_104] : memref<10000x128xf32, #tpu.memory_space<hbm>> -> memref<128x128xf32, #tpu.memory_space<hbm>>
      %dma_wait3A_106 = arith.constant 0 : i32
      %dma_wait3A_107 = arith.constant 0 : i32
      %dma_wait3A_108 = tpu.memref_slice %arg2[%dma_wait3A_106, %dma_wait3A_107] : memref<10000x128xf32, #tpu.memory_space<hbm>> -> memref<128x128xf32, #tpu.memory_space<hbm>>
      tpu.wait_dma2 semaphore(%arg12 : memref<!tpu.dma_semaphore, #tpu.memory_space<semaphore_mem>>) src(%dma_wait3A_108 : memref<128x128xf32, #tpu.memory_space<hbm>>) dst(%arg9 : memref<128x128xf32, #tpu.memory_space<vmem>>)
      %dma_wait3A_109 = arith.constant 0 : i32
      %dma_wait3A_110 = arith.constant 0 : i32
      %dma_wait3A_111 = tpu.memref_slice %arg5[%dma_wait3A_109, %dma_wait3A_110] : memref<20000x128xf32, #tpu.memory_space<hbm>> -> memref<128x128xf32, #tpu.memory_space<hbm>>
      %dma_wait3A_112 = arith.constant 0 : i32
      %dma_wait3A_113 = arith.constant 0 : i32
      %dma_wait3A_114 = tpu.memref_slice %arg5[%dma_wait3A_112, %dma_wait3A_113] : memref<20000x128xf32, #tpu.memory_space<hbm>> -> memref<128x128xf32, #tpu.memory_space<hbm>>
      tpu.wait_dma2 semaphore(%arg13 : memref<!tpu.dma_semaphore, #tpu.memory_space<semaphore_mem>>) src(%arg8 : memref<128x128xf32, #tpu.memory_space<vmem>>) dst(%dma_wait3A_114 : memref<128x128xf32, #tpu.memory_space<hbm>>)
      %lt3A_115 = arith.constant 39 : i32
      %lt3A_116 = arith.cmpi slt, %scan3A_54, %lt3A_115 : i32
      %convert_element_type3A_117 = arith.extui %lt3A_116 : i1 to i32
      %cond3A_118 = arith.constant 0 : i32
      %cond3A_119 = arith.cmpi ne, %convert_element_type3A_117, %cond3A_118 : i32
      scf.if %cond3A_119 {
        %add3A_155 = arith.constant 2 : i32
        %add3A_156 = arith.addi %mul3A_56, %add3A_155 : i32
        %jit3A_157 = arith.constant 32 : i32
        %eq3A_158 = arith.constant 0 : i32
        %eq3A_159 = arith.cmpi eq, %jit3A_157, %eq3A_158 : i32
        %jit3A_160 = arith.constant 1 : i32
        %select_n3A_161 = arith.select %eq3A_159, %jit3A_160, %jit3A_157 : i32
        %rem3A_162 = arith.remsi %add3A_156, %select_n3A_161 : i32
        %ne3A_163 = arith.constant 0 : i32
        %ne3A_164 = arith.cmpi ne, %rem3A_162, %ne3A_163 : i32
        %lt3A_165 = arith.constant 0 : i32
        %lt3A_166 = arith.cmpi slt, %rem3A_162, %lt3A_165 : i32
        %lt3A_167 = arith.constant 0 : i32
        %lt3A_168 = arith.cmpi slt, %select_n3A_161, %lt3A_167 : i32
        %ne3A_169 = arith.xori %lt3A_166, %lt3A_168 : i1
        %and3A_170 = arith.andi %ne3A_169, %ne3A_164 : i1
        %add3A_171 = arith.addi %rem3A_162, %select_n3A_161 : i32
        %select_n3A_172 = arith.select %and3A_170, %add3A_171, %rem3A_162 : i32
        %dma_start3A_173 = arith.constant 0 : i32
        %dma_start3A_174 = tpu.memref_slice %arg6[%select_n3A_172, %dma_start3A_173] : memref<32x128xi32, #tpu.memory_space<vmem>> -> memref<1x128xi32, #tpu.memory_space<vmem>>
        %dma_start3A_175 = tpu.memref_squeeze %dma_start3A_174 : memref<1x128xi32, #tpu.memory_space<vmem>> -> memref<128xi32, #tpu.memory_space<vmem>>
        %dma_start3A_176 = arith.constant 0 : i32
        %dma_start3A_177 = arith.constant 0 : i32
        %dma_start3A_178 = tpu.memref_slice %arg2[%dma_start3A_176, %dma_start3A_177] : memref<10000x128xf32, #tpu.memory_space<hbm>> -> memref<10000x128xf32, #tpu.memory_space<hbm>>
        tpu.enqueue_indirect_dma source(%dma_start3A_178 : memref<10000x128xf32, #tpu.memory_space<hbm>>) target(%arg8 : memref<128x128xf32, #tpu.memory_space<vmem>>) offsets(%dma_start3A_175 : memref<128xi32, #tpu.memory_space<vmem>>) semaphore(%arg11 : memref<!tpu.dma_semaphore, #tpu.memory_space<semaphore_mem>>)
      } else {
      }
      %add3A_120 = arith.constant 1 : i32
      %add3A_121 = arith.addi %mul3A_56, %add3A_120 : i32
      %jit3A_122 = arith.constant 32 : i32
      %eq3A_123 = arith.constant 0 : i32
      %eq3A_124 = arith.cmpi eq, %jit3A_122, %eq3A_123 : i32
      %jit3A_125 = arith.constant 1 : i32
      %select_n3A_126 = arith.select %eq3A_124, %jit3A_125, %jit3A_122 : i32
      %rem3A_127 = arith.remsi %add3A_121, %select_n3A_126 : i32
      %ne3A_128 = arith.constant 0 : i32
      %ne3A_129 = arith.cmpi ne, %rem3A_127, %ne3A_128 : i32
      %lt3A_130 = arith.constant 0 : i32
      %lt3A_131 = arith.cmpi slt, %rem3A_127, %lt3A_130 : i32
      %lt3A_132 = arith.constant 0 : i32
      %lt3A_133 = arith.cmpi slt, %select_n3A_126, %lt3A_132 : i32
      %ne3A_134 = arith.xori %lt3A_131, %lt3A_133 : i1
      %and3A_135 = arith.andi %ne3A_134, %ne3A_129 : i1
      %add3A_136 = arith.addi %rem3A_127, %select_n3A_126 : i32
      %select_n3A_137 = arith.select %and3A_135, %add3A_136, %rem3A_127 : i32
      %dma_start3A_138 = arith.constant 0 : i32
      %dma_start3A_139 = tpu.memref_slice %arg7[%select_n3A_137, %dma_start3A_138] : memref<32x128xi32, #tpu.memory_space<vmem>> -> memref<1x128xi32, #tpu.memory_space<vmem>>
      %dma_start3A_140 = tpu.memref_squeeze %dma_start3A_139 : memref<1x128xi32, #tpu.memory_space<vmem>> -> memref<128xi32, #tpu.memory_space<vmem>>
      %dma_start3A_141 = arith.constant 0 : i32
      %dma_start3A_142 = arith.constant 0 : i32
      %dma_start3A_143 = tpu.memref_slice %arg10[%dma_start3A_141, %dma_start3A_142] : memref<10240x128xf32, #tpu.memory_space<vmem_shared>> -> memref<10240x128xf32, #tpu.memory_space<vmem_shared>>
      tpu.enqueue_indirect_dma source(%arg9 : memref<128x128xf32, #tpu.memory_space<vmem>>) target(%dma_start3A_143 : memref<10240x128xf32, #tpu.memory_space<vmem_shared>>) offsets(%dma_start3A_140 : memref<128xi32, #tpu.memory_space<vmem>>) semaphore(%arg14 : memref<!tpu.dma_semaphore, #tpu.memory_space<semaphore_mem>>) {add = true}
      %dma_wait3A_144 = arith.constant 0 : i32
      %dma_wait3A_145 = arith.constant 0 : i32
      %dma_wait3A_146 = tpu.memref_slice %arg5[%dma_wait3A_144, %dma_wait3A_145] : memref<20000x128xf32, #tpu.memory_space<hbm>> -> memref<128x128xf32, #tpu.memory_space<hbm>>
      %dma_wait3A_147 = arith.constant 0 : i32
      %dma_wait3A_148 = arith.constant 0 : i32
      %dma_wait3A_149 = tpu.memref_slice %arg5[%dma_wait3A_147, %dma_wait3A_148] : memref<20000x128xf32, #tpu.memory_space<hbm>> -> memref<128x128xf32, #tpu.memory_space<hbm>>
      tpu.wait_dma2 semaphore(%arg14 : memref<!tpu.dma_semaphore, #tpu.memory_space<semaphore_mem>>) src(%arg9 : memref<128x128xf32, #tpu.memory_space<vmem>>) dst(%dma_wait3A_149 : memref<128x128xf32, #tpu.memory_space<hbm>>)
      %lt3A_150 = arith.constant 39 : i32
      %lt3A_151 = arith.cmpi slt, %scan3A_54, %lt3A_150 : i32
      %convert_element_type3A_152 = arith.extui %lt3A_151 : i1 to i32
      %cond3A_153 = arith.constant 0 : i32
      %cond3A_154 = arith.cmpi ne, %convert_element_type3A_152, %cond3A_153 : i32
      scf.if %cond3A_154 {
        %add3A_155 = arith.constant 3 : i32
        %add3A_156 = arith.addi %mul3A_56, %add3A_155 : i32
        %jit3A_157 = arith.constant 32 : i32
        %eq3A_158 = arith.constant 0 : i32
        %eq3A_159 = arith.cmpi eq, %jit3A_157, %eq3A_158 : i32
        %jit3A_160 = arith.constant 1 : i32
        %select_n3A_161 = arith.select %eq3A_159, %jit3A_160, %jit3A_157 : i32
        %rem3A_162 = arith.remsi %add3A_156, %select_n3A_161 : i32
        %ne3A_163 = arith.constant 0 : i32
        %ne3A_164 = arith.cmpi ne, %rem3A_162, %ne3A_163 : i32
        %lt3A_165 = arith.constant 0 : i32
        %lt3A_166 = arith.cmpi slt, %rem3A_162, %lt3A_165 : i32
        %lt3A_167 = arith.constant 0 : i32
        %lt3A_168 = arith.cmpi slt, %select_n3A_161, %lt3A_167 : i32
        %ne3A_169 = arith.xori %lt3A_166, %lt3A_168 : i1
        %and3A_170 = arith.andi %ne3A_169, %ne3A_164 : i1
        %add3A_171 = arith.addi %rem3A_162, %select_n3A_161 : i32
        %select_n3A_172 = arith.select %and3A_170, %add3A_171, %rem3A_162 : i32
        %dma_start3A_173 = arith.constant 0 : i32
        %dma_start3A_174 = tpu.memref_slice %arg6[%select_n3A_172, %dma_start3A_173] : memref<32x128xi32, #tpu.memory_space<vmem>> -> memref<1x128xi32, #tpu.memory_space<vmem>>
        %dma_start3A_175 = tpu.memref_squeeze %dma_start3A_174 : memref<1x128xi32, #tpu.memory_space<vmem>> -> memref<128xi32, #tpu.memory_space<vmem>>
        %dma_start3A_176 = arith.constant 0 : i32
        %dma_start3A_177 = arith.constant 0 : i32
        %dma_start3A_178 = tpu.memref_slice %arg2[%dma_start3A_176, %dma_start3A_177] : memref<10000x128xf32, #tpu.memory_space<hbm>> -> memref<10000x128xf32, #tpu.memory_space<hbm>>
        tpu.enqueue_indirect_dma source(%dma_start3A_178 : memref<10000x128xf32, #tpu.memory_space<hbm>>) target(%arg9 : memref<128x128xf32, #tpu.memory_space<vmem>>) offsets(%dma_start3A_175 : memref<128xi32, #tpu.memory_space<vmem>>) semaphore(%arg12 : memref<!tpu.dma_semaphore, #tpu.memory_space<semaphore_mem>>)
      } else {
      }
    }
    %scan3A_46 = arith.constant 40 : i32
    %barrier3A_47 = arith.constant 0 : index
    tpu.barrier barrier_id(%barrier3A_47)
    %lt3A = arith.constant 15 : i32
    %lt3A_48 = arith.cmpi slt, %arg1, %lt3A : i32
    %convert_element_type3A = arith.extui %lt3A_48 : i1 to i32
    %cond3A = arith.constant 0 : i32
    %cond3A_49 = arith.cmpi ne, %convert_element_type3A, %cond3A : i32
    scf.if %cond3A_49 {
      %mul3A_54 = arith.constant 624 : i32
      %mul3A_55 = arith.muli %arg1, %mul3A_54 : i32
      %mul3A_56 = arith.constant 10000 : i32
      %mul3A_57 = arith.muli %arg0, %mul3A_56 : i32
      %mul3A_58 = arith.constant 624 : i32
      %mul3A_59 = arith.muli %arg1, %mul3A_58 : i32
      %add3A_60 = arith.addi %mul3A_57, %mul3A_59 : i32
      "tpu.region"() ({
        %run_scoped3A = tpu.sem_alloc : memref<!tpu.dma_semaphore, #tpu.memory_space<semaphore_mem>>
        %dma_start3A_61 = arith.constant 0 : i32
        %dma_start3A_62 = tpu.memref_slice %arg5[%add3A_60, %dma_start3A_61] : memref<20000x128xf32, #tpu.memory_space<hbm>> -> memref<624x128xf32, #tpu.memory_space<hbm>>
        %dma_start3A_63 = arith.constant 0 : i32
        %dma_start3A_64 = tpu.memref_slice %arg10[%mul3A_55, %dma_start3A_63] : memref<10240x128xf32, #tpu.memory_space<vmem_shared>> -> memref<624x128xf32, #tpu.memory_space<vmem_shared>>
        tpu.enqueue_dma source(%dma_start3A_64 : memref<624x128xf32, #tpu.memory_space<vmem_shared>>) target(%dma_start3A_62 : memref<624x128xf32, #tpu.memory_space<hbm>>) target_semaphore(%run_scoped3A : memref<!tpu.dma_semaphore, #tpu.memory_space<semaphore_mem>>)
        %dma_wait3A = arith.constant 0 : i32
        %dma_wait3A_65 = tpu.memref_slice %arg5[%add3A_60, %dma_wait3A] : memref<20000x128xf32, #tpu.memory_space<hbm>> -> memref<624x128xf32, #tpu.memory_space<hbm>>
        %dma_wait3A_66 = arith.constant 0 : i32
        %dma_wait3A_67 = tpu.memref_slice %arg10[%mul3A_55, %dma_wait3A_66] : memref<10240x128xf32, #tpu.memory_space<vmem_shared>> -> memref<624x128xf32, #tpu.memory_space<vmem_shared>>
        tpu.wait_dma2 semaphore(%run_scoped3A : memref<!tpu.dma_semaphore, #tpu.memory_space<semaphore_mem>>) src(%dma_wait3A_67 : memref<624x128xf32, #tpu.memory_space<vmem_shared>>) dst(%dma_wait3A_65 : memref<624x128xf32, #tpu.memory_space<hbm>>)
        tpu.yield
      }) : () -> ()
    } else {
    }
    %eq3A = arith.constant 15 : i32
    %eq3A_50 = arith.cmpi eq, %arg1, %eq3A : i32
    %convert_element_type3A_51 = arith.extui %eq3A_50 : i1 to i32
    %cond3A_52 = arith.constant 0 : i32
    %cond3A_53 = arith.cmpi ne, %convert_element_type3A_51, %cond3A_52 : i32
    scf.if %cond3A_53 {
      %mul3A_54 = arith.constant 10000 : i32
      %mul3A_55 = arith.muli %arg0, %mul3A_54 : i32
      %add3A_56 = arith.constant 9360 : i32
      %add3A_57 = arith.addi %mul3A_55, %add3A_56 : i32
      "tpu.region"() ({
        %run_scoped3A = tpu.sem_alloc : memref<!tpu.dma_semaphore, #tpu.memory_space<semaphore_mem>>
        %dma_start3A_58 = arith.constant 0 : i32
        %dma_start3A_59 = tpu.memref_slice %arg5[%add3A_57, %dma_start3A_58] : memref<20000x128xf32, #tpu.memory_space<hbm>> -> memref<640x128xf32, #tpu.memory_space<hbm>>
        %dma_start3A_60 = arith.constant 9360 : i32
        %dma_start3A_61 = arith.constant 0 : i32
        %dma_start3A_62 = tpu.memref_slice %arg10[%dma_start3A_60, %dma_start3A_61] : memref<10240x128xf32, #tpu.memory_space<vmem_shared>> -> memref<640x128xf32, #tpu.memory_space<vmem_shared>>
        tpu.enqueue_dma source(%dma_start3A_62 : memref<640x128xf32, #tpu.memory_space<vmem_shared>>) target(%dma_start3A_59 : memref<640x128xf32, #tpu.memory_space<hbm>>) target_semaphore(%run_scoped3A : memref<!tpu.dma_semaphore, #tpu.memory_space<semaphore_mem>>)
        %dma_wait3A = arith.constant 0 : i32
        %dma_wait3A_63 = tpu.memref_slice %arg5[%add3A_57, %dma_wait3A] : memref<20000x128xf32, #tpu.memory_space<hbm>> -> memref<640x128xf32, #tpu.memory_space<hbm>>
        %dma_wait3A_64 = arith.constant 9360 : i32
        %dma_wait3A_65 = arith.constant 0 : i32
        %dma_wait3A_66 = tpu.memref_slice %arg10[%dma_wait3A_64, %dma_wait3A_65] : memref<10240x128xf32, #tpu.memory_space<vmem_shared>> -> memref<640x128xf32, #tpu.memory_space<vmem_shared>>
        tpu.wait_dma2 semaphore(%run_scoped3A : memref<!tpu.dma_semaphore, #tpu.memory_space<semaphore_mem>>) src(%dma_wait3A_66 : memref<640x128xf32, #tpu.memory_space<vmem_shared>>) dst(%dma_wait3A_63 : memref<640x128xf32, #tpu.memory_space<hbm>>)
        tpu.yield
      }) : () -> ()
    } else {
    }
    return
  }
}

#map = affine_map<(d0, d1) -> (0, 0)>
module attributes {stable_mosaic.version = 14 : i64} {
  func.func @k(%arg0: i32, %arg1: i32, %arg2: memref<10000x128xf32, #tpu.memory_space<hbm>>, %arg3: memref<2560x128xi32, #tpu.memory_space<hbm>>, %arg4: memref<2560x128xi32, #tpu.memory_space<hbm>>, %arg5: memref<20000x128xf32, #tpu.memory_space<hbm>>, %arg6: memref<32x128xi32, #tpu.memory_space<vmem>>, %arg7: memref<32x128xi32, #tpu.memory_space<vmem>>, %arg8: memref<128x128xf32, #tpu.memory_space<vmem>>, %arg9: memref<128x128xf32, #tpu.memory_space<vmem>>, %arg10: memref<10240x128xf32, #tpu.memory_space<vmem_shared>>, %arg11: memref<!tpu.dma_semaphore, #tpu.memory_space<semaphore_mem>>, %arg12: memref<!tpu.dma_semaphore, #tpu.memory_space<semaphore_mem>>, %arg13: memref<!tpu.dma_semaphore, #tpu.memory_space<semaphore_mem>>, %arg14: memref<!tpu.dma_semaphore, #tpu.memory_space<semaphore_mem>>) attributes {dimension_semantics = [#tpu.dimension_semantics<core_parallel>, #tpu.dimension_semantics<subcore_parallel>], iteration_bounds = array<i64: 2, 16>, scalar_prefetch = 0 : i64, scratch_operands = 9 : i64, tpu.core_type = #tpu.core_type<sc_vector_subcore>, window_params = [{transform_indices = #map}, {transform_indices = #map}, {transform_indices = #map}, {transform_indices = #map}]} {
    %mul3A = arith.constant 16 : i32
    %mul3A_0 = arith.muli %arg0, %mul3A : i32
    %add3A = arith.addi %mul3A_0, %arg1 : i32
    %mul3A_1 = arith.constant 80 : i32
    %mul3A_2 = arith.muli %add3A, %mul3A_1 : i32
    "tpu.region"() ({
      %run_scoped3A = tpu.sem_alloc : memref<!tpu.dma_semaphore, #tpu.memory_space<semaphore_mem>>
      %dma_start3A_54 = arith.constant 0 : i32
      %dma_start3A_55 = arith.constant 0 : i32
      %dma_start3A_56 = tpu.memref_slice %arg6[%dma_start3A_54, %dma_start3A_55] : memref<32x128xi32, #tpu.memory_space<vmem>> -> memref<16x128xi32, #tpu.memory_space<vmem>>
      %dma_start3A_57 = arith.constant 0 : i32
      %dma_start3A_58 = tpu.memref_slice %arg3[%mul3A_2, %dma_start3A_57] : memref<2560x128xi32, #tpu.memory_space<hbm>> -> memref<16x128xi32, #tpu.memory_space<hbm>>
      %dma_start3A_59 = arith.constant 0 : i32
      %dma_start3A_60 = arith.constant 0 : i32
      %dma_start3A_61 = tpu.memref_slice %arg6[%dma_start3A_59, %dma_start3A_60] : memref<32x128xi32, #tpu.memory_space<vmem>> -> memref<16x128xi32, #tpu.memory_space<vmem>>
      %dma_start3A_62 = arith.constant 0 : i32
      %dma_start3A_63 = tpu.memref_slice %arg3[%mul3A_2, %dma_start3A_62] : memref<2560x128xi32, #tpu.memory_space<hbm>> -> memref<16x128xi32, #tpu.memory_space<hbm>>
      tpu.enqueue_dma source(%dma_start3A_63 : memref<16x128xi32, #tpu.memory_space<hbm>>) target(%dma_start3A_61 : memref<16x128xi32, #tpu.memory_space<vmem>>) target_semaphore(%run_scoped3A : memref<!tpu.dma_semaphore, #tpu.memory_space<semaphore_mem>>)
      %dma_wait3A = arith.constant 0 : i32
      %dma_wait3A_64 = arith.constant 0 : i32
      %dma_wait3A_65 = tpu.memref_slice %arg6[%dma_wait3A, %dma_wait3A_64] : memref<32x128xi32, #tpu.memory_space<vmem>> -> memref<16x128xi32, #tpu.memory_space<vmem>>
      %dma_wait3A_66 = arith.constant 0 : i32
      %dma_wait3A_67 = tpu.memref_slice %arg3[%mul3A_2, %dma_wait3A_66] : memref<2560x128xi32, #tpu.memory_space<hbm>> -> memref<16x128xi32, #tpu.memory_space<hbm>>
      %dma_wait3A_68 = arith.constant 0 : i32
      %dma_wait3A_69 = arith.constant 0 : i32
      %dma_wait3A_70 = tpu.memref_slice %arg6[%dma_wait3A_68, %dma_wait3A_69] : memref<32x128xi32, #tpu.memory_space<vmem>> -> memref<16x128xi32, #tpu.memory_space<vmem>>
      %dma_wait3A_71 = arith.constant 0 : i32
      %dma_wait3A_72 = tpu.memref_slice %arg3[%mul3A_2, %dma_wait3A_71] : memref<2560x128xi32, #tpu.memory_space<hbm>> -> memref<16x128xi32, #tpu.memory_space<hbm>>
      tpu.wait_dma2 semaphore(%run_scoped3A : memref<!tpu.dma_semaphore, #tpu.memory_space<semaphore_mem>>) src(%dma_wait3A_72 : memref<16x128xi32, #tpu.memory_space<hbm>>) dst(%dma_wait3A_70 : memref<16x128xi32, #tpu.memory_space<vmem>>)
      tpu.yield
    }) : () -> ()
    "tpu.region"() ({
      %run_scoped3A = tpu.sem_alloc : memref<!tpu.dma_semaphore, #tpu.memory_space<semaphore_mem>>
      %dma_start3A_54 = arith.constant 0 : i32
      %dma_start3A_55 = arith.constant 0 : i32
      %dma_start3A_56 = tpu.memref_slice %arg7[%dma_start3A_54, %dma_start3A_55] : memref<32x128xi32, #tpu.memory_space<vmem>> -> memref<16x128xi32, #tpu.memory_space<vmem>>
      %dma_start3A_57 = arith.constant 0 : i32
      %dma_start3A_58 = tpu.memref_slice %arg4[%mul3A_2, %dma_start3A_57] : memref<2560x128xi32, #tpu.memory_space<hbm>> -> memref<16x128xi32, #tpu.memory_space<hbm>>
      %dma_start3A_59 = arith.constant 0 : i32
      %dma_start3A_60 = arith.constant 0 : i32
      %dma_start3A_61 = tpu.memref_slice %arg7[%dma_start3A_59, %dma_start3A_60] : memref<32x128xi32, #tpu.memory_space<vmem>> -> memref<16x128xi32, #tpu.memory_space<vmem>>
      %dma_start3A_62 = arith.constant 0 : i32
      %dma_start3A_63 = tpu.memref_slice %arg4[%mul3A_2, %dma_start3A_62] : memref<2560x128xi32, #tpu.memory_space<hbm>> -> memref<16x128xi32, #tpu.memory_space<hbm>>
      tpu.enqueue_dma source(%dma_start3A_63 : memref<16x128xi32, #tpu.memory_space<hbm>>) target(%dma_start3A_61 : memref<16x128xi32, #tpu.memory_space<vmem>>) target_semaphore(%run_scoped3A : memref<!tpu.dma_semaphore, #tpu.memory_space<semaphore_mem>>)
      %dma_wait3A = arith.constant 0 : i32
      %dma_wait3A_64 = arith.constant 0 : i32
      %dma_wait3A_65 = tpu.memref_slice %arg7[%dma_wait3A, %dma_wait3A_64] : memref<32x128xi32, #tpu.memory_space<vmem>> -> memref<16x128xi32, #tpu.memory_space<vmem>>
      %dma_wait3A_66 = arith.constant 0 : i32
      %dma_wait3A_67 = tpu.memref_slice %arg4[%mul3A_2, %dma_wait3A_66] : memref<2560x128xi32, #tpu.memory_space<hbm>> -> memref<16x128xi32, #tpu.memory_space<hbm>>
      %dma_wait3A_68 = arith.constant 0 : i32
      %dma_wait3A_69 = arith.constant 0 : i32
      %dma_wait3A_70 = tpu.memref_slice %arg7[%dma_wait3A_68, %dma_wait3A_69] : memref<32x128xi32, #tpu.memory_space<vmem>> -> memref<16x128xi32, #tpu.memory_space<vmem>>
      %dma_wait3A_71 = arith.constant 0 : i32
      %dma_wait3A_72 = tpu.memref_slice %arg4[%mul3A_2, %dma_wait3A_71] : memref<2560x128xi32, #tpu.memory_space<hbm>> -> memref<16x128xi32, #tpu.memory_space<hbm>>
      tpu.wait_dma2 semaphore(%run_scoped3A : memref<!tpu.dma_semaphore, #tpu.memory_space<semaphore_mem>>) src(%dma_wait3A_72 : memref<16x128xi32, #tpu.memory_space<hbm>>) dst(%dma_wait3A_70 : memref<16x128xi32, #tpu.memory_space<vmem>>)
      tpu.yield
    }) : () -> ()
    %dma_start3A = arith.constant 1 : i32
    %dma_start3A_3 = arith.constant 0 : i32
    %dma_start3A_4 = tpu.memref_slice %arg6[%dma_start3A, %dma_start3A_3] : memref<32x128xi32, #tpu.memory_space<vmem>> -> memref<1x128xi32, #tpu.memory_space<vmem>>
    %dma_start3A_5 = tpu.memref_squeeze %dma_start3A_4 : memref<1x128xi32, #tpu.memory_space<vmem>> -> memref<128xi32, #tpu.memory_space<vmem>>
    %dma_start3A_6 = arith.constant 0 : i32
    %dma_start3A_7 = arith.constant 0 : i32
    %dma_start3A_8 = tpu.memref_slice %arg2[%dma_start3A_6, %dma_start3A_7] : memref<10000x128xf32, #tpu.memory_space<hbm>> -> memref<10000x128xf32, #tpu.memory_space<hbm>>
    tpu.enqueue_indirect_dma source(%dma_start3A_8 : memref<10000x128xf32, #tpu.memory_space<hbm>>) target(%arg9 : memref<128x128xf32, #tpu.memory_space<vmem>>) offsets(%dma_start3A_5 : memref<128xi32, #tpu.memory_space<vmem>>) semaphore(%arg12 : memref<!tpu.dma_semaphore, #tpu.memory_space<semaphore_mem>>)
    %scan3A = arith.constant 0 : i32
    %scan3A_9 = arith.constant 0 : i32
    %scan3A_10 = arith.constant 128 : i32
    %scan3A_11 = arith.addi %scan3A_9, %scan3A_10 : i32
    %scan3A_12 = arith.constant 1 : i32
    scf.for %scan3A_54 = %scan3A_9 to %scan3A_11 step %scan3A_12  : i32 {
      %broadcast_in_dim3A = arith.constant 0.000000e+00 : f32
      %broadcast_in_dim3A_55 = vector.broadcast %broadcast_in_dim3A : f32 to vector<16xf32>
      %swap3A = arith.index_cast %scan3A_54 : i32 to index
      %swap3A_56 = arith.constant 0 : index
      %swap3A_57 = tpu.vector_load %arg8[%swap3A, %swap3A_56] {strides = array<i32>} : memref<128x128xf32, #tpu.memory_space<vmem>>, vector<1x16xf32>,
      %swap3A_58 = vector.shape_cast %swap3A_57 : vector<1x16xf32> to vector<16xf32>
      %swap3A_59 = vector.shape_cast %broadcast_in_dim3A_55 : vector<16xf32> to vector<1x16xf32>
      tpu.vector_store %arg8[%swap3A, %swap3A_56], %swap3A_59 {strides = array<i32>} : memref<128x128xf32, #tpu.memory_space<vmem>>, vector<1x16xf32>,
      %broadcast_in_dim3A_60 = arith.constant 0.000000e+00 : f32
      %broadcast_in_dim3A_61 = vector.broadcast %broadcast_in_dim3A_60 : f32 to vector<16xf32>
      %swap3A_62 = arith.index_cast %scan3A_54 : i32 to index
      %swap3A_63 = arith.constant 16 : index
      %swap3A_64 = tpu.vector_load %arg8[%swap3A_62, %swap3A_63] {strides = array<i32>} : memref<128x128xf32, #tpu.memory_space<vmem>>, vector<1x16xf32>,
      %swap3A_65 = vector.shape_cast %swap3A_64 : vector<1x16xf32> to vector<16xf32>
      %swap3A_66 = vector.shape_cast %broadcast_in_dim3A_61 : vector<16xf32> to vector<1x16xf32>
      tpu.vector_store %arg8[%swap3A_62, %swap3A_63], %swap3A_66 {strides = array<i32>} : memref<128x128xf32, #tpu.memory_space<vmem>>, vector<1x16xf32>,
      %broadcast_in_dim3A_67 = arith.constant 0.000000e+00 : f32
      %broadcast_in_dim3A_68 = vector.broadcast %broadcast_in_dim3A_67 : f32 to vector<16xf32>
      %swap3A_69 = arith.index_cast %scan3A_54 : i32 to index
      %swap3A_70 = arith.constant 32 : index
      %swap3A_71 = tpu.vector_load %arg8[%swap3A_69, %swap3A_70] {strides = array<i32>} : memref<128x128xf32, #tpu.memory_space<vmem>>, vector<1x16xf32>,
      %swap3A_72 = vector.shape_cast %swap3A_71 : vector<1x16xf32> to vector<16xf32>
      %swap3A_73 = vector.shape_cast %broadcast_in_dim3A_68 : vector<16xf32> to vector<1x16xf32>
      tpu.vector_store %arg8[%swap3A_69, %swap3A_70], %swap3A_73 {strides = array<i32>} : memref<128x128xf32, #tpu.memory_space<vmem>>, vector<1x16xf32>,
      %broadcast_in_dim3A_74 = arith.constant 0.000000e+00 : f32
      %broadcast_in_dim3A_75 = vector.broadcast %broadcast_in_dim3A_74 : f32 to vector<16xf32>
      %swap3A_76 = arith.index_cast %scan3A_54 : i32 to index
      %swap3A_77 = arith.constant 48 : index
      %swap3A_78 = tpu.vector_load %arg8[%swap3A_76, %swap3A_77] {strides = array<i32>} : memref<128x128xf32, #tpu.memory_space<vmem>>, vector<1x16xf32>,
      %swap3A_79 = vector.shape_cast %swap3A_78 : vector<1x16xf32> to vector<16xf32>
      %swap3A_80 = vector.shape_cast %broadcast_in_dim3A_75 : vector<16xf32> to vector<1x16xf32>
      tpu.vector_store %arg8[%swap3A_76, %swap3A_77], %swap3A_80 {strides = array<i32>} : memref<128x128xf32, #tpu.memory_space<vmem>>, vector<1x16xf32>,
      %broadcast_in_dim3A_81 = arith.constant 0.000000e+00 : f32
      %broadcast_in_dim3A_82 = vector.broadcast %broadcast_in_dim3A_81 : f32 to vector<16xf32>
      %swap3A_83 = arith.index_cast %scan3A_54 : i32 to index
      %swap3A_84 = arith.constant 64 : index
      %swap3A_85 = tpu.vector_load %arg8[%swap3A_83, %swap3A_84] {strides = array<i32>} : memref<128x128xf32, #tpu.memory_space<vmem>>, vector<1x16xf32>,
      %swap3A_86 = vector.shape_cast %swap3A_85 : vector<1x16xf32> to vector<16xf32>
      %swap3A_87 = vector.shape_cast %broadcast_in_dim3A_82 : vector<16xf32> to vector<1x16xf32>
      tpu.vector_store %arg8[%swap3A_83, %swap3A_84], %swap3A_87 {strides = array<i32>} : memref<128x128xf32, #tpu.memory_space<vmem>>, vector<1x16xf32>,
      %broadcast_in_dim3A_88 = arith.constant 0.000000e+00 : f32
      %broadcast_in_dim3A_89 = vector.broadcast %broadcast_in_dim3A_88 : f32 to vector<16xf32>
      %swap3A_90 = arith.index_cast %scan3A_54 : i32 to index
      %swap3A_91 = arith.constant 80 : index
      %swap3A_92 = tpu.vector_load %arg8[%swap3A_90, %swap3A_91] {strides = array<i32>} : memref<128x128xf32, #tpu.memory_space<vmem>>, vector<1x16xf32>,
      %swap3A_93 = vector.shape_cast %swap3A_92 : vector<1x16xf32> to vector<16xf32>
      %swap3A_94 = vector.shape_cast %broadcast_in_dim3A_89 : vector<16xf32> to vector<1x16xf32>
      tpu.vector_store %arg8[%swap3A_90, %swap3A_91], %swap3A_94 {strides = array<i32>} : memref<128x128xf32, #tpu.memory_space<vmem>>, vector<1x16xf32>,
      %broadcast_in_dim3A_95 = arith.constant 0.000000e+00 : f32
      %broadcast_in_dim3A_96 = vector.broadcast %broadcast_in_dim3A_95 : f32 to vector<16xf32>
      %swap3A_97 = arith.index_cast %scan3A_54 : i32 to index
      %swap3A_98 = arith.constant 96 : index
      %swap3A_99 = tpu.vector_load %arg8[%swap3A_97, %swap3A_98] {strides = array<i32>} : memref<128x128xf32, #tpu.memory_space<vmem>>, vector<1x16xf32>,
      %swap3A_100 = vector.shape_cast %swap3A_99 : vector<1x16xf32> to vector<16xf32>
      %swap3A_101 = vector.shape_cast %broadcast_in_dim3A_96 : vector<16xf32> to vector<1x16xf32>
      tpu.vector_store %arg8[%swap3A_97, %swap3A_98], %swap3A_101 {strides = array<i32>} : memref<128x128xf32, #tpu.memory_space<vmem>>, vector<1x16xf32>,
      %broadcast_in_dim3A_102 = arith.constant 0.000000e+00 : f32
      %broadcast_in_dim3A_103 = vector.broadcast %broadcast_in_dim3A_102 : f32 to vector<16xf32>
      %swap3A_104 = arith.index_cast %scan3A_54 : i32 to index
      %swap3A_105 = arith.constant 112 : index
      %swap3A_106 = tpu.vector_load %arg8[%swap3A_104, %swap3A_105] {strides = array<i32>} : memref<128x128xf32, #tpu.memory_space<vmem>>, vector<1x16xf32>,
      %swap3A_107 = vector.shape_cast %swap3A_106 : vector<1x16xf32> to vector<16xf32>
      %swap3A_108 = vector.shape_cast %broadcast_in_dim3A_103 : vector<16xf32> to vector<1x16xf32>
      tpu.vector_store %arg8[%swap3A_104, %swap3A_105], %swap3A_108 {strides = array<i32>} : memref<128x128xf32, #tpu.memory_space<vmem>>, vector<1x16xf32>,
    }
    %scan3A_13 = arith.constant 128 : i32
    %mul3A_14 = arith.constant 640 : i32
    %mul3A_15 = arith.muli %arg1, %mul3A_14 : i32
    %add3A_16 = arith.constant 0 : i32
    %add3A_17 = arith.addi %mul3A_15, %add3A_16 : i32
    "tpu.region"() ({
      %run_scoped3A = tpu.sem_alloc : memref<!tpu.dma_semaphore, #tpu.memory_space<semaphore_mem>>
      %dma_start3A_54 = arith.constant 0 : i32
      %dma_start3A_55 = tpu.memref_slice %arg10[%add3A_17, %dma_start3A_54] : memref<10240x128xf32, #tpu.memory_space<vmem_shared>> -> memref<128x128xf32, #tpu.memory_space<vmem_shared>>
      %dma_start3A_56 = arith.constant 0 : i32
      %dma_start3A_57 = tpu.memref_slice %arg10[%add3A_17, %dma_start3A_56] : memref<10240x128xf32, #tpu.memory_space<vmem_shared>> -> memref<128x128xf32, #tpu.memory_space<vmem_shared>>
      tpu.enqueue_dma source(%arg8 : memref<128x128xf32, #tpu.memory_space<vmem>>) target(%dma_start3A_57 : memref<128x128xf32, #tpu.memory_space<vmem_shared>>) target_semaphore(%run_scoped3A : memref<!tpu.dma_semaphore, #tpu.memory_space<semaphore_mem>>)
      %dma_wait3A = arith.constant 0 : i32
      %dma_wait3A_58 = tpu.memref_slice %arg10[%add3A_17, %dma_wait3A] : memref<10240x128xf32, #tpu.memory_space<vmem_shared>> -> memref<128x128xf32, #tpu.memory_space<vmem_shared>>
      %dma_wait3A_59 = arith.constant 0 : i32
      %dma_wait3A_60 = tpu.memref_slice %arg10[%add3A_17, %dma_wait3A_59] : memref<10240x128xf32, #tpu.memory_space<vmem_shared>> -> memref<128x128xf32, #tpu.memory_space<vmem_shared>>
      tpu.wait_dma2 semaphore(%run_scoped3A : memref<!tpu.dma_semaphore, #tpu.memory_space<semaphore_mem>>) src(%arg8 : memref<128x128xf32, #tpu.memory_space<vmem>>) dst(%dma_wait3A_60 : memref<128x128xf32, #tpu.memory_space<vmem_shared>>)
      tpu.yield
    }) : () -> ()
    %mul3A_18 = arith.constant 640 : i32
    %mul3A_19 = arith.muli %arg1, %mul3A_18 : i32
    %add3A_20 = arith.constant 128 : i32
    %add3A_21 = arith.addi %mul3A_19, %add3A_20 : i32
    "tpu.region"() ({
      %run_scoped3A = tpu.sem_alloc : memref<!tpu.dma_semaphore, #tpu.memory_space<semaphore_mem>>
      %dma_start3A_54 = arith.constant 0 : i32
      %dma_start3A_55 = tpu.memref_slice %arg10[%add3A_21, %dma_start3A_54] : memref<10240x128xf32, #tpu.memory_space<vmem_shared>> -> memref<128x128xf32, #tpu.memory_space<vmem_shared>>
      %dma_start3A_56 = arith.constant 0 : i32
      %dma_start3A_57 = tpu.memref_slice %arg10[%add3A_21, %dma_start3A_56] : memref<10240x128xf32, #tpu.memory_space<vmem_shared>> -> memref<128x128xf32, #tpu.memory_space<vmem_shared>>
      tpu.enqueue_dma source(%arg8 : memref<128x128xf32, #tpu.memory_space<vmem>>) target(%dma_start3A_57 : memref<128x128xf32, #tpu.memory_space<vmem_shared>>) target_semaphore(%run_scoped3A : memref<!tpu.dma_semaphore, #tpu.memory_space<semaphore_mem>>)
      %dma_wait3A = arith.constant 0 : i32
      %dma_wait3A_58 = tpu.memref_slice %arg10[%add3A_21, %dma_wait3A] : memref<10240x128xf32, #tpu.memory_space<vmem_shared>> -> memref<128x128xf32, #tpu.memory_space<vmem_shared>>
      %dma_wait3A_59 = arith.constant 0 : i32
      %dma_wait3A_60 = tpu.memref_slice %arg10[%add3A_21, %dma_wait3A_59] : memref<10240x128xf32, #tpu.memory_space<vmem_shared>> -> memref<128x128xf32, #tpu.memory_space<vmem_shared>>
      tpu.wait_dma2 semaphore(%run_scoped3A : memref<!tpu.dma_semaphore, #tpu.memory_space<semaphore_mem>>) src(%arg8 : memref<128x128xf32, #tpu.memory_space<vmem>>) dst(%dma_wait3A_60 : memref<128x128xf32, #tpu.memory_space<vmem_shared>>)
      tpu.yield
    }) : () -> ()
    %mul3A_22 = arith.constant 640 : i32
    %mul3A_23 = arith.muli %arg1, %mul3A_22 : i32
    %add3A_24 = arith.constant 256 : i32
    %add3A_25 = arith.addi %mul3A_23, %add3A_24 : i32
    "tpu.region"() ({
      %run_scoped3A = tpu.sem_alloc : memref<!tpu.dma_semaphore, #tpu.memory_space<semaphore_mem>>
      %dma_start3A_54 = arith.constant 0 : i32
      %dma_start3A_55 = tpu.memref_slice %arg10[%add3A_25, %dma_start3A_54] : memref<10240x128xf32, #tpu.memory_space<vmem_shared>> -> memref<128x128xf32, #tpu.memory_space<vmem_shared>>
      %dma_start3A_56 = arith.constant 0 : i32
      %dma_start3A_57 = tpu.memref_slice %arg10[%add3A_25, %dma_start3A_56] : memref<10240x128xf32, #tpu.memory_space<vmem_shared>> -> memref<128x128xf32, #tpu.memory_space<vmem_shared>>
      tpu.enqueue_dma source(%arg8 : memref<128x128xf32, #tpu.memory_space<vmem>>) target(%dma_start3A_57 : memref<128x128xf32, #tpu.memory_space<vmem_shared>>) target_semaphore(%run_scoped3A : memref<!tpu.dma_semaphore, #tpu.memory_space<semaphore_mem>>)
      %dma_wait3A = arith.constant 0 : i32
      %dma_wait3A_58 = tpu.memref_slice %arg10[%add3A_25, %dma_wait3A] : memref<10240x128xf32, #tpu.memory_space<vmem_shared>> -> memref<128x128xf32, #tpu.memory_space<vmem_shared>>
      %dma_wait3A_59 = arith.constant 0 : i32
      %dma_wait3A_60 = tpu.memref_slice %arg10[%add3A_25, %dma_wait3A_59] : memref<10240x128xf32, #tpu.memory_space<vmem_shared>> -> memref<128x128xf32, #tpu.memory_space<vmem_shared>>
      tpu.wait_dma2 semaphore(%run_scoped3A : memref<!tpu.dma_semaphore, #tpu.memory_space<semaphore_mem>>) src(%arg8 : memref<128x128xf32, #tpu.memory_space<vmem>>) dst(%dma_wait3A_60 : memref<128x128xf32, #tpu.memory_space<vmem_shared>>)
      tpu.yield
    }) : () -> ()
    %mul3A_26 = arith.constant 640 : i32
    %mul3A_27 = arith.muli %arg1, %mul3A_26 : i32
    %add3A_28 = arith.constant 384 : i32
    %add3A_29 = arith.addi %mul3A_27, %add3A_28 : i32
    "tpu.region"() ({
      %run_scoped3A = tpu.sem_alloc : memref<!tpu.dma_semaphore, #tpu.memory_space<semaphore_mem>>
      %dma_start3A_54 = arith.constant 0 : i32
      %dma_start3A_55 = tpu.memref_slice %arg10[%add3A_29, %dma_start3A_54] : memref<10240x128xf32, #tpu.memory_space<vmem_shared>> -> memref<128x128xf32, #tpu.memory_space<vmem_shared>>
      %dma_start3A_56 = arith.constant 0 : i32
      %dma_start3A_57 = tpu.memref_slice %arg10[%add3A_29, %dma_start3A_56] : memref<10240x128xf32, #tpu.memory_space<vmem_shared>> -> memref<128x128xf32, #tpu.memory_space<vmem_shared>>
      tpu.enqueue_dma source(%arg8 : memref<128x128xf32, #tpu.memory_space<vmem>>) target(%dma_start3A_57 : memref<128x128xf32, #tpu.memory_space<vmem_shared>>) target_semaphore(%run_scoped3A : memref<!tpu.dma_semaphore, #tpu.memory_space<semaphore_mem>>)
      %dma_wait3A = arith.constant 0 : i32
      %dma_wait3A_58 = tpu.memref_slice %arg10[%add3A_29, %dma_wait3A] : memref<10240x128xf32, #tpu.memory_space<vmem_shared>> -> memref<128x128xf32, #tpu.memory_space<vmem_shared>>
      %dma_wait3A_59 = arith.constant 0 : i32
      %dma_wait3A_60 = tpu.memref_slice %arg10[%add3A_29, %dma_wait3A_59] : memref<10240x128xf32, #tpu.memory_space<vmem_shared>> -> memref<128x128xf32, #tpu.memory_space<vmem_shared>>
      tpu.wait_dma2 semaphore(%run_scoped3A : memref<!tpu.dma_semaphore, #tpu.memory_space<semaphore_mem>>) src(%arg8 : memref<128x128xf32, #tpu.memory_space<vmem>>) dst(%dma_wait3A_60 : memref<128x128xf32, #tpu.memory_space<vmem_shared>>)
      tpu.yield
    }) : () -> ()
    %mul3A_30 = arith.constant 640 : i32
    %mul3A_31 = arith.muli %arg1, %mul3A_30 : i32
    %add3A_32 = arith.constant 512 : i32
    %add3A_33 = arith.addi %mul3A_31, %add3A_32 : i32
    "tpu.region"() ({
      %run_scoped3A = tpu.sem_alloc : memref<!tpu.dma_semaphore, #tpu.memory_space<semaphore_mem>>
      %dma_start3A_54 = arith.constant 0 : i32
      %dma_start3A_55 = tpu.memref_slice %arg10[%add3A_33, %dma_start3A_54] : memref<10240x128xf32, #tpu.memory_space<vmem_shared>> -> memref<128x128xf32, #tpu.memory_space<vmem_shared>>
      %dma_start3A_56 = arith.constant 0 : i32
      %dma_start3A_57 = tpu.memref_slice %arg10[%add3A_33, %dma_start3A_56] : memref<10240x128xf32, #tpu.memory_space<vmem_shared>> -> memref<128x128xf32, #tpu.memory_space<vmem_shared>>
      tpu.enqueue_dma source(%arg8 : memref<128x128xf32, #tpu.memory_space<vmem>>) target(%dma_start3A_57 : memref<128x128xf32, #tpu.memory_space<vmem_shared>>) target_semaphore(%run_scoped3A : memref<!tpu.dma_semaphore, #tpu.memory_space<semaphore_mem>>)
      %dma_wait3A = arith.constant 0 : i32
      %dma_wait3A_58 = tpu.memref_slice %arg10[%add3A_33, %dma_wait3A] : memref<10240x128xf32, #tpu.memory_space<vmem_shared>> -> memref<128x128xf32, #tpu.memory_space<vmem_shared>>
      %dma_wait3A_59 = arith.constant 0 : i32
      %dma_wait3A_60 = tpu.memref_slice %arg10[%add3A_33, %dma_wait3A_59] : memref<10240x128xf32, #tpu.memory_space<vmem_shared>> -> memref<128x128xf32, #tpu.memory_space<vmem_shared>>
      tpu.wait_dma2 semaphore(%run_scoped3A : memref<!tpu.dma_semaphore, #tpu.memory_space<semaphore_mem>>) src(%arg8 : memref<128x128xf32, #tpu.memory_space<vmem>>) dst(%dma_wait3A_60 : memref<128x128xf32, #tpu.memory_space<vmem_shared>>)
      tpu.yield
    }) : () -> ()
    %dma_start3A_34 = arith.constant 0 : i32
    %dma_start3A_35 = arith.constant 0 : i32
    %dma_start3A_36 = tpu.memref_slice %arg6[%dma_start3A_34, %dma_start3A_35] : memref<32x128xi32, #tpu.memory_space<vmem>> -> memref<1x128xi32, #tpu.memory_space<vmem>>
    %dma_start3A_37 = tpu.memref_squeeze %dma_start3A_36 : memref<1x128xi32, #tpu.memory_space<vmem>> -> memref<128xi32, #tpu.memory_space<vmem>>
    %dma_start3A_38 = arith.constant 0 : i32
    %dma_start3A_39 = arith.constant 0 : i32
    %dma_start3A_40 = tpu.memref_slice %arg2[%dma_start3A_38, %dma_start3A_39] : memref<10000x128xf32, #tpu.memory_space<hbm>> -> memref<10000x128xf32, #tpu.memory_space<hbm>>
    tpu.enqueue_indirect_dma source(%dma_start3A_40 : memref<10000x128xf32, #tpu.memory_space<hbm>>) target(%arg8 : memref<128x128xf32, #tpu.memory_space<vmem>>) offsets(%dma_start3A_37 : memref<128xi32, #tpu.memory_space<vmem>>) semaphore(%arg11 : memref<!tpu.dma_semaphore, #tpu.memory_space<semaphore_mem>>)
    %barrier3A = arith.constant 0 : index
    tpu.barrier barrier_id(%barrier3A)
    %scan3A_41 = arith.constant 0 : i32
    %scan3A_42 = arith.constant 0 : i32
    %scan3A_43 = arith.constant 40 : i32
    %scan3A_44 = arith.addi %scan3A_42, %scan3A_43 : i32
    %scan3A_45 = arith.constant 1 : i32
    scf.for %scan3A_54 = %scan3A_42 to %scan3A_44 step %scan3A_45  : i32 {
      %mul3A_55 = arith.constant 2 : i32
      %mul3A_56 = arith.muli %mul3A_55, %scan3A_54 : i32
      %jit3A = arith.constant 8 : i32
      %eq3A_57 = arith.constant 0 : i32
      %eq3A_58 = arith.cmpi eq, %jit3A, %eq3A_57 : i32
      %jit3A_59 = arith.constant 1 : i32
      %select_n3A = arith.select %eq3A_58, %jit3A_59, %jit3A : i32
      %rem3A = arith.remsi %scan3A_54, %select_n3A : i32
      %ne3A = arith.constant 0 : i32
      %ne3A_60 = arith.cmpi ne, %rem3A, %ne3A : i32
      %lt3A_61 = arith.constant 0 : i32
      %lt3A_62 = arith.cmpi slt, %rem3A, %lt3A_61 : i32
      %lt3A_63 = arith.constant 0 : i32
      %lt3A_64 = arith.cmpi slt, %select_n3A, %lt3A_63 : i32
      %ne3A_65 = arith.xori %lt3A_62, %lt3A_64 : i1
      %and3A = arith.andi %ne3A_65, %ne3A_60 : i1
      %add3A_66 = arith.addi %rem3A, %select_n3A : i32
      %select_n3A_67 = arith.select %and3A, %add3A_66, %rem3A : i32
      %eq3A_68 = arith.constant 0 : i32
      %eq3A_69 = arith.cmpi eq, %select_n3A_67, %eq3A_68 : i32
      %lt3A_70 = arith.constant 32 : i32
      %lt3A_71 = arith.cmpi slt, %scan3A_54, %lt3A_70 : i32
      %and3A_72 = arith.andi %eq3A_69, %lt3A_71 : i1
      %convert_element_type3A_73 = arith.extui %and3A_72 : i1 to i32
      %cond3A_74 = arith.constant 0 : i32
      %cond3A_75 = arith.cmpi ne, %convert_element_type3A_73, %cond3A_74 : i32
      scf.if %cond3A_75 {
        %jit3A_155 = arith.constant 8 : i32
        %div3A = arith.divsi %scan3A_54, %jit3A_155 : i32
        %sign3A = arith.constant 0 : i32
        %sign3A_156 = arith.cmpi sgt, %scan3A_54, %sign3A : i32
        %sign3A_157 = arith.extui %sign3A_156 : i1 to i32
        %sign3A_158 = arith.constant 0 : i32
        %sign3A_159 = arith.cmpi slt, %scan3A_54, %sign3A_158 : i32
        %sign3A_160 = arith.extui %sign3A_159 : i1 to i32
        %sign3A_161 = arith.subi %sign3A_157, %sign3A_160 : i32
        %sign3A_162 = arith.constant 0 : i32
        %sign3A_163 = arith.cmpi sgt, %jit3A_155, %sign3A_162 : i32
        %sign3A_164 = arith.extui %sign3A_163 : i1 to i32
        %sign3A_165 = arith.constant 0 : i32
        %sign3A_166 = arith.cmpi slt, %jit3A_155, %sign3A_165 : i32
        %sign3A_167 = arith.extui %sign3A_166 : i1 to i32
        %sign3A_168 = arith.subi %sign3A_164, %sign3A_167 : i32
        %ne3A_169 = arith.cmpi ne, %sign3A_161, %sign3A_168 : i32
        %rem3A_170 = arith.remsi %scan3A_54, %jit3A_155 : i32
        %ne3A_171 = arith.constant 0 : i32
        %ne3A_172 = arith.cmpi ne, %rem3A_170, %ne3A_171 : i32
        %and3A_173 = arith.andi %ne3A_169, %ne3A_172 : i1
        %sub3A = arith.constant 1 : i32
        %sub3A_174 = arith.subi %div3A, %sub3A : i32
        %select_n3A_175 = arith.select %and3A_173, %sub3A_174, %div3A : i32
        %add3A_176 = arith.constant 1 : i32
        %add3A_177 = arith.addi %select_n3A_175, %add3A_176 : i32
        %jit3A_178 = arith.constant 2 : i32
        %eq3A_179 = arith.constant 0 : i32
        %eq3A_180 = arith.cmpi eq, %jit3A_178, %eq3A_179 : i32
        %jit3A_181 = arith.constant 1 : i32
        %select_n3A_182 = arith.select %eq3A_180, %jit3A_181, %jit3A_178 : i32
        %rem3A_183 = arith.remsi %add3A_177, %select_n3A_182 : i32
        %ne3A_184 = arith.constant 0 : i32
        %ne3A_185 = arith.cmpi ne, %rem3A_183, %ne3A_184 : i32
        %lt3A_186 = arith.constant 0 : i32
        %lt3A_187 = arith.cmpi slt, %rem3A_183, %lt3A_186 : i32
        %lt3A_188 = arith.constant 0 : i32
        %lt3A_189 = arith.cmpi slt, %select_n3A_182, %lt3A_188 : i32
        %ne3A_190 = arith.xori %lt3A_187, %lt3A_189 : i1
        %and3A_191 = arith.andi %ne3A_190, %ne3A_185 : i1
        %add3A_192 = arith.addi %rem3A_183, %select_n3A_182 : i32
        %select_n3A_193 = arith.select %and3A_191, %add3A_192, %rem3A_183 : i32
        %mul3A_194 = arith.constant 16 : i32
        %mul3A_195 = arith.muli %select_n3A_193, %mul3A_194 : i32
        %add3A_196 = arith.addi %mul3A_2, %mul3A_56 : i32
        %add3A_197 = arith.constant 16 : i32
        %add3A_198 = arith.addi %add3A_196, %add3A_197 : i32
        %multiple_of3A = tpu.assume_multiple %add3A_198, 8 : i32
        "tpu.region"() ({
          %run_scoped3A = tpu.sem_alloc : memref<!tpu.dma_semaphore, #tpu.memory_space<semaphore_mem>>
          %dma_start3A_199 = arith.constant 0 : i32
          %dma_start3A_200 = tpu.memref_slice %arg6[%mul3A_195, %dma_start3A_199] : memref<32x128xi32, #tpu.memory_space<vmem>> -> memref<16x128xi32, #tpu.memory_space<vmem>>
          %dma_start3A_201 = arith.constant 0 : i32
          %dma_start3A_202 = tpu.memref_slice %arg3[%multiple_of3A, %dma_start3A_201] : memref<2560x128xi32, #tpu.memory_space<hbm>> -> memref<16x128xi32, #tpu.memory_space<hbm>>
          %dma_start3A_203 = arith.constant 0 : i32
          %dma_start3A_204 = tpu.memref_slice %arg6[%mul3A_195, %dma_start3A_203] : memref<32x128xi32, #tpu.memory_space<vmem>> -> memref<16x128xi32, #tpu.memory_space<vmem>>
          %dma_start3A_205 = arith.constant 0 : i32
          %dma_start3A_206 = tpu.memref_slice %arg3[%multiple_of3A, %dma_start3A_205] : memref<2560x128xi32, #tpu.memory_space<hbm>> -> memref<16x128xi32, #tpu.memory_space<hbm>>
          tpu.enqueue_dma source(%dma_start3A_206 : memref<16x128xi32, #tpu.memory_space<hbm>>) target(%dma_start3A_204 : memref<16x128xi32, #tpu.memory_space<vmem>>) target_semaphore(%run_scoped3A : memref<!tpu.dma_semaphore, #tpu.memory_space<semaphore_mem>>)
          %dma_wait3A_207 = arith.constant 0 : i32
          %dma_wait3A_208 = tpu.memref_slice %arg6[%mul3A_195, %dma_wait3A_207] : memref<32x128xi32, #tpu.memory_space<vmem>> -> memref<16x128xi32, #tpu.memory_space<vmem>>
          %dma_wait3A_209 = arith.constant 0 : i32
          %dma_wait3A_210 = tpu.memref_slice %arg3[%multiple_of3A, %dma_wait3A_209] : memref<2560x128xi32, #tpu.memory_space<hbm>> -> memref<16x128xi32, #tpu.memory_space<hbm>>
          %dma_wait3A_211 = arith.constant 0 : i32
          %dma_wait3A_212 = tpu.memref_slice %arg6[%mul3A_195, %dma_wait3A_211] : memref<32x128xi32, #tpu.memory_space<vmem>> -> memref<16x128xi32, #tpu.memory_space<vmem>>
          %dma_wait3A_213 = arith.constant 0 : i32
          %dma_wait3A_214 = tpu.memref_slice %arg3[%multiple_of3A, %dma_wait3A_213] : memref<2560x128xi32, #tpu.memory_space<hbm>> -> memref<16x128xi32, #tpu.memory_space<hbm>>
          tpu.wait_dma2 semaphore(%run_scoped3A : memref<!tpu.dma_semaphore, #tpu.memory_space<semaphore_mem>>) src(%dma_wait3A_214 : memref<16x128xi32, #tpu.memory_space<hbm>>) dst(%dma_wait3A_212 : memref<16x128xi32, #tpu.memory_space<vmem>>)
          tpu.yield
        }) : () -> ()
        "tpu.region"() ({
          %run_scoped3A = tpu.sem_alloc : memref<!tpu.dma_semaphore, #tpu.memory_space<semaphore_mem>>
          %dma_start3A_199 = arith.constant 0 : i32
          %dma_start3A_200 = tpu.memref_slice %arg7[%mul3A_195, %dma_start3A_199] : memref<32x128xi32, #tpu.memory_space<vmem>> -> memref<16x128xi32, #tpu.memory_space<vmem>>
          %dma_start3A_201 = arith.constant 0 : i32
          %dma_start3A_202 = tpu.memref_slice %arg4[%multiple_of3A, %dma_start3A_201] : memref<2560x128xi32, #tpu.memory_space<hbm>> -> memref<16x128xi32, #tpu.memory_space<hbm>>
          %dma_start3A_203 = arith.constant 0 : i32
          %dma_start3A_204 = tpu.memref_slice %arg7[%mul3A_195, %dma_start3A_203] : memref<32x128xi32, #tpu.memory_space<vmem>> -> memref<16x128xi32, #tpu.memory_space<vmem>>
          %dma_start3A_205 = arith.constant 0 : i32
          %dma_start3A_206 = tpu.memref_slice %arg4[%multiple_of3A, %dma_start3A_205] : memref<2560x128xi32, #tpu.memory_space<hbm>> -> memref<16x128xi32, #tpu.memory_space<hbm>>
          tpu.enqueue_dma source(%dma_start3A_206 : memref<16x128xi32, #tpu.memory_space<hbm>>) target(%dma_start3A_204 : memref<16x128xi32, #tpu.memory_space<vmem>>) target_semaphore(%run_scoped3A : memref<!tpu.dma_semaphore, #tpu.memory_space<semaphore_mem>>)
          %dma_wait3A_207 = arith.constant 0 : i32
          %dma_wait3A_208 = tpu.memref_slice %arg7[%mul3A_195, %dma_wait3A_207] : memref<32x128xi32, #tpu.memory_space<vmem>> -> memref<16x128xi32, #tpu.memory_space<vmem>>
          %dma_wait3A_209 = arith.constant 0 : i32
          %dma_wait3A_210 = tpu.memref_slice %arg4[%multiple_of3A, %dma_wait3A_209] : memref<2560x128xi32, #tpu.memory_space<hbm>> -> memref<16x128xi32, #tpu.memory_space<hbm>>
          %dma_wait3A_211 = arith.constant 0 : i32
          %dma_wait3A_212 = tpu.memref_slice %arg7[%mul3A_195, %dma_wait3A_211] : memref<32x128xi32, #tpu.memory_space<vmem>> -> memref<16x128xi32, #tpu.memory_space<vmem>>
          %dma_wait3A_213 = arith.constant 0 : i32
          %dma_wait3A_214 = tpu.memref_slice %arg4[%multiple_of3A, %dma_wait3A_213] : memref<2560x128xi32, #tpu.memory_space<hbm>> -> memref<16x128xi32, #tpu.memory_space<hbm>>
          tpu.wait_dma2 semaphore(%run_scoped3A : memref<!tpu.dma_semaphore, #tpu.memory_space<semaphore_mem>>) src(%dma_wait3A_214 : memref<16x128xi32, #tpu.memory_space<hbm>>) dst(%dma_wait3A_212 : memref<16x128xi32, #tpu.memory_space<vmem>>)
          tpu.yield
        }) : () -> ()
      } else {
      }
      %dma_wait3A = arith.constant 0 : i32
      %dma_wait3A_76 = arith.constant 0 : i32
      %dma_wait3A_77 = tpu.memref_slice %arg2[%dma_wait3A, %dma_wait3A_76] : memref<10000x128xf32, #tpu.memory_space<hbm>> -> memref<128x128xf32, #tpu.memory_space<hbm>>
      %dma_wait3A_78 = arith.constant 0 : i32
      %dma_wait3A_79 = arith.constant 0 : i32
      %dma_wait3A_80 = tpu.memref_slice %arg2[%dma_wait3A_78, %dma_wait3A_79] : memref<10000x128xf32, #tpu.memory_space<hbm>> -> memref<128x128xf32, #tpu.memory_space<hbm>>
      tpu.wait_dma2 semaphore(%arg11 : memref<!tpu.dma_semaphore, #tpu.memory_space<semaphore_mem>>) src(%dma_wait3A_80 : memref<128x128xf32, #tpu.memory_space<hbm>>) dst(%arg8 : memref<128x128xf32, #tpu.memory_space<vmem>>)
      %jit3A_81 = arith.constant 32 : i32
      %eq3A_82 = arith.constant 0 : i32
      %eq3A_83 = arith.cmpi eq, %jit3A_81, %eq3A_82 : i32
      %jit3A_84 = arith.constant 1 : i32
      %select_n3A_85 = arith.select %eq3A_83, %jit3A_84, %jit3A_81 : i32
      %rem3A_86 = arith.remsi %mul3A_56, %select_n3A_85 : i32
      %ne3A_87 = arith.constant 0 : i32
      %ne3A_88 = arith.cmpi ne, %rem3A_86, %ne3A_87 : i32
      %lt3A_89 = arith.constant 0 : i32
      %lt3A_90 = arith.cmpi slt, %rem3A_86, %lt3A_89 : i32
      %lt3A_91 = arith.constant 0 : i32
      %lt3A_92 = arith.cmpi slt, %select_n3A_85, %lt3A_91 : i32
      %ne3A_93 = arith.xori %lt3A_90, %lt3A_92 : i1
      %and3A_94 = arith.andi %ne3A_93, %ne3A_88 : i1
      %add3A_95 = arith.addi %rem3A_86, %select_n3A_85 : i32
      %select_n3A_96 = arith.select %and3A_94, %add3A_95, %rem3A_86 : i32
      %dma_start3A_97 = arith.constant 0 : i32
      %dma_start3A_98 = tpu.memref_slice %arg7[%select_n3A_96, %dma_start3A_97] : memref<32x128xi32, #tpu.memory_space<vmem>> -> memref<1x128xi32, #tpu.memory_space<vmem>>
      %dma_start3A_99 = tpu.memref_squeeze %dma_start3A_98 : memref<1x128xi32, #tpu.memory_space<vmem>> -> memref<128xi32, #tpu.memory_space<vmem>>
      %dma_start3A_100 = arith.constant 0 : i32
      %dma_start3A_101 = arith.constant 0 : i32
      %dma_start3A_102 = tpu.memref_slice %arg10[%dma_start3A_100, %dma_start3A_101] : memref<10240x128xf32, #tpu.memory_space<vmem_shared>> -> memref<10240x128xf32, #tpu.memory_space<vmem_shared>>
      tpu.enqueue_indirect_dma source(%arg8 : memref<128x128xf32, #tpu.memory_space<vmem>>) target(%dma_start3A_102 : memref<10240x128xf32, #tpu.memory_space<vmem_shared>>) offsets(%dma_start3A_99 : memref<128xi32, #tpu.memory_space<vmem>>) semaphore(%arg13 : memref<!tpu.dma_semaphore, #tpu.memory_space<semaphore_mem>>) {add = true}
      %dma_wait3A_103 = arith.constant 0 : i32
      %dma_wait3A_104 = arith.constant 0 : i32
      %dma_wait3A_105 = tpu.memref_slice %arg2[%dma_wait3A_103, %dma_wait3A_104] : memref<10000x128xf32, #tpu.memory_space<hbm>> -> memref<128x128xf32, #tpu.memory_space<hbm>>
      %dma_wait3A_106 = arith.constant 0 : i32
      %dma_wait3A_107 = arith.constant 0 : i32
      %dma_wait3A_108 = tpu.memref_slice %arg2[%dma_wait3A_106, %dma_wait3A_107] : memref<10000x128xf32, #tpu.memory_space<hbm>> -> memref<128x128xf32, #tpu.memory_space<hbm>>
      tpu.wait_dma2 semaphore(%arg12 : memref<!tpu.dma_semaphore, #tpu.memory_space<semaphore_mem>>) src(%dma_wait3A_108 : memref<128x128xf32, #tpu.memory_space<hbm>>) dst(%arg9 : memref<128x128xf32, #tpu.memory_space<vmem>>)
      %dma_wait3A_109 = arith.constant 0 : i32
      %dma_wait3A_110 = arith.constant 0 : i32
      %dma_wait3A_111 = tpu.memref_slice %arg5[%dma_wait3A_109, %dma_wait3A_110] : memref<20000x128xf32, #tpu.memory_space<hbm>> -> memref<128x128xf32, #tpu.memory_space<hbm>>
      %dma_wait3A_112 = arith.constant 0 : i32
      %dma_wait3A_113 = arith.constant 0 : i32
      %dma_wait3A_114 = tpu.memref_slice %arg5[%dma_wait3A_112, %dma_wait3A_113] : memref<20000x128xf32, #tpu.memory_space<hbm>> -> memref<128x128xf32, #tpu.memory_space<hbm>>
      tpu.wait_dma2 semaphore(%arg13 : memref<!tpu.dma_semaphore, #tpu.memory_space<semaphore_mem>>) src(%arg8 : memref<128x128xf32, #tpu.memory_space<vmem>>) dst(%dma_wait3A_114 : memref<128x128xf32, #tpu.memory_space<hbm>>)
      %lt3A_115 = arith.constant 39 : i32
      %lt3A_116 = arith.cmpi slt, %scan3A_54, %lt3A_115 : i32
      %convert_element_type3A_117 = arith.extui %lt3A_116 : i1 to i32
      %cond3A_118 = arith.constant 0 : i32
      %cond3A_119 = arith.cmpi ne, %convert_element_type3A_117, %cond3A_118 : i32
      scf.if %cond3A_119 {
        %add3A_155 = arith.constant 2 : i32
        %add3A_156 = arith.addi %mul3A_56, %add3A_155 : i32
        %jit3A_157 = arith.constant 32 : i32
        %eq3A_158 = arith.constant 0 : i32
        %eq3A_159 = arith.cmpi eq, %jit3A_157, %eq3A_158 : i32
        %jit3A_160 = arith.constant 1 : i32
        %select_n3A_161 = arith.select %eq3A_159, %jit3A_160, %jit3A_157 : i32
        %rem3A_162 = arith.remsi %add3A_156, %select_n3A_161 : i32
        %ne3A_163 = arith.constant 0 : i32
        %ne3A_164 = arith.cmpi ne, %rem3A_162, %ne3A_163 : i32
        %lt3A_165 = arith.constant 0 : i32
        %lt3A_166 = arith.cmpi slt, %rem3A_162, %lt3A_165 : i32
        %lt3A_167 = arith.constant 0 : i32
        %lt3A_168 = arith.cmpi slt, %select_n3A_161, %lt3A_167 : i32
        %ne3A_169 = arith.xori %lt3A_166, %lt3A_168 : i1
        %and3A_170 = arith.andi %ne3A_169, %ne3A_164 : i1
        %add3A_171 = arith.addi %rem3A_162, %select_n3A_161 : i32
        %select_n3A_172 = arith.select %and3A_170, %add3A_171, %rem3A_162 : i32
        %dma_start3A_173 = arith.constant 0 : i32
        %dma_start3A_174 = tpu.memref_slice %arg6[%select_n3A_172, %dma_start3A_173] : memref<32x128xi32, #tpu.memory_space<vmem>> -> memref<1x128xi32, #tpu.memory_space<vmem>>
        %dma_start3A_175 = tpu.memref_squeeze %dma_start3A_174 : memref<1x128xi32, #tpu.memory_space<vmem>> -> memref<128xi32, #tpu.memory_space<vmem>>
        %dma_start3A_176 = arith.constant 0 : i32
        %dma_start3A_177 = arith.constant 0 : i32
        %dma_start3A_178 = tpu.memref_slice %arg2[%dma_start3A_176, %dma_start3A_177] : memref<10000x128xf32, #tpu.memory_space<hbm>> -> memref<10000x128xf32, #tpu.memory_space<hbm>>
        tpu.enqueue_indirect_dma source(%dma_start3A_178 : memref<10000x128xf32, #tpu.memory_space<hbm>>) target(%arg8 : memref<128x128xf32, #tpu.memory_space<vmem>>) offsets(%dma_start3A_175 : memref<128xi32, #tpu.memory_space<vmem>>) semaphore(%arg11 : memref<!tpu.dma_semaphore, #tpu.memory_space<semaphore_mem>>)
      } else {
      }
      %add3A_120 = arith.constant 1 : i32
      %add3A_121 = arith.addi %mul3A_56, %add3A_120 : i32
      %jit3A_122 = arith.constant 32 : i32
      %eq3A_123 = arith.constant 0 : i32
      %eq3A_124 = arith.cmpi eq, %jit3A_122, %eq3A_123 : i32
      %jit3A_125 = arith.constant 1 : i32
      %select_n3A_126 = arith.select %eq3A_124, %jit3A_125, %jit3A_122 : i32
      %rem3A_127 = arith.remsi %add3A_121, %select_n3A_126 : i32
      %ne3A_128 = arith.constant 0 : i32
      %ne3A_129 = arith.cmpi ne, %rem3A_127, %ne3A_128 : i32
      %lt3A_130 = arith.constant 0 : i32
      %lt3A_131 = arith.cmpi slt, %rem3A_127, %lt3A_130 : i32
      %lt3A_132 = arith.constant 0 : i32
      %lt3A_133 = arith.cmpi slt, %select_n3A_126, %lt3A_132 : i32
      %ne3A_134 = arith.xori %lt3A_131, %lt3A_133 : i1
      %and3A_135 = arith.andi %ne3A_134, %ne3A_129 : i1
      %add3A_136 = arith.addi %rem3A_127, %select_n3A_126 : i32
      %select_n3A_137 = arith.select %and3A_135, %add3A_136, %rem3A_127 : i32
      %dma_start3A_138 = arith.constant 0 : i32
      %dma_start3A_139 = tpu.memref_slice %arg7[%select_n3A_137, %dma_start3A_138] : memref<32x128xi32, #tpu.memory_space<vmem>> -> memref<1x128xi32, #tpu.memory_space<vmem>>
      %dma_start3A_140 = tpu.memref_squeeze %dma_start3A_139 : memref<1x128xi32, #tpu.memory_space<vmem>> -> memref<128xi32, #tpu.memory_space<vmem>>
      %dma_start3A_141 = arith.constant 0 : i32
      %dma_start3A_142 = arith.constant 0 : i32
      %dma_start3A_143 = tpu.memref_slice %arg10[%dma_start3A_141, %dma_start3A_142] : memref<10240x128xf32, #tpu.memory_space<vmem_shared>> -> memref<10240x128xf32, #tpu.memory_space<vmem_shared>>
      tpu.enqueue_indirect_dma source(%arg9 : memref<128x128xf32, #tpu.memory_space<vmem>>) target(%dma_start3A_143 : memref<10240x128xf32, #tpu.memory_space<vmem_shared>>) offsets(%dma_start3A_140 : memref<128xi32, #tpu.memory_space<vmem>>) semaphore(%arg14 : memref<!tpu.dma_semaphore, #tpu.memory_space<semaphore_mem>>) {add = true}
      %dma_wait3A_144 = arith.constant 0 : i32
      %dma_wait3A_145 = arith.constant 0 : i32
      %dma_wait3A_146 = tpu.memref_slice %arg5[%dma_wait3A_144, %dma_wait3A_145] : memref<20000x128xf32, #tpu.memory_space<hbm>> -> memref<128x128xf32, #tpu.memory_space<hbm>>
      %dma_wait3A_147 = arith.constant 0 : i32
      %dma_wait3A_148 = arith.constant 0 : i32
      %dma_wait3A_149 = tpu.memref_slice %arg5[%dma_wait3A_147, %dma_wait3A_148] : memref<20000x128xf32, #tpu.memory_space<hbm>> -> memref<128x128xf32, #tpu.memory_space<hbm>>
      tpu.wait_dma2 semaphore(%arg14 : memref<!tpu.dma_semaphore, #tpu.memory_space<semaphore_mem>>) src(%arg9 : memref<128x128xf32, #tpu.memory_space<vmem>>) dst(%dma_wait3A_149 : memref<128x128xf32, #tpu.memory_space<hbm>>)
      %lt3A_150 = arith.constant 39 : i32
      %lt3A_151 = arith.cmpi slt, %scan3A_54, %lt3A_150 : i32
      %convert_element_type3A_152 = arith.extui %lt3A_151 : i1 to i32
      %cond3A_153 = arith.constant 0 : i32
      %cond3A_154 = arith.cmpi ne, %convert_element_type3A_152, %cond3A_153 : i32
      scf.if %cond3A_154 {
        %add3A_155 = arith.constant 3 : i32
        %add3A_156 = arith.addi %mul3A_56, %add3A_155 : i32
        %jit3A_157 = arith.constant 32 : i32
        %eq3A_158 = arith.constant 0 : i32
        %eq3A_159 = arith.cmpi eq, %jit3A_157, %eq3A_158 : i32
        %jit3A_160 = arith.constant 1 : i32
        %select_n3A_161 = arith.select %eq3A_159, %jit3A_160, %jit3A_157 : i32
        %rem3A_162 = arith.remsi %add3A_156, %select_n3A_161 : i32
        %ne3A_163 = arith.constant 0 : i32
        %ne3A_164 = arith.cmpi ne, %rem3A_162, %ne3A_163 : i32
        %lt3A_165 = arith.constant 0 : i32
        %lt3A_166 = arith.cmpi slt, %rem3A_162, %lt3A_165 : i32
        %lt3A_167 = arith.constant 0 : i32
        %lt3A_168 = arith.cmpi slt, %select_n3A_161, %lt3A_167 : i32
        %ne3A_169 = arith.xori %lt3A_166, %lt3A_168 : i1
        %and3A_170 = arith.andi %ne3A_169, %ne3A_164 : i1
        %add3A_171 = arith.addi %rem3A_162, %select_n3A_161 : i32
        %select_n3A_172 = arith.select %and3A_170, %add3A_171, %rem3A_162 : i32
        %dma_start3A_173 = arith.constant 0 : i32
        %dma_start3A_174 = tpu.memref_slice %arg6[%select_n3A_172, %dma_start3A_173] : memref<32x128xi32, #tpu.memory_space<vmem>> -> memref<1x128xi32, #tpu.memory_space<vmem>>
        %dma_start3A_175 = tpu.memref_squeeze %dma_start3A_174 : memref<1x128xi32, #tpu.memory_space<vmem>> -> memref<128xi32, #tpu.memory_space<vmem>>
        %dma_start3A_176 = arith.constant 0 : i32
        %dma_start3A_177 = arith.constant 0 : i32
        %dma_start3A_178 = tpu.memref_slice %arg2[%dma_start3A_176, %dma_start3A_177] : memref<10000x128xf32, #tpu.memory_space<hbm>> -> memref<10000x128xf32, #tpu.memory_space<hbm>>
        tpu.enqueue_indirect_dma source(%dma_start3A_178 : memref<10000x128xf32, #tpu.memory_space<hbm>>) target(%arg9 : memref<128x128xf32, #tpu.memory_space<vmem>>) offsets(%dma_start3A_175 : memref<128xi32, #tpu.memory_space<vmem>>) semaphore(%arg12 : memref<!tpu.dma_semaphore, #tpu.memory_space<semaphore_mem>>)
      } else {
      }
    }
    %scan3A_46 = arith.constant 40 : i32
    %barrier3A_47 = arith.constant 0 : index
    tpu.barrier barrier_id(%barrier3A_47)
    %lt3A = arith.constant 15 : i32
    %lt3A_48 = arith.cmpi slt, %arg1, %lt3A : i32
    %convert_element_type3A = arith.extui %lt3A_48 : i1 to i32
    %cond3A = arith.constant 0 : i32
    %cond3A_49 = arith.cmpi ne, %convert_element_type3A, %cond3A : i32
    scf.if %cond3A_49 {
      %mul3A_54 = arith.constant 624 : i32
      %mul3A_55 = arith.muli %arg1, %mul3A_54 : i32
      %mul3A_56 = arith.constant 10000 : i32
      %mul3A_57 = arith.muli %arg0, %mul3A_56 : i32
      %mul3A_58 = arith.constant 624 : i32
      %mul3A_59 = arith.muli %arg1, %mul3A_58 : i32
      %add3A_60 = arith.addi %mul3A_57, %mul3A_59 : i32
      "tpu.region"() ({
        %run_scoped3A = tpu.sem_alloc : memref<!tpu.dma_semaphore, #tpu.memory_space<semaphore_mem>>
        %dma_start3A_61 = arith.constant 0 : i32
        %dma_start3A_62 = tpu.memref_slice %arg5[%add3A_60, %dma_start3A_61] : memref<20000x128xf32, #tpu.memory_space<hbm>> -> memref<624x128xf32, #tpu.memory_space<hbm>>
        %dma_start3A_63 = arith.constant 0 : i32
        %dma_start3A_64 = tpu.memref_slice %arg10[%mul3A_55, %dma_start3A_63] : memref<10240x128xf32, #tpu.memory_space<vmem_shared>> -> memref<624x128xf32, #tpu.memory_space<vmem_shared>>
        tpu.enqueue_dma source(%dma_start3A_64 : memref<624x128xf32, #tpu.memory_space<vmem_shared>>) target(%dma_start3A_62 : memref<624x128xf32, #tpu.memory_space<hbm>>) target_semaphore(%run_scoped3A : memref<!tpu.dma_semaphore, #tpu.memory_space<semaphore_mem>>)
        %dma_wait3A = arith.constant 0 : i32
        %dma_wait3A_65 = tpu.memref_slice %arg5[%add3A_60, %dma_wait3A] : memref<20000x128xf32, #tpu.memory_space<hbm>> -> memref<624x128xf32, #tpu.memory_space<hbm>>
        %dma_wait3A_66 = arith.constant 0 : i32
        %dma_wait3A_67 = tpu.memref_slice %arg10[%mul3A_55, %dma_wait3A_66] : memref<10240x128xf32, #tpu.memory_space<vmem_shared>> -> memref<624x128xf32, #tpu.memory_space<vmem_shared>>
        tpu.wait_dma2 semaphore(%run_scoped3A : memref<!tpu.dma_semaphore, #tpu.memory_space<semaphore_mem>>) src(%dma_wait3A_67 : memref<624x128xf32, #tpu.memory_space<vmem_shared>>) dst(%dma_wait3A_65 : memref<624x128xf32, #tpu.memory_space<hbm>>)
        tpu.yield
      }) : () -> ()
    } else {
    }
    %eq3A = arith.constant 15 : i32
    %eq3A_50 = arith.cmpi eq, %arg1, %eq3A : i32
    %convert_element_type3A_51 = arith.extui %eq3A_50 : i1 to i32
    %cond3A_52 = arith.constant 0 : i32
    %cond3A_53 = arith.cmpi ne, %convert_element_type3A_51, %cond3A_52 : i32
    scf.if %cond3A_53 {
      %mul3A_54 = arith.constant 10000 : i32
      %mul3A_55 = arith.muli %arg0, %mul3A_54 : i32
      %add3A_56 = arith.constant 9360 : i32
      %add3A_57 = arith.addi %mul3A_55, %add3A_56 : i32
      "tpu.region"() ({
        %run_scoped3A = tpu.sem_alloc : memref<!tpu.dma_semaphore, #tpu.memory_space<semaphore_mem>>
        %dma_start3A_58 = arith.constant 0 : i32
        %dma_start3A_59 = tpu.memref_slice %arg5[%add3A_57, %dma_start3A_58] : memref<20000x128xf32, #tpu.memory_space<hbm>> -> memref<640x128xf32, #tpu.memory_space<hbm>>
        %dma_start3A_60 = arith.constant 9360 : i32
        %dma_start3A_61 = arith.constant 0 : i32
        %dma_start3A_62 = tpu.memref_slice %arg10[%dma_start3A_60, %dma_start3A_61] : memref<10240x128xf32, #tpu.memory_space<vmem_shared>> -> memref<640x128xf32, #tpu.memory_space<vmem_shared>>
        tpu.enqueue_dma source(%dma_start3A_62 : memref<640x128xf32, #tpu.memory_space<vmem_shared>>) target(%dma_start3A_59 : memref<640x128xf32, #tpu.memory_space<hbm>>) target_semaphore(%run_scoped3A : memref<!tpu.dma_semaphore, #tpu.memory_space<semaphore_mem>>)
        %dma_wait3A = arith.constant 0 : i32
        %dma_wait3A_63 = tpu.memref_slice %arg5[%add3A_57, %dma_wait3A] : memref<20000x128xf32, #tpu.memory_space<hbm>> -> memref<640x128xf32, #tpu.memory_space<hbm>>
        %dma_wait3A_64 = arith.constant 9360 : i32
        %dma_wait3A_65 = arith.constant 0 : i32
        %dma_wait3A_66 = tpu.memref_slice %arg10[%dma_wait3A_64, %dma_wait3A_65] : memref<10240x128xf32, #tpu.memory_space<vmem_shared>> -> memref<640x128xf32, #tpu.memory_space<vmem_shared>>
        tpu.wait_dma2 semaphore(%run_scoped3A : memref<!tpu.dma_semaphore, #tpu.memory_space<semaphore_mem>>) src(%dma_wait3A_66 : memref<640x128xf32, #tpu.memory_space<vmem_shared>>) dst(%dma_wait3A_63 : memref<640x128xf32, #tpu.memory_space<hbm>>)
        tpu.yield
      }) : () -> ()
    } else {
    }
    return
  }
}

module attributes {stable_mosaic.version = 14 : i64} {
  func.func @_tc_in(%arg0: i32, %arg1: memref<1000x128xf32, #tpu.memory_space<vmem>>, %arg2: memref<128x128xf32, #tpu.memory_space<vmem>>, %arg3: memref<1x128xf32, #tpu.memory_space<vmem>>, %arg4: memref<1000x128xf32, #tpu.memory_space<vmem>>) attributes {dimension_semantics = [#tpu.dimension_semantics<arbitrary>], iteration_bounds = array<i64: 10>, scalar_prefetch = 0 : i64, scratch_operands = 0 : i64, tpu.core_type = #tpu.core_type<tc>, window_params = [{transform_indices = @transform_0, window_bounds = array<i64: 1000, 128>}, {pipeline_mode = #tpu.pipeline_mode<synchronous>, transform_indices = @transform_1, window_bounds = array<i64: 128, 128>}, {pipeline_mode = #tpu.pipeline_mode<synchronous>, transform_indices = @transform_2, window_bounds = array<i64: 1, 128>}, {transform_indices = @transform_3, window_bounds = array<i64: 1000, 128>}]} {
    %get3A = arith.constant 0 : index
    %get3A_0 = arith.constant 0 : index
    %get3A_1 = vector.load %arg1[%get3A, %get3A_0] : memref<1000x128xf32, #tpu.memory_space<vmem>>, vector<1000x128xf32>
    %get3A_2 = arith.constant 0 : index
    %get3A_3 = arith.constant 0 : index
    %get3A_4 = vector.load %arg2[%get3A_2, %get3A_3] : memref<128x128xf32, #tpu.memory_space<vmem>>, vector<128x128xf32>
    %dot_general3A = arith.constant dense<0.000000e+00> : vector<1000x128xf32>
    %dot_general3A_5 = tpu.matmul %get3A_1, %get3A_4, %dot_general3A {dimension_numbers = #tpu.dot_dimension_numbers<[1], [0], [0], [1], [0, 0, 1, 1], [], []>, transpose_lhs_hint = false} : vector<1000x128xf32>, vector<128x128xf32>, vector<1000x128xf32> -> vector<1000x128xf32>
    %get3A_6 = arith.constant 0 : index
    %get3A_7 = arith.constant 0 : index
    %get3A_8 = vector.load %arg3[%get3A_6, %get3A_7] : memref<1x128xf32, #tpu.memory_space<vmem>>, vector<1x128xf32>
    %add3A = vector.broadcast %get3A_8 : vector<1x128xf32> to vector<1000x128xf32>
    %add3A_9 = arith.addf %dot_general3A_5, %add3A : vector<1000x128xf32>
    %max3A = arith.constant 0.000000e+00 : f32
    %max3A_10 = vector.broadcast %max3A : f32 to vector<1000x128xf32>
    %max3A_11 = arith.maximumf %add3A_9, %max3A_10 : vector<1000x128xf32>
    %swap3A = arith.constant 0 : index
    %swap3A_12 = arith.constant 0 : index
    %swap3A_13 = vector.load %arg4[%swap3A, %swap3A_12] : memref<1000x128xf32, #tpu.memory_space<vmem>>, vector<1000x128xf32>
    tpu.vector_store %arg4[%swap3A, %swap3A_12], %max3A_11 {strides = array<i32>} : memref<1000x128xf32, #tpu.memory_space<vmem>>, vector<1000x128xf32>,
    return
  }
  func.func @transform_0(%arg0: i32) -> (i32, i32) {
    %c0_i32 = arith.constant 0 : i32
    %c0_i32_0 = arith.constant 0 : i32
    return %arg0, %c0_i32 : i32, i32
  }
  func.func @transform_1(%arg0: i32) -> (i32, i32) {
    %c0_i32 = arith.constant 0 : i32
    %c0_i32_0 = arith.constant 0 : i32
    %c0_i32_1 = arith.constant 0 : i32
    return %c0_i32, %c0_i32_0 : i32, i32
  }
  func.func @transform_2(%arg0: i32) -> (i32, i32) {
    %c0_i32 = arith.constant 0 : i32
    %c0_i32_0 = arith.constant 0 : i32
    %c0_i32_1 = arith.constant 0 : i32
    return %c0_i32, %c0_i32_0 : i32, i32
  }
  func.func @transform_3(%arg0: i32) -> (i32, i32) {
    %c0_i32 = arith.constant 0 : i32
    %c0_i32_0 = arith.constant 0 : i32
    return %arg0, %c0_i32 : i32, i32
  }
}

module attributes {stable_mosaic.version = 14 : i64} {
  func.func @_tc_layer(%arg0: i32, %arg1: memref<1000x128xf32, #tpu.memory_space<vmem>>, %arg2: memref<1000x128xf32, #tpu.memory_space<vmem>>, %arg3: memref<1000x128xf32, #tpu.memory_space<vmem>>, %arg4: memref<128x128xf32, #tpu.memory_space<vmem>>, %arg5: memref<128x128xf32, #tpu.memory_space<vmem>>, %arg6: memref<1x128xf32, #tpu.memory_space<vmem>>, %arg7: memref<1000x128xf32, #tpu.memory_space<vmem>>) attributes {dimension_semantics = [#tpu.dimension_semantics<arbitrary>], iteration_bounds = array<i64: 10>, scalar_prefetch = 0 : i64, scratch_operands = 0 : i64, tpu.core_type = #tpu.core_type<tc>, window_params = [{transform_indices = @transform_0, window_bounds = array<i64: 1000, 128>}, {transform_indices = @transform_1, window_bounds = array<i64: 1000, 128>}, {transform_indices = @transform_2, window_bounds = array<i64: 1000, 128>}, {pipeline_mode = #tpu.pipeline_mode<synchronous>, transform_indices = @transform_3, window_bounds = array<i64: 128, 128>}, {pipeline_mode = #tpu.pipeline_mode<synchronous>, transform_indices = @transform_4, window_bounds = array<i64: 128, 128>}, {pipeline_mode = #tpu.pipeline_mode<synchronous>, transform_indices = @transform_5, window_bounds = array<i64: 1, 128>}, {transform_indices = @transform_6, window_bounds = array<i64: 1000, 128>}]} {
    %get3A = arith.constant 0 : index
    %get3A_0 = arith.constant 0 : index
    %get3A_1 = vector.load %arg1[%get3A, %get3A_0] : memref<1000x128xf32, #tpu.memory_space<vmem>>, vector<1000x128xf32>
    %get3A_2 = arith.constant 0 : index
    %get3A_3 = arith.constant 0 : index
    %get3A_4 = vector.load %arg2[%get3A_2, %get3A_3] : memref<1000x128xf32, #tpu.memory_space<vmem>>, vector<1000x128xf32>
    %add3A = arith.addf %get3A_1, %get3A_4 : vector<1000x128xf32>
    %get3A_5 = arith.constant 0 : index
    %get3A_6 = arith.constant 0 : index
    %get3A_7 = vector.load %arg4[%get3A_5, %get3A_6] : memref<128x128xf32, #tpu.memory_space<vmem>>, vector<128x128xf32>
    %dot_general3A = arith.constant dense<0.000000e+00> : vector<1000x128xf32>
    %dot_general3A_8 = tpu.matmul %add3A, %get3A_7, %dot_general3A {dimension_numbers = #tpu.dot_dimension_numbers<[1], [0], [0], [1], [0, 0, 1, 1], [], []>, transpose_lhs_hint = false} : vector<1000x128xf32>, vector<128x128xf32>, vector<1000x128xf32> -> vector<1000x128xf32>
    %get3A_9 = arith.constant 0 : index
    %get3A_10 = arith.constant 0 : index
    %get3A_11 = vector.load %arg3[%get3A_9, %get3A_10] : memref<1000x128xf32, #tpu.memory_space<vmem>>, vector<1000x128xf32>
    %get3A_12 = arith.constant 0 : index
    %get3A_13 = arith.constant 0 : index
    %get3A_14 = vector.load %arg5[%get3A_12, %get3A_13] : memref<128x128xf32, #tpu.memory_space<vmem>>, vector<128x128xf32>
    %dot_general3A_15 = arith.constant dense<0.000000e+00> : vector<1000x128xf32>
    %dot_general3A_16 = tpu.matmul %get3A_11, %get3A_14, %dot_general3A_15 {dimension_numbers = #tpu.dot_dimension_numbers<[1], [0], [0], [1], [0, 0, 1, 1], [], []>, transpose_lhs_hint = false} : vector<1000x128xf32>, vector<128x128xf32>, vector<1000x128xf32> -> vector<1000x128xf32>
    %add3A_17 = arith.addf %dot_general3A_8, %dot_general3A_16 : vector<1000x128xf32>
    %get3A_18 = arith.constant 0 : index
    %get3A_19 = arith.constant 0 : index
    %get3A_20 = vector.load %arg6[%get3A_18, %get3A_19] : memref<1x128xf32, #tpu.memory_space<vmem>>, vector<1x128xf32>
    %add3A_21 = vector.broadcast %get3A_20 : vector<1x128xf32> to vector<1000x128xf32>
    %add3A_22 = arith.addf %add3A_17, %add3A_21 : vector<1000x128xf32>
    %max3A = arith.constant 0.000000e+00 : f32
    %max3A_23 = vector.broadcast %max3A : f32 to vector<1000x128xf32>
    %max3A_24 = arith.maximumf %add3A_22, %max3A_23 : vector<1000x128xf32>
    %swap3A = arith.constant 0 : index
    %swap3A_25 = arith.constant 0 : index
    %swap3A_26 = vector.load %arg7[%swap3A, %swap3A_25] : memref<1000x128xf32, #tpu.memory_space<vmem>>, vector<1000x128xf32>
    tpu.vector_store %arg7[%swap3A, %swap3A_25], %max3A_24 {strides = array<i32>} : memref<1000x128xf32, #tpu.memory_space<vmem>>, vector<1000x128xf32>,
    return
  }
  func.func @transform_0(%arg0: i32) -> (i32, i32) {
    %c0_i32 = arith.constant 0 : i32
    %c0_i32_0 = arith.constant 0 : i32
    return %arg0, %c0_i32 : i32, i32
  }
  func.func @transform_1(%arg0: i32) -> (i32, i32) {
    %add3A = arith.constant 10 : i32
    %add3A_0 = arith.addi %add3A, %arg0 : i32
    %c0_i32 = arith.constant 0 : i32
    %c0_i32_1 = arith.constant 0 : i32
    return %add3A_0, %c0_i32 : i32, i32
  }
  func.func @transform_2(%arg0: i32) -> (i32, i32) {
    %c0_i32 = arith.constant 0 : i32
    %c0_i32_0 = arith.constant 0 : i32
    return %arg0, %c0_i32 : i32, i32
  }
  func.func @transform_3(%arg0: i32) -> (i32, i32) {
    %c0_i32 = arith.constant 0 : i32
    %c0_i32_0 = arith.constant 0 : i32
    %c0_i32_1 = arith.constant 0 : i32
    return %c0_i32, %c0_i32_0 : i32, i32
  }
  func.func @transform_4(%arg0: i32) -> (i32, i32) {
    %c0_i32 = arith.constant 0 : i32
    %c0_i32_0 = arith.constant 0 : i32
    %c0_i32_1 = arith.constant 0 : i32
    return %c0_i32, %c0_i32_0 : i32, i32
  }
  func.func @transform_5(%arg0: i32) -> (i32, i32) {
    %c0_i32 = arith.constant 0 : i32
    %c0_i32_0 = arith.constant 0 : i32
    %c0_i32_1 = arith.constant 0 : i32
    return %c0_i32, %c0_i32_0 : i32, i32
  }
  func.func @transform_6(%arg0: i32) -> (i32, i32) {
    %c0_i32 = arith.constant 0 : i32
    %c0_i32_0 = arith.constant 0 : i32
    return %arg0, %c0_i32 : i32, i32
  }
}

module attributes {stable_mosaic.version = 14 : i64} {
  func.func @_tc_layer_pool(%arg0: i32, %arg1: memref<1000x128xf32, #tpu.memory_space<vmem>>, %arg2: memref<1000x128xf32, #tpu.memory_space<vmem>>, %arg3: memref<1000x128xf32, #tpu.memory_space<vmem>>, %arg4: memref<128x128xf32, #tpu.memory_space<vmem>>, %arg5: memref<128x128xf32, #tpu.memory_space<vmem>>, %arg6: memref<1x128xf32, #tpu.memory_space<vmem>>, %arg7: memref<1x1x1000xi32, #tpu.memory_space<vmem>>, %arg8: memref<128x128xf32, #tpu.memory_space<vmem>>, %arg9: memref<1x128xf32, #tpu.memory_space<vmem>>, %arg10: memref<128x64xf32, #tpu.memory_space<vmem>>, %arg11: memref<1x64xf32, #tpu.memory_space<vmem>>, %arg12: memref<64x1xf32, #tpu.memory_space<vmem>>, %arg13: memref<1x1xf32, #tpu.memory_space<vmem>>, %arg14: memref<256x1xf32, #tpu.memory_space<vmem>>, %arg15: memref<256x128xf32, #tpu.memory_space<vmem>>, %arg16: memref<256x128xf32, #tpu.memory_space<vmem>>) attributes {dimension_semantics = [#tpu.dimension_semantics<arbitrary>], iteration_bounds = array<i64: 10>, scalar_prefetch = 0 : i64, scratch_operands = 2 : i64, tpu.core_type = #tpu.core_type<tc>, window_params = [{transform_indices = @transform_0, window_bounds = array<i64: 1000, 128>}, {transform_indices = @transform_1, window_bounds = array<i64: 1000, 128>}, {transform_indices = @transform_2, window_bounds = array<i64: 1000, 128>}, {pipeline_mode = #tpu.pipeline_mode<synchronous>, transform_indices = @transform_3, window_bounds = array<i64: 128, 128>}, {pipeline_mode = #tpu.pipeline_mode<synchronous>, transform_indices = @transform_4, window_bounds = array<i64: 128, 128>}, {pipeline_mode = #tpu.pipeline_mode<synchronous>, transform_indices = @transform_5, window_bounds = array<i64: 1, 128>}, {transform_indices = @transform_6, window_bounds = array<i64: 1, 1, 1000>}, {pipeline_mode = #tpu.pipeline_mode<synchronous>, transform_indices = @transform_7, window_bounds = array<i64: 128, 128>}, {pipeline_mode = #tpu.pipeline_mode<synchronous>, transform_indices = @transform_8, window_bounds = array<i64: 1, 128>}, {pipeline_mode = #tpu.pipeline_mode<synchronous>, transform_indices = @transform_9, window_bounds = array<i64: 128, 64>}, {pipeline_mode = #tpu.pipeline_mode<synchronous>, transform_indices = @transform_10, window_bounds = array<i64: 1, 64>}, {pipeline_mode = #tpu.pipeline_mode<synchronous>, transform_indices = @transform_11, window_bounds = array<i64: 64, 1>}, {pipeline_mode = #tpu.pipeline_mode<synchronous>, transform_indices = @transform_12, window_bounds = array<i64: 1, 1>}, {pipeline_mode = #tpu.pipeline_mode<synchronous>, transform_indices = @transform_13, window_bounds = array<i64: 256, 1>}]} {
    %eq3A = arith.constant 0 : i32
    %eq3A_0 = arith.cmpi eq, %arg0, %eq3A : i32
    %convert_element_type3A = arith.extui %eq3A_0 : i1 to i32
    %cond3A = arith.constant 0 : i32
    %cond3A_1 = arith.cmpi ne, %convert_element_type3A, %cond3A : i32
    scf.if %cond3A_1 {
      %broadcast_in_dim3A_59 = arith.constant 0.000000e+00 : f32
      %broadcast_in_dim3A_60 = vector.broadcast %broadcast_in_dim3A_59 : f32 to vector<256x128xf32>
      %swap3A_61 = arith.constant 0 : index
      %swap3A_62 = arith.constant 0 : index
      %swap3A_63 = vector.load %arg15[%swap3A_61, %swap3A_62] : memref<256x128xf32, #tpu.memory_space<vmem>>, vector<256x128xf32>
      tpu.vector_store %arg15[%swap3A_61, %swap3A_62], %broadcast_in_dim3A_60 {strides = array<i32>} : memref<256x128xf32, #tpu.memory_space<vmem>>, vector<256x128xf32>,
      %broadcast_in_dim3A_64 = arith.constant 0.000000e+00 : f32
      %broadcast_in_dim3A_65 = vector.broadcast %broadcast_in_dim3A_64 : f32 to vector<256x128xf32>
      %swap3A_66 = arith.constant 0 : index
      %swap3A_67 = arith.constant 0 : index
      %swap3A_68 = vector.load %arg16[%swap3A_66, %swap3A_67] : memref<256x128xf32, #tpu.memory_space<vmem>>, vector<256x128xf32>
      tpu.vector_store %arg16[%swap3A_66, %swap3A_67], %broadcast_in_dim3A_65 {strides = array<i32>} : memref<256x128xf32, #tpu.memory_space<vmem>>, vector<256x128xf32>,
    } else {
    }
    %get3A = arith.constant 0 : index
    %get3A_2 = arith.constant 0 : index
    %get3A_3 = vector.load %arg1[%get3A, %get3A_2] : memref<1000x128xf32, #tpu.memory_space<vmem>>, vector<1000x128xf32>
    %get3A_4 = arith.constant 0 : index
    %get3A_5 = arith.constant 0 : index
    %get3A_6 = vector.load %arg2[%get3A_4, %get3A_5] : memref<1000x128xf32, #tpu.memory_space<vmem>>, vector<1000x128xf32>
    %add3A = arith.addf %get3A_3, %get3A_6 : vector<1000x128xf32>
    %get3A_7 = arith.constant 0 : index
    %get3A_8 = arith.constant 0 : index
    %get3A_9 = vector.load %arg4[%get3A_7, %get3A_8] : memref<128x128xf32, #tpu.memory_space<vmem>>, vector<128x128xf32>
    %dot_general3A = arith.constant dense<0.000000e+00> : vector<1000x128xf32>
    %dot_general3A_10 = tpu.matmul %add3A, %get3A_9, %dot_general3A {dimension_numbers = #tpu.dot_dimension_numbers<[1], [0], [0], [1], [0, 0, 1, 1], [], []>, transpose_lhs_hint = false} : vector<1000x128xf32>, vector<128x128xf32>, vector<1000x128xf32> -> vector<1000x128xf32>
    %get3A_11 = arith.constant 0 : index
    %get3A_12 = arith.constant 0 : index
    %get3A_13 = vector.load %arg3[%get3A_11, %get3A_12] : memref<1000x128xf32, #tpu.memory_space<vmem>>, vector<1000x128xf32>
    %get3A_14 = arith.constant 0 : index
    %get3A_15 = arith.constant 0 : index
    %get3A_16 = vector.load %arg5[%get3A_14, %get3A_15] : memref<128x128xf32, #tpu.memory_space<vmem>>, vector<128x128xf32>
    %dot_general3A_17 = arith.constant dense<0.000000e+00> : vector<1000x128xf32>
    %dot_general3A_18 = tpu.matmul %get3A_13, %get3A_16, %dot_general3A_17 {dimension_numbers = #tpu.dot_dimension_numbers<[1], [0], [0], [1], [0, 0, 1, 1], [], []>, transpose_lhs_hint = false} : vector<1000x128xf32>, vector<128x128xf32>, vector<1000x128xf32> -> vector<1000x128xf32>
    %add3A_19 = arith.addf %dot_general3A_10, %dot_general3A_18 : vector<1000x128xf32>
    %get3A_20 = arith.constant 0 : index
    %get3A_21 = arith.constant 0 : index
    %get3A_22 = vector.load %arg6[%get3A_20, %get3A_21] : memref<1x128xf32, #tpu.memory_space<vmem>>, vector<1x128xf32>
    %add3A_23 = vector.broadcast %get3A_22 : vector<1x128xf32> to vector<1000x128xf32>
    %add3A_24 = arith.addf %add3A_19, %add3A_23 : vector<1000x128xf32>
    %max3A = arith.constant 0.000000e+00 : f32
    %max3A_25 = vector.broadcast %max3A : f32 to vector<1000x128xf32>
    %max3A_26 = arith.maximumf %add3A_24, %max3A_25 : vector<1000x128xf32>
    %iota3A = tpu.iota {dimensions = array<i32: 0>} : vector<256x1000xi32>
    %get3A_27 = arith.constant 0 : index
    %get3A_28 = arith.constant 0 : index
    %get3A_29 = arith.constant 0 : index
    %get3A_30 = vector.load %arg7[%get3A_27, %get3A_28, %get3A_29] : memref<1x1x1000xi32, #tpu.memory_space<vmem>>, vector<1x1x1000xi32>
    %get3A_31 = vector.shape_cast %get3A_30 : vector<1x1x1000xi32> to vector<1x1000xi32>
    %eq3A_32 = vector.broadcast %get3A_31 : vector<1x1000xi32> to vector<256x1000xi32>
    %eq3A_33 = arith.cmpi eq, %eq3A_32, %iota3A : vector<256x1000xi32>
    %convert_element_type3A_34 = arith.extui %eq3A_33 : vector<256x1000xi1> to vector<256x1000xi32>
    %convert_element_type3A_35 = arith.sitofp %convert_element_type3A_34 : vector<256x1000xi32> to vector<256x1000xf32>
    %get3A_36 = arith.constant 0 : index
    %get3A_37 = arith.constant 0 : index
    %get3A_38 = vector.load %arg15[%get3A_36, %get3A_37] : memref<256x128xf32, #tpu.memory_space<vmem>>, vector<256x128xf32>
    %dot_general3A_39 = arith.constant dense<0.000000e+00> : vector<256x128xf32>
    %dot_general3A_40 = tpu.matmul %convert_element_type3A_35, %max3A_26, %dot_general3A_39 {dimension_numbers = #tpu.dot_dimension_numbers<[1], [0], [0], [1], [0, 0, 1, 1], [], []>, precision = #tpu.contract_precision<fp32>, transpose_lhs_hint = false} : vector<256x1000xf32>, vector<1000x128xf32>, vector<256x128xf32> -> vector<256x128xf32>
    %add3A_41 = arith.addf %get3A_38, %dot_general3A_40 : vector<256x128xf32>
    %swap3A = arith.constant 0 : index
    %swap3A_42 = arith.constant 0 : index
    %swap3A_43 = vector.load %arg15[%swap3A, %swap3A_42] : memref<256x128xf32, #tpu.memory_space<vmem>>, vector<256x128xf32>
    tpu.vector_store %arg15[%swap3A, %swap3A_42], %add3A_41 {strides = array<i32>} : memref<256x128xf32, #tpu.memory_space<vmem>>, vector<256x128xf32>,
    %get3A_44 = arith.constant 0 : index
    %get3A_45 = arith.constant 0 : index
    %get3A_46 = vector.load %arg16[%get3A_44, %get3A_45] : memref<256x128xf32, #tpu.memory_space<vmem>>, vector<256x128xf32>
    %broadcast_in_dim3A = arith.constant 1.000000e+00 : f32
    %broadcast_in_dim3A_47 = vector.broadcast %broadcast_in_dim3A : f32 to vector<1000x128xf32>
    %dot_general3A_48 = arith.constant dense<0.000000e+00> : vector<256x128xf32>
    %dot_general3A_49 = tpu.matmul %convert_element_type3A_35, %broadcast_in_dim3A_47, %dot_general3A_48 {dimension_numbers = #tpu.dot_dimension_numbers<[1], [0], [0], [1], [0, 0, 1, 1], [], []>, transpose_lhs_hint = false} : vector<256x1000xf32>, vector<1000x128xf32>, vector<256x128xf32> -> vector<256x128xf32>
    %add3A_50 = arith.addf %get3A_46, %dot_general3A_49 : vector<256x128xf32>
    %swap3A_51 = arith.constant 0 : index
    %swap3A_52 = arith.constant 0 : index
    %swap3A_53 = vector.load %arg16[%swap3A_51, %swap3A_52] : memref<256x128xf32, #tpu.memory_space<vmem>>, vector<256x128xf32>
    tpu.vector_store %arg16[%swap3A_51, %swap3A_52], %add3A_50 {strides = array<i32>} : memref<256x128xf32, #tpu.memory_space<vmem>>, vector<256x128xf32>,
    %eq3A_54 = arith.constant 9 : i32
    %eq3A_55 = arith.cmpi eq, %arg0, %eq3A_54 : i32
    %convert_element_type3A_56 = arith.extui %eq3A_55 : i1 to i32
    %cond3A_57 = arith.constant 0 : i32
    %cond3A_58 = arith.cmpi ne, %convert_element_type3A_56, %cond3A_57 : i32
    scf.if %cond3A_58 {
      %get3A_59 = arith.constant 0 : index
      %get3A_60 = arith.constant 0 : index
      %get3A_61 = vector.load %arg15[%get3A_59, %get3A_60] : memref<256x128xf32, #tpu.memory_space<vmem>>, vector<256x128xf32>
      %get3A_62 = arith.constant 0 : index
      %get3A_63 = arith.constant 0 : index
      %get3A_64 = vector.load %arg16[%get3A_62, %get3A_63] : memref<256x128xf32, #tpu.memory_space<vmem>>, vector<256x128xf32>
      %max3A_65 = arith.constant 1.000000e+00 : f32
      %max3A_66 = vector.broadcast %max3A_65 : f32 to vector<256x128xf32>
      %max3A_67 = arith.maximumf %get3A_64, %max3A_66 : vector<256x128xf32>
      %div3A = arith.divf %get3A_61, %max3A_67 : vector<256x128xf32>
      %get3A_68 = arith.constant 0 : index
      %get3A_69 = arith.constant 0 : index
      %get3A_70 = vector.load %arg8[%get3A_68, %get3A_69] : memref<128x128xf32, #tpu.memory_space<vmem>>, vector<128x128xf32>
      %dot_general3A_71 = arith.constant dense<0.000000e+00> : vector<256x128xf32>
      %dot_general3A_72 = tpu.matmul %div3A, %get3A_70, %dot_general3A_71 {dimension_numbers = #tpu.dot_dimension_numbers<[1], [0], [0], [1], [0, 0, 1, 1], [], []>, transpose_lhs_hint = false} : vector<256x128xf32>, vector<128x128xf32>, vector<256x128xf32> -> vector<256x128xf32>
      %get3A_73 = arith.constant 0 : index
      %get3A_74 = arith.constant 0 : index
      %get3A_75 = vector.load %arg9[%get3A_73, %get3A_74] : memref<1x128xf32, #tpu.memory_space<vmem>>, vector<1x128xf32>
      %add3A_76 = vector.broadcast %get3A_75 : vector<1x128xf32> to vector<256x128xf32>
      %add3A_77 = arith.addf %dot_general3A_72, %add3A_76 : vector<256x128xf32>
      %max3A_78 = arith.constant 0.000000e+00 : f32
      %max3A_79 = vector.broadcast %max3A_78 : f32 to vector<256x128xf32>
      %max3A_80 = arith.maximumf %add3A_77, %max3A_79 : vector<256x128xf32>
      %get3A_81 = arith.constant 0 : index
      %get3A_82 = arith.constant 0 : index
      %get3A_83 = vector.load %arg10[%get3A_81, %get3A_82] : memref<128x64xf32, #tpu.memory_space<vmem>>, vector<128x64xf32>
      %dot_general3A_84 = arith.constant dense<0.000000e+00> : vector<256x64xf32>
      %dot_general3A_85 = tpu.matmul %max3A_80, %get3A_83, %dot_general3A_84 {dimension_numbers = #tpu.dot_dimension_numbers<[1], [0], [0], [1], [0, 0, 1, 1], [], []>, transpose_lhs_hint = false} : vector<256x128xf32>, vector<128x64xf32>, vector<256x64xf32> -> vector<256x64xf32>
      %get3A_86 = arith.constant 0 : index
      %get3A_87 = arith.constant 0 : index
      %get3A_88 = vector.load %arg11[%get3A_86, %get3A_87] : memref<1x64xf32, #tpu.memory_space<vmem>>, vector<1x64xf32>
      %add3A_89 = vector.broadcast %get3A_88 : vector<1x64xf32> to vector<256x64xf32>
      %add3A_90 = arith.addf %dot_general3A_85, %add3A_89 : vector<256x64xf32>
      %max3A_91 = arith.constant 0.000000e+00 : f32
      %max3A_92 = vector.broadcast %max3A_91 : f32 to vector<256x64xf32>
      %max3A_93 = arith.maximumf %add3A_90, %max3A_92 : vector<256x64xf32>
      %get3A_94 = arith.constant 0 : index
      %get3A_95 = arith.constant 0 : index
      %get3A_96 = vector.load %arg12[%get3A_94, %get3A_95] : memref<64x1xf32, #tpu.memory_space<vmem>>, vector<64x1xf32>
      %dot_general3A_97 = arith.constant dense<0.000000e+00> : vector<256x1xf32>
      %dot_general3A_98 = tpu.matmul %max3A_93, %get3A_96, %dot_general3A_97 {dimension_numbers = #tpu.dot_dimension_numbers<[1], [0], [0], [1], [0, 0, 1, 1], [], []>, transpose_lhs_hint = false} : vector<256x64xf32>, vector<64x1xf32>, vector<256x1xf32> -> vector<256x1xf32>
      %get3A_99 = arith.constant 0 : index
      %get3A_100 = arith.constant 0 : index
      %get3A_101 = vector.load %arg13[%get3A_99, %get3A_100] : memref<1x1xf32, #tpu.memory_space<vmem>>, vector<1x1xf32>
      %add3A_102 = vector.broadcast %get3A_101 : vector<1x1xf32> to vector<256x1xf32>
      %add3A_103 = arith.addf %dot_general3A_98, %add3A_102 : vector<256x1xf32>
      %swap3A_104 = arith.constant 0 : index
      %swap3A_105 = arith.constant 0 : index
      %swap3A_106 = vector.load %arg14[%swap3A_104, %swap3A_105] : memref<256x1xf32, #tpu.memory_space<vmem>>, vector<256x1xf32>
      tpu.vector_store %arg14[%swap3A_104, %swap3A_105], %add3A_103 {strides = array<i32>} : memref<256x1xf32, #tpu.memory_space<vmem>>, vector<256x1xf32>,
    } else {
    }
    return
  }
  func.func @transform_0(%arg0: i32) -> (i32, i32) {
    %c0_i32 = arith.constant 0 : i32
    %c0_i32_0 = arith.constant 0 : i32
    return %arg0, %c0_i32 : i32, i32
  }
  func.func @transform_1(%arg0: i32) -> (i32, i32) {
    %add3A = arith.constant 10 : i32
    %add3A_0 = arith.addi %add3A, %arg0 : i32
    %c0_i32 = arith.constant 0 : i32
    %c0_i32_1 = arith.constant 0 : i32
    return %add3A_0, %c0_i32 : i32, i32
  }
  func.func @transform_2(%arg0: i32) -> (i32, i32) {
    %c0_i32 = arith.constant 0 : i32
    %c0_i32_0 = arith.constant 0 : i32
    return %arg0, %c0_i32 : i32, i32
  }
  func.func @transform_3(%arg0: i32) -> (i32, i32) {
    %c0_i32 = arith.constant 0 : i32
    %c0_i32_0 = arith.constant 0 : i32
    %c0_i32_1 = arith.constant 0 : i32
    return %c0_i32, %c0_i32_0 : i32, i32
  }
  func.func @transform_4(%arg0: i32) -> (i32, i32) {
    %c0_i32 = arith.constant 0 : i32
    %c0_i32_0 = arith.constant 0 : i32
    %c0_i32_1 = arith.constant 0 : i32
    return %c0_i32, %c0_i32_0 : i32, i32
  }
  func.func @transform_5(%arg0: i32) -> (i32, i32) {
    %c0_i32 = arith.constant 0 : i32
    %c0_i32_0 = arith.constant 0 : i32
    %c0_i32_1 = arith.constant 0 : i32
    return %c0_i32, %c0_i32_0 : i32, i32
  }
  func.func @transform_6(%arg0: i32) -> (i32, i32, i32) {
    %c0_i32 = arith.constant 0 : i32
    %c0_i32_0 = arith.constant 0 : i32
    %c0_i32_1 = arith.constant 0 : i32
    return %arg0, %c0_i32, %c0_i32_0 : i32, i32, i32
  }
  func.func @transform_7(%arg0: i32) -> (i32, i32) {
    %c0_i32 = arith.constant 0 : i32
    %c0_i32_0 = arith.constant 0 : i32
    %c0_i32_1 = arith.constant 0 : i32
    return %c0_i32, %c0_i32_0 : i32, i32
  }
  func.func @transform_8(%arg0: i32) -> (i32, i32) {
    %c0_i32 = arith.constant 0 : i32
    %c0_i32_0 = arith.constant 0 : i32
    %c0_i32_1 = arith.constant 0 : i32
    return %c0_i32, %c0_i32_0 : i32, i32
  }
  func.func @transform_9(%arg0: i32) -> (i32, i32) {
    %c0_i32 = arith.constant 0 : i32
    %c0_i32_0 = arith.constant 0 : i32
    %c0_i32_1 = arith.constant 0 : i32
    return %c0_i32, %c0_i32_0 : i32, i32
  }
  func.func @transform_10(%arg0: i32) -> (i32, i32) {
    %c0_i32 = arith.constant 0 : i32
    %c0_i32_0 = arith.constant 0 : i32
    %c0_i32_1 = arith.constant 0 : i32
    return %c0_i32, %c0_i32_0 : i32, i32
  }
  func.func @transform_11(%arg0: i32) -> (i32, i32) {
    %c0_i32 = arith.constant 0 : i32
    %c0_i32_0 = arith.constant 0 : i32
    %c0_i32_1 = arith.constant 0 : i32
    return %c0_i32, %c0_i32_0 : i32, i32
  }
  func.func @transform_12(%arg0: i32) -> (i32, i32) {
    %c0_i32 = arith.constant 0 : i32
    %c0_i32_0 = arith.constant 0 : i32
    %c0_i32_1 = arith.constant 0 : i32
    return %c0_i32, %c0_i32_0 : i32, i32
  }
  func.func @transform_13(%arg0: i32) -> (i32, i32) {
    %c0_i32 = arith.constant 0 : i32
    %c0_i32_0 = arith.constant 0 : i32
    %c0_i32_1 = arith.constant 0 : i32
    return %c0_i32, %c0_i32_0 : i32, i32
  }
}

</mosaic_0001>

<sc_bundles>
// kernel: kernel.12.cloned.1.call-start
scs
__scs_entry_jumppad:
0x0: {  	(pc) =	sbr.rel $0x88, $3  }
0x1: {  	(tag) =	ssettag $0x0;
	lr =	simm.s32 $0x1  }
0x2: {  	[smem:$0x3F93] =	sst lr;
	_ =	strace $0xD0000000  }
0x3: {  	_ = 	snop  }
0x4: {  	_ = 	snop  }
0x5: {  	_ = 	snop  }
0x6: {  	_ = 	snop  }
0x7: {  	_ = 	snop  }
__scs_overlays_trampoline_lowered:
0x8: {  	[smem:$0x3FA2] =	sst s0  }
0x9: {  	[smem:$0x3FA3] =	sst s1  }
0xa: {  	[smem:$0x3FA4] =	sst s2  }
0xb: {  	[smem:$0x3FA5] =	sst s3  }
0xc: {  	[smem:$0x3FA6] =	sst s4  }
0xd: {  	[smem:$0x3FA7] =	sst s5  }
0xe: {  	[smem:$0x3FA8] =	sst s6  }
0xf: {  	[smem:$0x3FA9] =	sst s7  }
0x10: {  	[smem:$0x3FAA] =	sst s8  }
0x11: {  	[smem:$0x3FAB] =	sst s9;
	s0 =	simm.s32 @!p0 $0x0  }
0x12: {  	s1 =	sld [smem:$0x3F91];
	s0 =	simm.s32 @p0 $0x1  }
0x13: {  	[smem:$0x3FAC] =	sst s0;
	s0 =	simm.s32 @!p1 $0x0  }
0x14: {  	s2 =	sld [smem:$0x3F90];
	s0 =	simm.s32 @p1 $0x1  }
0x15: {  	[smem:$0x3FAD] =	sst s0;
	s0 =	simm.s32 @!p2 $0x0  }
0x16: {  	s3 =	sld [smem:$0x3FDB];
	s0 =	simm.s32 @p2 $0x1  }
0x17: {  	s4 =	simm.s32 $0x1BF5;
	[smem:$0x3FAF] =	sst s0  }
0x18: {  	s0 =	sld [smem:$0x3F92];
	_ =	swait.ge [sflag:s4], $0x0  }
0x19: {  	s7 =	sld [smem:$0x3F93]  }
0x1a: {  	s8 =	sadd.s32 $0xFFFFE003, lr  }
0x1b: {  	s9 =	sadd.s32 $0xFFFFFEF7, lr;
	s5 =	simm.s32 $0xFFFFFFFF;
	p2 =	slt.u32 s8, $0xFFFFF086  }
0x1c: {  	p1 =	slt.u32 s9, $0xF7A;
	s5 =	simm.s32 @!p2 $0x0  }
0x1d: {  	s5 =	simm.s32 @p1 $0x1;
	p0 =	seq.s32 s7, s2  }
0x1e: {  	s7 =	smul.u32 @!p0 $0xF7A, s2;
	p2 =	seq.s32 @!p0 s5, $0x0  }
0x1f: {  	s9 =	smul.u32 $0xF7A, s1;
	s8 =	simm.s32 @!p0 $0x1BF5;
	p2 =	por !p2, p0  }
0x20: {  	[sflag:s8] =	ssyncset.s32 @!p0 $0xFFFFF086;
	s6 =	sadd.s32 @!p0 s3, s7;
	s7 =	simm.s32 @!p0 $0x108  }
0x21: {  	s3 =	sadd.s32 s3, s9;
	s6 =	sadd.s32 @!p0 $0x88, s6;
	s7 =	simm.s32 @p2 $0x1082  }
0x22: {  	[simem:s7], [sflag:s8] =	dma.local @!p0 [hbm:s6], $0xF7A  }
0x23: {  	s9 =	sor.u32 $0xD0000000, s2;
	s6 =	simm.s32 $0x108;
	_ =	swait.ge @!p0 [sflag:s8], $0x0  }
0x24: {  	s3 =	sadd.s32 $0x88, s3;
	s6 =	simm.s32 @!p1 $0x1082;
	[sflag:s4] =	ssyncset.s32 $0xFFFFF086  }
0x25: {  	[simem:s6], [sflag:s4] =	dma.local [hbm:s3], $0xF7A  }
0x26: {  	[smem:$0x3F93] =	sst s1;
	(tag) =	ssettag s2;
	_ =	strace s9  }
0x27: {  	s1 =	sld [smem:$0x3FA3]  }
0x28: {  	s2 =	sld [smem:$0x3FA4]  }
0x29: {  	s4 =	sld [smem:$0x3FA6]  }
0x2a: {  	p0 =	seq.s32 s5, $0x0;
	s5 =	sld [smem:$0x3FA7]  }
0x2b: {  	s6 =	sld [smem:$0x3FA8]  }
0x2c: {  	s7 =	sld [smem:$0x3FA9]  }
0x2d: {  	s3 =	simm.s32 $0x108;
	s8 =	sld [smem:$0x3FAA]  }
0x2e: {  	s3 =	simm.s32 @!p0 $0x1082;
	s9 =	sld [smem:$0x3FAB]  }
0x2f: {  	lr =	sadd.s32 s0, s3;
	s0 =	sld [smem:$0x3FA2]  }
0x30: {  	s3 =	sld [smem:$0x3FA5]  }
0x31: {  	[smem:$0x3FAE] =	sst s10  }
0x32: {  	s10 =	sld [smem:$0x3FAC];
	_ =	sdelay $0x3  }
0x33: {  	p0 =	seq.s32 s10, $0x1;
	s10 =	sld [smem:$0x3FAE];
	_ =	sdelay $0x3  }
0x34: {  	[smem:$0x3FAE] =	sst s10  }
0x35: {  	s10 =	sld [smem:$0x3FAD];
	_ =	sdelay $0x3  }
0x36: {  	p1 =	seq.s32 s10, $0x1;
	s10 =	sld [smem:$0x3FAE];
	_ =	sdelay $0x3  }
0x37: {  	[smem:$0x3FAE] =	sst s10  }
0x38: {  	s10 =	sld [smem:$0x3FAF]  }
0x39: {  	_ = 	snop;
	(pc) =	sbr.ind lr, $3  }
0x3a: {  	_ = 	snop  }
0x3b: {  	_ = 	snop  }
0x3c: {  	p2 =	seq.s32 s10, $0x1;
	s10 =	sld [smem:$0x3FAE]  }
0x3d: {  	_ =	shalt  }
0x3e: {  	_ =	shalt  }
0x3f: {  	_ =	shalt  }
0x40: {  	_ =	shalt  }
0x41: {  	_ =	shalt  }
0x42: {  	_ =	shalt  }
0x43: {  	_ =	shalt  }
0x44: {  	_ =	shalt  }
0x45: {  	_ =	shalt  }
0x46: {  	_ =	shalt  }
0x47: {  	_ =	shalt  }
0x48: {  	_ =	shalt  }
0x49: {  	_ =	shalt  }
0x4a: {  	_ =	shalt  }
0x4b: {  	_ =	shalt  }
0x4c: {  	_ =	shalt  }
0x4d: {  	_ =	shalt  }
0x4e: {  	_ =	shalt  }
0x4f: {  	_ =	shalt  }
0x50: {  	_ =	shalt  }
0x51: {  	_ =	shalt  }
0x52: {  	_ =	shalt  }
0x53: {  	_ =	shalt  }
0x54: {  	_ =	shalt  }
0x55: {  	_ =	shalt  }
0x56: {  	_ =	shalt  }
0x57: {  	_ =	shalt  }
0x58: {  	_ =	shalt  }
0x59: {  	_ =	shalt  }
0x5a: {  	_ =	shalt  }
0x5b: {  	_ =	shalt  }
0x5c: {  	_ =	shalt  }
0x5d: {  	_ =	shalt  }
0x5e: {  	_ =	shalt  }
0x5f: {  	_ =	shalt  }
0x60: {  	_ =	shalt  }
0x61: {  	_ =	shalt  }
0x62: {  	_ =	shalt  }
0x63: {  	_ =	shalt  }
0x64: {  	_ =	shalt  }
0x65: {  	_ =	shalt  }
0x66: {  	_ =	shalt  }
0x67: {  	_ =	shalt  }
0x68: {  	_ =	shalt  }
0x69: {  	_ =	shalt  }
0x6a: {  	_ =	shalt  }
0x6b: {  	_ =	shalt  }
0x6c: {  	_ =	shalt  }
0x6d: {  	_ =	shalt  }
0x6e: {  	_ =	shalt  }
0x6f: {  	_ =	shalt  }
0x70: {  	_ =	shalt  }
0x71: {  	_ =	shalt  }
0x72: {  	_ =	shalt  }
0x73: {  	_ =	shalt  }
0x74: {  	_ =	shalt  }
0x75: {  	_ =	shalt  }
0x76: {  	_ =	shalt  }
0x77: {  	_ =	shalt  }
0x78: {  	_ =	shalt  }
0x79: {  	_ =	shalt  }
0x7a: {  	_ =	shalt  }
0x7b: {  	_ =	shalt  }
0x7c: {  	_ =	shalt  }
0x7d: {  	_ =	shalt  }
0x7e: {  	_ =	shalt  }
0x7f: {  	_ =	shalt  }
0x80: {  	_ =	shalt  }
0x81: {  	_ =	shalt  }
0x82: {  	_ =	shalt  }
0x83: {  	_ =	shalt  }
0x84: {  	_ =	shalt  }
0x85: {  	_ =	shalt  }
0x86: {  	_ =	shalt  }
0x87: {  	_ =	shalt  }
.Lfunc_end0:
.L_simem_size_0:
called_computation.1_lowered:
.L_overlay_start_0:
0x88: {  	s2 =	sld [smem:$0x3FD9]  }
0x89: {  	s3 =	sld [smem:$0x3FFE];
	_ =	sdelay $0x1  }
0x8a: {  	s1 =	srdreg.scid  }
0x8b: {  	s0 =	sand.u32 $0x1, s1  }
0x8c: {  	s16 =	sshll.u32 s0, $0xA;
	s2 =	sadd.s32 s3, s2  }
0x8d: {  	s2 =	sadd.s32 s2, s16  }
0x8e: {  	[smem:$0x3FBA] =	sst s2  }
0x8f: {  	_ = 	snop  }
0x90: {  	(tm) =	ssettm $0x1  }
0x91: {  	s17 =	sld [smem:$0x3FFB];
	_ =	sdelay $0x3  }
0x92: {  	_ =	strace s17  }
0x93: {  	s2 =	sld [smem:$0x3FFC];
	_ =	sdelay $0x3  }
0x94: {  	_ =	strace s2  }
0x95: {  	s2 =	sld [smem:$0x3FFD];
	_ =	sdelay $0x3  }
0x96: {  	_ =	strace s2  }
0x97: {  	_ =	strace $0x8FFFFFFF  }
0x98: {  	s18 =	sld [smem:$0x3FDB];
	_ =	sdelay $0x1  }
0x99: {  	s19 =	simm.s32 $_scs_section_size  }
0x9a: {  	s4 =	simm.s32 $_size__tile_overlayer_lowered;
	s5 =	simm.s32 $_tile_overlayer_lowered  }
0x9b: {  	s22 =	simm.s32 $0x1BFF;
	s21 =	sshll.u32 s5, $0x1;
	s2 =	sadd.s32 s19, s18  }
0x9c: {  	s6 =	simm.s32 $0x0;
	s20 =	sshll.u32 s4, $0x1;
	s4 =	sadd.s32 s21, s2  }
0x9d: {  	[timem:s6], [sflag:s22] =	dma.local [hbm:s4], s20  }
0x9e: {  	_ =	swait.ge [sflag:s22], s20  }
0x9f: {  	s3 =	ssub.s32 $0x0, s20;
	[sflag:s22] =	ssyncset.done $0x0  }
0xa0: {  	[sflag:s22] =	ssyncadd.s32 s3;
	_ =	sdelay $0x1  }
0xa1: {  	s23 =	simm.s32 $0x1B8B  }
0xa2: {  	_ =	swait.ge [sflag:s23], $0x1  }
0xa3: {  	[sflag:s23] =	ssyncset.done $0x0  }
0xa4: {  	s25 =	simm.s32 $0x1B8E;
	s24 =	sld [smem:$0x3FFE];
	[sflag:s23] =	ssyncadd.s32 $0xFFFFFFFF  }
0xa5: {  	s26 =	simm.s32 $execute0_lowered;
	[smem:$0x3FD2] =	sst s25  }
0xa6: {  	s4 =	sshll.u32 s26, $0x1;
	_ =	strace $0x80000049;
	[dreg:$0x1] =	wrdreg $0xFFFFFFFF  }
0xa7: {  	s28 =	simm.s32 $_size_execute0_lowered;
	s2 =	sadd.s32 s2, s4;
	[dreg:$0x0] =	wrdreg $0x0  }
0xa8: {  	s4 =	sshll.u32 s28, $0x1;
	[dreg:$0x2] =	wrdreg s2  }
0xa9: {  	[dreg:$0x3] =	wrdreg s4  }
0xaa: {  	[dreg:$0x4] =	wrdreg $0xC0  }
0xab: {  	_ =	task [dreg:s6], $0x5FFFF  }
0xac: {  	[dreg:$0x1] =	wrdreg $0xFFFFFFFF  }
0xad: {  	[dreg:$0x0] =	wrdreg $0x60  }
0xae: {  	[dreg:$0x2] =	wrdreg s24  }
0xaf: {  	[dreg:$0x3] =	wrdreg $0xA0000  }
0xb0: {  	[dreg:$0x4] =	wrdreg $0x9  }
0xb1: {  	_ =	task.clear_ibuf [dreg:s6], $0x5FFFF;
	_ =	strace $0x90000049  }
0xb2: {  	s29 =	simm.s32 $0x9;
	_ =	strace $0x8000004B  }
0xb3: {  	_ =	swait.ge [sflag:s29], $0x1  }
0xb4: {  	[sflag:s29] =	ssyncadd.s32 $0xFFFFFFFF  }
0xb5: {  	_ =	strace $0x9000004B  }
0xb6: {  	_ =	sfence  }
0xb7: {  	s30 =	sld [smem:$0x0];
	_ =	sdelay $0x2  }
0xb8: {  	s31 =	sshll.u32 s1, $0xD;
	s1 =	sshrl.u32 s1, $0x2  }
0xb9: {  	s3 =	sand.u32 $0x4000, s31;
	s1 =	sadd.s32 s1, s30  }
0xba: {  	s0 =	sor.u32 s3, s0;
	s1 =	sshll.u32 s1, $0x11  }
0xbb: {  	s0 =	sor.u32 s1, s0  }
0xbc: {  	s0 =	sadd.s32 $0x8F2B, s0  }
0xbd: {  	[sflag:s0] =	ssyncadd.remote.s32 $0x1  }
0xbe: {  	_ =	sfence.sel $0xFFFF  }
0xbf: {  	[dreg:$0x0] =	wrdreg $0xFFFFFFFF;
	(pc) =	sbr.abs _section_cstart, $3  }
0xc0: {  	[dreg:$0x1] =	wrdreg $0xFFFFFFFF  }
0xc1: {  	_ =	task.clear_ibuf [dreg:s6], $0x2FFFF;
	_ =	strace $0x9FFFFFFF  }
0xc2: {  	(tm) =	ssettm $0x7FFFFFFF  }
0xc3: {  	_ =	shalt  }
tec
execute0_lowered:
.L_overlay_start_1:
0x0: {  	(tag) =	ssettag $0x1  }
0x1: {  	s0 =	rddreg [dreg:$0x0]  }
0x2: {  	s1 =	rddreg [dreg:$0x1];
	s2 =	srdreg.scid  }
0x3: {  	s4 =	simm.s32 $0x0;
	s22 =	stileid.u32;
	s17 =	simm.s32 $0x5  }
0x4: {  	s19 =	simm.s32 $0x80;
	s20 =	simm.s32 $0x6000;
	s21 =	simm.s32 $0x2000  }
0x5: {  	s28 =	simm.s32 $0x4;
	s31 =	simm.s32 $0x0;
	s6 =	smul.u32 $0x50000, s22  }
0x6: {  	s2 =	sand.u32 $0x1, s2;
	[smem:$0x7FF] =	sst s4;
	s10 =	smul.u32 $0x4E000, s22  }
0x7: {  	s4 =	sadd.s32 $0x3C00, s0;
	s5 =	sadd.s32 $0x2AE00, s0;
	s13 =	smul.u32 $0x2700, s22  }
0x8: {  	s7 =	sadd.s32 $0x34E00, s0;
	s0 =	sadd.s32 $0x3EE00, s0;
	s16 =	smul.u32 $0x2800, s22  }
0x9: {  	p0 =	seq.s32 s22, $0xF;
	s3 =	sshll.u32 s2, $0x4;
	s12 =	smul.u32 $0x27100, s2  }
0xa: {  	_ =	strace $0x8000004A;
	s8 =	ssub.s32 $0x2, s2;
	s15 =	smul.u32 $0x138800, s2  }
0xb: {  	s2 =	smul.u32 $0x28000, s2;
	s3 =	sor.u32 s22, s3;
	s9 =	sshrl.u32 s8, $0x1  }
0xc: {  	s6 =	sshrl.u32 s6, $0x2;
	s26 =	sshrl.u32 s10, $0x2;
	s22 =	simm.s32 $0x1  }
0xd: {  	s3 =	smul.u32 $0x500, s3;
	s14 =	ssub.s32 s8, s9;
	s6 =	sadd.s32 s6, s1  }
0xe: {  	s12 =	sadd.s32 s13, s12;
	s29 =	sshrl.u32 s15, $0x3;
	s2 =	sadd.s32 s16, s2  }
0xf: {  	s15 =	sadd.s32 $0x124800, s1;
	s24 =	sadd.s32 $0x4000, s6;
	s25 =	sadd.s32 $0x8000, s6  }
0x10: {  	s10 =	sadd.s32 $0xC000, s6;
	s11 =	sadd.s32 $0x10000, s6;
	s12 =	sadd.s32 s0, s12  }
0x11: {  	s0 =	sadd.s32 s0, s29;
	s2 =	sadd.s32 $0x800, s2;
	[dreg:$0x5] =	wrdreg s24  }
0x12: {  	s14 =	smax.u32 s14, $0x1;
	s23 =	sadd.s32 s5, s3;
	[dreg:$0x6] =	wrdreg s25  }
0x13: {  	s3 =	sadd.s32 s7, s3;
	s13 =	sadd.s32 $0x24900, s0;
	[dreg:$0x3] =	wrdreg s23  }
0x14: {  	s30 =	sshrl.u32 s2, $0x3;
	s24 =	sshrl.u32 @p0 s15, $0x3;
	[dreg:$0x4] =	wrdreg s3  }
0x15: {  	s3 =	sadd.s32 s26, s1;
	s18 =	sadd.s32 s30, s7;
	s16 =	sadd.s32 s30, s5  }
0x16: {  	v0 =	vimm.f32 $0.0e+00;
	s23 =	simm.s32 $0x2;
	s26 =	simm.s32 $0x3;
	s25 =	sshrl.u32 @!p0 s3, $0x3  }
.LBB2_1:
0x17: {  	s0 =	simm.s32 $0x0;
	s2 =	rddreg [dreg:$0x3]  }
0x18: {  	[tilespmem:s0], [sflag:$0x5] =	stream.linear.gather [hbm4b:s2+s0], $0x800, $0x38;
	[tilespmem:$0x1E000] =	vst v63  }
0x19: {  	_ =	swait.ge [sflag:s17], $0x800  }
0x1a: {  	[sflag:s17] =	ssyncset.done $0x0  }
0x1b: {  	s3 =	simm.s32 $0x1000;
	s30 =	rddreg [dreg:$0x4];
	[sflag:s17] =	ssyncadd.s32 $0xFFFFF800  }
0x1c: {  	[tilespmem:s3], [sflag:$0x5] =	stream.linear.gather [hbm4b:s30+s0], $0x800, $0x38;
	[tilespmem:$0x1E000] =	vst v63  }
0x1d: {  	_ =	swait.ge [sflag:s17], $0x800  }
0x1e: {  	[sflag:s17] =	ssyncset.done $0x0  }
0x1f: {  	s2 =	simm.s32 $0x200;
	s0 =	simm.s32 $0x0;
	[sflag:s17] =	ssyncadd.s32 $0xFFFFF800  }
0x20: {  	[tilespmem:s20], [sflag:$0x2] =	stream.indirect.gather [hbm4b:s4+s19], $0x80, s19, s19, $0xb8;
	[tilespmem:$0x1E000] =	vst v63  }
.LBB2_2:
0x21: {  	p1 =	sne.s32 s2, $0xFE00;
	[tilespmem:s0+$0x2070] =	vst v0  }
0x22: {  	[tilespmem:s0+$0x2000] =	vst v0  }
0x23: {  	[tilespmem:s0+$0x2010] =	vst v0  }
.Ltmp0:
0x24: {  	[tilespmem:s0+$0x2020] =	vst v0;
	(pc) =	sbr.rel @p1 .LBB2_2-.Ltmp0, $4  }
0x25: {  	[tilespmem:s0+$0x2030] =	vst v0  }
0x26: {  	[tilespmem:s0+$0x2040] =	vst v0  }
0x27: {  	[tilespmem:s0+$0x2050] =	vst v0  }
0x28: {  	[tilespmem:s0+$0x2060] =	vst v0;
	s0 =	sshra.s32 s2, $0x2;
	s2 =	sadd.s32 $0x200, s2  }
0x29: {  	[tilespmem:s0+$0x2070] =	vst v0  }
0x2a: {  	[tilespmem:s0+$0x2000] =	vst v0  }
0x2b: {  	[tilespmem:s0+$0x2010] =	vst v0  }
0x2c: {  	[tilespmem:s0+$0x2020] =	vst v0  }
0x2d: {  	[tilespmem:s0+$0x2030] =	vst v0  }
0x2e: {  	[tilespmem:s0+$0x2040] =	vst v0  }
0x2f: {  	[tilespmem:s0+$0x2050] =	vst v0  }
0x30: {  	[tilespmem:s0+$0x2060] =	vst v0  }
0x31: {  	[spmem:s6] =	stream.linear.scatter [tilespmem:s21], [sflag:$0x5], $0x4000, $0x38;
	[tilespmem:$0x1E000] =	vst v63  }
0x32: {  	_ =	swait.ge [sflag:s17], $0x4000  }
0x33: {  	[sflag:s17] =	ssyncset.done $0x0  }
0x34: {  	s2 =	rddreg [dreg:$0x5];
	[sflag:s17] =	ssyncadd.s32 $0xFFFFC000  }
0x35: {  	[spmem:s2] =	stream.linear.scatter [tilespmem:s21], [sflag:$0x5], $0x4000, $0x38;
	[tilespmem:$0x1E000] =	vst v63  }
0x36: {  	_ =	swait.ge [sflag:s17], $0x4000  }
0x37: {  	[sflag:s17] =	ssyncset.done $0x0  }
0x38: {  	s3 =	rddreg [dreg:$0x6];
	[sflag:s17] =	ssyncadd.s32 $0xFFFFC000  }
0x39: {  	[spmem:s3] =	stream.linear.scatter [tilespmem:s21], [sflag:$0x5], $0x4000, $0x38;
	[tilespmem:$0x1E000] =	vst v63  }
0x3a: {  	_ =	swait.ge [sflag:s17], $0x4000  }
0x3b: {  	[sflag:s17] =	ssyncset.done $0x0  }
0x3c: {  	[sflag:s17] =	ssyncadd.s32 $0xFFFFC000  }
0x3d: {  	[spmem:s10] =	stream.linear.scatter [tilespmem:s21], [sflag:$0x5], $0x4000, $0x38;
	[tilespmem:$0x1E000] =	vst v63  }
0x3e: {  	_ =	swait.ge [sflag:s17], $0x4000  }
0x3f: {  	[sflag:s17] =	ssyncset.done $0x0  }
0x40: {  	s0 =	simm.s32 $0x0;
	[sflag:s17] =	ssyncadd.s32 $0xFFFFC000  }
0x41: {  	[spmem:s11] =	stream.linear.scatter [tilespmem:s21], [sflag:$0x5], $0x4000, $0x38;
	[tilespmem:$0x1E000] =	vst v63  }
0x42: {  	s2 =	sand.u32 $0x27, s0;
	_ =	swait.ge [sflag:s17], $0x4000  }
0x43: {  	p1 =	sne.s32 s2, $0x0;
	[sflag:s17] =	ssyncset.done $0x0  }
0x44: {  	s2 =	sxor.u32 @!p1 $0xFFFFFFFF, s0;
	s5 =	simm.s32 @!p1 $0x5;
	[sflag:s17] =	ssyncadd.s32 $0xFFFFC000  }
0x45: {  	[tilespmem:s21], [sflag:$0x1] =	stream.indirect.gather [hbm4b:s4+s19], $0x80, s0, s19, $0xb8;
	[tilespmem:$0x1E000] =	vst v63  }
0x46: {  	s2 =	sand.u32 @!p1 $0x800, s2;
	s3 =	simm.s32 @!p1 $0x0;
	[bflag:$0x0] =	sbarrier.arrive $0xFFFF  }
0x47: {  	[tilespmem:s2], [sflag:$0x5] =	stream.linear.gather @!p1 [hbm4b:s16+s3], $0x800, $0x38;
	[tilespmem:$0x1E000] =	vst v63  }
0x48: {  	_ =	swait.ge @!p1 [sflag:s5], $0x800  }
0x49: {  	[sflag:s5] =	ssyncset.done @!p1 $0x0  }
0x4a: {  	s2 =	sor.u32 @!p1 $0x1000, s2;
	[sflag:s5] =	ssyncadd.s32 @!p1 $0xFFFFF800  }
0x4b: {  	[tilespmem:s2], [sflag:$0x5] =	stream.linear.gather @!p1 [hbm4b:s18+s3], $0x800, $0x38;
	[tilespmem:$0x1E000] =	vst v63  }
0x4c: {  	_ =	swait.ge @!p1 [sflag:s5], $0x800  }
0x4d: {  	[sflag:s5] =	ssyncset.done @!p1 $0x0  }
0x4e: {  	[sflag:s5] =	ssyncadd.s32 @!p1 $0xFFFFF800  }
0x4f: {  	_ =	swait.ge [sflag:s22], $0x4000  }
0x50: {  	s5 =	sand.u32 $0xF00, s0;
	[sflag:s22] =	ssyncset.done $0x0  }
0x51: {  	s0 =	sor.u32 $0x1000, s5;
	[sflag:s22] =	ssyncadd.s32 $0xFFFFC000  }
0x52: {  	[spmem:s1] =	stream.indirect.scatter.add.f32 [tilespmem:s21], [sflag:$0x3], $0x80, s0, s19, $0xb8;
	[tilespmem:$0x1E000] =	vst v63  }
0x53: {  	_ =	swait.ge [sflag:s23], $0x4000  }
0x54: {  	[sflag:s23] =	ssyncset.done $0x0  }
0x55: {  	[sflag:s23] =	ssyncadd.s32 $0xFFFFC000  }
0x56: {  	s8 =	simm.s32 $0x1;
	_ =	swait.ge [sflag:s26], $0x4000  }
0x57: {  	s9 =	simm.s32 $0x180;
	s0 =	simm.s32 $0x100;
	[sflag:s26] =	ssyncset.done $0x0  }
0x58: {  	s15 =	simm.s32 $0x280;
	s7 =	sand.u32 $0xF00, s0;
	[sflag:s26] =	ssyncadd.s32 $0xFFFFC000  }
0x59: {  	[tilespmem:s21], [sflag:$0x1] =	stream.indirect.gather [hbm4b:s4+s19], $0x80, s7, s19, $0xb8;
	[tilespmem:$0x1E000] =	vst v63  }
0x5a: {  	s29 =	sadd.s32 $0x20, s16;
	s30 =	sand.u32 $0xF80, s9;
	s2 =	sor.u32 $0x1080, s5  }
0x5b: {  	[spmem:s1] =	stream.indirect.scatter.add.f32 [tilespmem:s20], [sflag:$0x4], $0x80, s2, s19, $0xb8;
	[tilespmem:$0x1E000] =	vst v63  }
0x5c: {  	s3 =	sand.u32 $0xF80, s15;
	s15 =	smov.u32 s18;
	_ =	swait.ge [sflag:s28], $0x4000  }
0x5d: {  	s5 =	sand.u32 $0x27, s8;
	s2 =	simm.s32 $0x2;
	[sflag:s28] =	ssyncset.done $0x0  }
.LBB2_4:
0x5e: {  	p2 =	sne.s32 s5, $0x0  }
0x5f: {  	s15 =	sadd.s32 $0x20, s15;
	s5 =	smov.u32 s2;
	s2 =	sadd.s32 $0x1, s2  }
0x60: {  	p1 =	sne.s32 s2, $0x27;
	s7 =	sxor.u32 @!p2 $0xFFFFFFFF, s0;
	[sflag:s28] =	ssyncadd.s32 $0xFFFFC000  }
0x61: {  	[tilespmem:s20], [sflag:$0x2] =	stream.indirect.gather [hbm4b:s4+s19], $0x80, s30, s19, $0xb8;
	[tilespmem:$0x1E000] =	vst v63  }
0x62: {  	s8 =	simm.s32 @!p2 $0x0;
	s9 =	simm.s32 @!p2 $0x5;
	s7 =	sand.u32 @!p2 $0x800, s7  }
0x63: {  	[tilespmem:s7], [sflag:$0x5] =	stream.linear.gather @!p2 [hbm4b:s29+s8], $0x800, $0x38;
	[tilespmem:$0x1E000] =	vst v63  }
0x64: {  	s30 =	smov.u32 s3;
	s7 =	sor.u32 @!p2 $0x1000, s7;
	_ =	swait.ge @!p2 [sflag:s9], $0x800  }
0x65: {  	[sflag:s9] =	ssyncset.done @!p2 $0x0  }
0x66: {  	[sflag:s9] =	ssyncadd.s32 @!p2 $0xFFFFF800  }
0x67: {  	[tilespmem:s7], [sflag:$0x5] =	stream.linear.gather @!p2 [hbm4b:s15+s8], $0x800, $0x38;
	[tilespmem:$0x1E000] =	vst v63  }
0x68: {  	_ =	swait.ge @!p2 [sflag:s9], $0x800  }
0x69: {  	[sflag:s9] =	ssyncset.done @!p2 $0x0  }
0x6a: {  	[sflag:s9] =	ssyncadd.s32 @!p2 $0xFFFFF800  }
0x6b: {  	_ =	swait.ge [sflag:s22], $0x4000  }
0x6c: {  	s8 =	sand.u32 $0xF00, s0;
	[sflag:s22] =	ssyncset.done $0x0  }
0x6d: {  	s3 =	sor.u32 $0x1000, s8;
	[sflag:s22] =	ssyncadd.s32 $0xFFFFC000  }
0x6e: {  	[spmem:s1] =	stream.indirect.scatter.add.f32 [tilespmem:s21], [sflag:$0x3], $0x80, s3, s19, $0xb8;
	[tilespmem:$0x1E000] =	vst v63  }
0x6f: {  	_ =	swait.ge [sflag:s23], $0x4000  }
0x70: {  	[sflag:s23] =	ssyncset.done $0x0  }
0x71: {  	[sflag:s23] =	ssyncadd.s32 $0xFFFFC000  }
0x72: {  	_ =	swait.ge [sflag:s26], $0x4000  }
0x73: {  	s0 =	sadd.s32 $0x100, s0;
	[sflag:s26] =	ssyncset.done $0x0  }
0x74: {  	s7 =	sand.u32 $0xF00, s0;
	s3 =	sadd.s32 $0x180, s0;
	[sflag:s26] =	ssyncadd.s32 $0xFFFFC000  }
0x75: {  	[tilespmem:s21], [sflag:$0x1] =	stream.indirect.gather [hbm4b:s4+s19], $0x80, s7, s19, $0xb8;
	[tilespmem:$0x1E000] =	vst v63  }
.Ltmp1:
0x76: {  	_ = 	snop;
	(pc) =	sbr.rel @p1 .LBB2_4-.Ltmp1, $4  }
0x77: {  	s8 =	sor.u32 $0x1080, s8;
	s3 =	sand.u32 $0xF80, s3  }
0x78: {  	[spmem:s1] =	stream.indirect.scatter.add.f32 [tilespmem:s20], [sflag:$0x4], $0x80, s8, s19, $0xb8;
	[tilespmem:$0x1E000] =	vst v63  }
0x79: {  	_ =	swait.ge [sflag:s28], $0x4000  }
0x7a: {  	s5 =	sand.u32 $0x27, s5;
	s29 =	sadd.s32 $0x20, s29;
	[sflag:s28] =	ssyncset.done $0x0  }
0x7b: {  	p1 =	sne.s32 s5, $0x0  }
0x7c: {  	[sflag:s28] =	ssyncadd.s32 $0xFFFFC000;
	s2 =	sxor.u32 @!p1 $0xFFFFFFFF, s0  }
0x7d: {  	[tilespmem:s20], [sflag:$0x2] =	stream.indirect.gather [hbm4b:s4+s19], $0x80, s30, s19, $0xb8;
	[tilespmem:$0x1E000] =	vst v63  }
0x7e: {  	s5 =	simm.s32 @!p1 $0x0;
	s8 =	simm.s32 @!p1 $0x5;
	s2 =	sand.u32 @!p1 $0x800, s2  }
0x7f: {  	[tilespmem:s2], [sflag:$0x5] =	stream.linear.gather @!p1 [hbm4b:s29+s5], $0x800, $0x38;
	[tilespmem:$0x1E000] =	vst v63  }
0x80: {  	_ =	swait.ge @!p1 [sflag:s8], $0x800  }
0x81: {  	[sflag:s8] =	ssyncset.done @!p1 $0x0  }
0x82: {  	s9 =	sadd.s32 $0x20, s15;
	s2 =	sor.u32 @!p1 $0x1000, s2;
	[sflag:s8] =	ssyncadd.s32 @!p1 $0xFFFFF800  }
0x83: {  	[tilespmem:s2], [sflag:$0x5] =	stream.linear.gather @!p1 [hbm4b:s9+s5], $0x800, $0x38;
	[tilespmem:$0x1E000] =	vst v63  }
0x84: {  	_ =	swait.ge @!p1 [sflag:s8], $0x800  }
0x85: {  	[sflag:s8] =	ssyncset.done @!p1 $0x0  }
0x86: {  	[sflag:s8] =	ssyncadd.s32 @!p1 $0xFFFFF800  }
0x87: {  	_ =	swait.ge [sflag:s22], $0x4000  }
0x88: {  	[sflag:s22] =	ssyncset.done $0x0  }
0x89: {  	s8 =	sor.u32 $0x1000, s7;
	[sflag:s22] =	ssyncadd.s32 $0xFFFFC000  }
0x8a: {  	[spmem:s1] =	stream.indirect.scatter.add.f32 [tilespmem:s21], [sflag:$0x3], $0x80, s8, s19, $0xb8;
	[tilespmem:$0x1E000] =	vst v63  }
0x8b: {  	_ =	swait.ge [sflag:s23], $0x4000  }
0x8c: {  	[sflag:s23] =	ssyncset.done $0x0  }
0x8d: {  	[sflag:s23] =	ssyncadd.s32 $0xFFFFC000  }
0x8e: {  	_ =	swait.ge [sflag:s26], $0x4000  }
0x8f: {  	s9 =	sadd.s32 $0x100, s0;
	[sflag:s26] =	ssyncset.done $0x0  }
0x90: {  	s0 =	sand.u32 $0xF00, s9;
	[sflag:s26] =	ssyncadd.s32 $0xFFFFC000  }
0x91: {  	[tilespmem:s21], [sflag:$0x1] =	stream.indirect.gather [hbm4b:s4+s19], $0x80, s0, s19, $0xb8;
	[tilespmem:$0x1E000] =	vst v63  }
0x92: {  	s15 =	sor.u32 $0x1080, s7  }
0x93: {  	[spmem:s1] =	stream.indirect.scatter.add.f32 [tilespmem:s20], [sflag:$0x4], $0x80, s15, s19, $0xb8;
	[tilespmem:$0x1E000] =	vst v63  }
0x94: {  	_ =	swait.ge [sflag:s28], $0x4000  }
0x95: {  	[sflag:s28] =	ssyncset.done $0x0  }
0x96: {  	[sflag:s28] =	ssyncadd.s32 $0xFFFFC000  }
0x97: {  	[tilespmem:s20], [sflag:$0x2] =	stream.indirect.gather [hbm4b:s4+s19], $0x80, s3, s19, $0xb8;
	[tilespmem:$0x1E000] =	vst v63  }
0x98: {  	_ =	swait.ge [sflag:s22], $0x4000  }
0x99: {  	[sflag:s22] =	ssyncset.done $0x0  }
0x9a: {  	s29 =	simm.s32 $0x1700;
	[sflag:s22] =	ssyncadd.s32 $0xFFFFC000  }
0x9b: {  	[spmem:s1] =	stream.indirect.scatter.add.f32 [tilespmem:s21], [sflag:$0x3], $0x80, s29, s19, $0xb8;
	[tilespmem:$0x1E000] =	vst v63  }
0x9c: {  	_ =	swait.ge [sflag:s23], $0x4000  }
0x9d: {  	[sflag:s23] =	ssyncset.done $0x0  }
0x9e: {  	[sflag:s23] =	ssyncadd.s32 $0xFFFFC000  }
0x9f: {  	_ =	swait.ge [sflag:s26], $0x4000  }
0xa0: {  	[sflag:s26] =	ssyncset.done $0x0  }
0xa1: {  	s30 =	simm.s32 $0x1780;
	[sflag:s26] =	ssyncadd.s32 $0xFFFFC000  }
0xa2: {  	[spmem:s1] =	stream.indirect.scatter.add.f32 [tilespmem:s20], [sflag:$0x4], $0x80, s30, s19, $0xb8;
	[tilespmem:$0x1E000] =	vst v63  }
0xa3: {  	_ =	swait.ge [sflag:s28], $0x4000  }
0xa4: {  	[sflag:s28] =	ssyncset.done $0x0  }
0xa5: {  	[sflag:s28] =	ssyncadd.s32 $0xFFFFC000  }
0xa6: {  	s0 =	simm.s32 @p0 $0x1FC5;
	[bflag:$0x0] =	sbarrier.arrive $0xFFFF  }
0xa7: {  	[hbm:s13], [sflag:s0] =	dma.local @p0 [spmem:s24], $0x2800  }
0xa8: {  	s0 =	simm.s32 @p0 $0x5  }
0xa9: {  	s2 =	stileid.u32;
	_ =	swait.ge @p0 [sflag:s0], $0x2800  }
0xaa: {  	s31 =	sadd.s32 $0x1, s31;
	s2 =	sshll.u32 @!p0 s2, $0x6;
	[sflag:s0] =	ssyncset.done @p0 $0x0  }
0xab: {  	p1 =	sne.s32 s31, s14;
	[sflag:s0] =	ssyncadd.s32 @p0 $0xFFFFD800;
	s0 =	sor.u32 @!p0 $0x1C05, s2  }
0xac: {  	[hbm:s12], [sflag:s0] =	dma.local @!p0 [spmem:s25], $0x2700  }
.Ltmp2:
0xad: {  	_ = 	snop;
	(pc) =	sbr.rel @p1 .LBB2_1-.Ltmp2, $4  }
0xae: {  	s0 =	simm.s32 @!p0 $0x5  }
0xaf: {  	_ =	swait.ge @!p0 [sflag:s0], $0x2700  }
0xb0: {  	[sflag:s0] =	ssyncset.done @!p0 $0x0  }
0xb1: {  	[sflag:s0] =	ssyncadd.s32 @!p0 $0xFFFFD900  }
0xb2: {  	_ =	sfence.sel $0x180000  }
0xb3: {  	[bflag:$0x0] =	sbarrier.arrive $0xFFFF  }
0xb4: {  	_ =	strace $0x9000004A  }
0xb5: {  	s0 =	stileid.u32;
	[bflag:$0x2] =	sbarrier.arrive $0xFFFF  }
0xb6: {  	p0 =	sne.s32 s0, $0x0;
	s0 =	rddreg [dreg:$0x2]  }
0xb7: {  	s0 =	sadd.s32 @!p0 $0x100000, s0  }
0xb8: {  	[sflag:s0] =	ssyncadd.tile.s32 @!p0 $0x1;
	_ =	shalt  }
.Lfunc_end2:
_tile_overlayer_lowered:
.L_overlay_start_2:
0xb9: {  	(tag) =	ssettag $0x2  }
0xba: {  	s0 =	rddreg [dreg:$0x0];
	s2 =	stileid.u32  }
0xbb: {  	s1 =	rddreg [dreg:$0x1];
	p0 =	sne.s32 s2, $0x0  }
0xbc: {  	s3 =	rddreg [dreg:$0x2];
	[bflag:$0x3] =	sbarrier.arrive $0xFFFF;
	s2 =	simm.s32 @!p0 $0x1C05  }
0xbd: {  	[timem:s3], [sflag:s2] =	dma.local @!p0 [hbm:s0], s1  }
0xbe: {  	s0 =	simm.s32 @!p0 $0x5  }
0xbf: {  	_ =	swait.ge @!p0 [sflag:s0], s1  }
0xc0: {  	s1 =	ssub.s32 @!p0 $0x0, s1;
	[sflag:s0] =	ssyncset.done @!p0 $0x0  }
0xc1: {  	[sflag:s0] =	ssyncadd.s32 @!p0 s1  }
0xc2: {  	[bflag:$0x3] =	sbarrier.arrive $0xFFFF  }
0xc3: {  	_ =	shalt  }

// kernel: kernel.15.cloned.1.call-start
scs
__scs_entry_jumppad:
0x0: {  	(pc) =	sbr.rel $0x88, $3  }
0x1: {  	(tag) =	ssettag $0x0;
	lr =	simm.s32 $0x1  }
0x2: {  	[smem:$0x3F93] =	sst lr;
	_ =	strace $0xD0000000  }
0x3: {  	_ = 	snop  }
0x4: {  	_ = 	snop  }
0x5: {  	_ = 	snop  }
0x6: {  	_ = 	snop  }
0x7: {  	_ = 	snop  }
__scs_overlays_trampoline_lowered:
0x8: {  	[smem:$0x3FA2] =	sst s0  }
0x9: {  	[smem:$0x3FA3] =	sst s1  }
0xa: {  	[smem:$0x3FA4] =	sst s2  }
0xb: {  	[smem:$0x3FA5] =	sst s3  }
0xc: {  	[smem:$0x3FA6] =	sst s4  }
0xd: {  	[smem:$0x3FA7] =	sst s5  }
0xe: {  	[smem:$0x3FA8] =	sst s6  }
0xf: {  	[smem:$0x3FA9] =	sst s7  }
0x10: {  	[smem:$0x3FAA] =	sst s8  }
0x11: {  	[smem:$0x3FAB] =	sst s9;
	s0 =	simm.s32 @!p0 $0x0  }
0x12: {  	s1 =	sld [smem:$0x3F91];
	s0 =	simm.s32 @p0 $0x1  }
0x13: {  	[smem:$0x3FAC] =	sst s0;
	s0 =	simm.s32 @!p1 $0x0  }
0x14: {  	s2 =	sld [smem:$0x3F90];
	s0 =	simm.s32 @p1 $0x1  }
0x15: {  	[smem:$0x3FAD] =	sst s0;
	s0 =	simm.s32 @!p2 $0x0  }
0x16: {  	s3 =	sld [smem:$0x3FDB];
	s0 =	simm.s32 @p2 $0x1  }
0x17: {  	s4 =	simm.s32 $0x1BF5;
	[smem:$0x3FAF] =	sst s0  }
0x18: {  	s0 =	sld [smem:$0x3F92];
	_ =	swait.ge [sflag:s4], $0x0  }
0x19: {  	s7 =	sld [smem:$0x3F93]  }
0x1a: {  	s8 =	sadd.s32 $0xFFFFE003, lr  }
0x1b: {  	s9 =	sadd.s32 $0xFFFFFEF7, lr;
	s5 =	simm.s32 $0xFFFFFFFF;
	p2 =	slt.u32 s8, $0xFFFFF086  }
0x1c: {  	p1 =	slt.u32 s9, $0xF7A;
	s5 =	simm.s32 @!p2 $0x0  }
0x1d: {  	s5 =	simm.s32 @p1 $0x1;
	p0 =	seq.s32 s7, s2  }
0x1e: {  	s7 =	smul.u32 @!p0 $0xF7A, s2;
	p2 =	seq.s32 @!p0 s5, $0x0  }
0x1f: {  	s9 =	smul.u32 $0xF7A, s1;
	s8 =	simm.s32 @!p0 $0x1BF5;
	p2 =	por !p2, p0  }
0x20: {  	[sflag:s8] =	ssyncset.s32 @!p0 $0xFFFFF086;
	s6 =	sadd.s32 @!p0 s3, s7;
	s7 =	simm.s32 @!p0 $0x108  }
0x21: {  	s3 =	sadd.s32 s3, s9;
	s6 =	sadd.s32 @!p0 $0x88, s6;
	s7 =	simm.s32 @p2 $0x1082  }
0x22: {  	[simem:s7], [sflag:s8] =	dma.local @!p0 [hbm:s6], $0xF7A  }
0x23: {  	s9 =	sor.u32 $0xD0000000, s2;
	s6 =	simm.s32 $0x108;
	_ =	swait.ge @!p0 [sflag:s8], $0x0  }
0x24: {  	s3 =	sadd.s32 $0x88, s3;
	s6 =	simm.s32 @!p1 $0x1082;
	[sflag:s4] =	ssyncset.s32 $0xFFFFF086  }
0x25: {  	[simem:s6], [sflag:s4] =	dma.local [hbm:s3], $0xF7A  }
0x26: {  	[smem:$0x3F93] =	sst s1;
	(tag) =	ssettag s2;
	_ =	strace s9  }
0x27: {  	s1 =	sld [smem:$0x3FA3]  }
0x28: {  	s2 =	sld [smem:$0x3FA4]  }
0x29: {  	s4 =	sld [smem:$0x3FA6]  }
0x2a: {  	p0 =	seq.s32 s5, $0x0;
	s5 =	sld [smem:$0x3FA7]  }
0x2b: {  	s6 =	sld [smem:$0x3FA8]  }
0x2c: {  	s7 =	sld [smem:$0x3FA9]  }
0x2d: {  	s3 =	simm.s32 $0x108;
	s8 =	sld [smem:$0x3FAA]  }
0x2e: {  	s3 =	simm.s32 @!p0 $0x1082;
	s9 =	sld [smem:$0x3FAB]  }
0x2f: {  	lr =	sadd.s32 s0, s3;
	s0 =	sld [smem:$0x3FA2]  }
0x30: {  	s3 =	sld [smem:$0x3FA5]  }
0x31: {  	[smem:$0x3FAE] =	sst s10  }
0x32: {  	s10 =	sld [smem:$0x3FAC];
	_ =	sdelay $0x3  }
0x33: {  	p0 =	seq.s32 s10, $0x1;
	s10 =	sld [smem:$0x3FAE];
	_ =	sdelay $0x3  }
0x34: {  	[smem:$0x3FAE] =	sst s10  }
0x35: {  	s10 =	sld [smem:$0x3FAD];
	_ =	sdelay $0x3  }
0x36: {  	p1 =	seq.s32 s10, $0x1;
	s10 =	sld [smem:$0x3FAE];
	_ =	sdelay $0x3  }
0x37: {  	[smem:$0x3FAE] =	sst s10  }
0x38: {  	s10 =	sld [smem:$0x3FAF]  }
0x39: {  	_ = 	snop;
	(pc) =	sbr.ind lr, $3  }
0x3a: {  	_ = 	snop  }
0x3b: {  	_ = 	snop  }
0x3c: {  	p2 =	seq.s32 s10, $0x1;
	s10 =	sld [smem:$0x3FAE]  }
0x3d: {  	_ =	shalt  }
0x3e: {  	_ =	shalt  }
0x3f: {  	_ =	shalt  }
0x40: {  	_ =	shalt  }
0x41: {  	_ =	shalt  }
0x42: {  	_ =	shalt  }
0x43: {  	_ =	shalt  }
0x44: {  	_ =	shalt  }
0x45: {  	_ =	shalt  }
0x46: {  	_ =	shalt  }
0x47: {  	_ =	shalt  }
0x48: {  	_ =	shalt  }
0x49: {  	_ =	shalt  }
0x4a: {  	_ =	shalt  }
0x4b: {  	_ =	shalt  }
0x4c: {  	_ =	shalt  }
0x4d: {  	_ =	shalt  }
0x4e: {  	_ =	shalt  }
0x4f: {  	_ =	shalt  }
0x50: {  	_ =	shalt  }
0x51: {  	_ =	shalt  }
0x52: {  	_ =	shalt  }
0x53: {  	_ =	shalt  }
0x54: {  	_ =	shalt  }
0x55: {  	_ =	shalt  }
0x56: {  	_ =	shalt  }
0x57: {  	_ =	shalt  }
0x58: {  	_ =	shalt  }
0x59: {  	_ =	shalt  }
0x5a: {  	_ =	shalt  }
0x5b: {  	_ =	shalt  }
0x5c: {  	_ =	shalt  }
0x5d: {  	_ =	shalt  }
0x5e: {  	_ =	shalt  }
0x5f: {  	_ =	shalt  }
0x60: {  	_ =	shalt  }
0x61: {  	_ =	shalt  }
0x62: {  	_ =	shalt  }
0x63: {  	_ =	shalt  }
0x64: {  	_ =	shalt  }
0x65: {  	_ =	shalt  }
0x66: {  	_ =	shalt  }
0x67: {  	_ =	shalt  }
0x68: {  	_ =	shalt  }
0x69: {  	_ =	shalt  }
0x6a: {  	_ =	shalt  }
0x6b: {  	_ =	shalt  }
0x6c: {  	_ =	shalt  }
0x6d: {  	_ =	shalt  }
0x6e: {  	_ =	shalt  }
0x6f: {  	_ =	shalt  }
0x70: {  	_ =	shalt  }
0x71: {  	_ =	shalt  }
0x72: {  	_ =	shalt  }
0x73: {  	_ =	shalt  }
0x74: {  	_ =	shalt  }
0x75: {  	_ =	shalt  }
0x76: {  	_ =	shalt  }
0x77: {  	_ =	shalt  }
0x78: {  	_ =	shalt  }
0x79: {  	_ =	shalt  }
0x7a: {  	_ =	shalt  }
0x7b: {  	_ =	shalt  }
0x7c: {  	_ =	shalt  }
0x7d: {  	_ =	shalt  }
0x7e: {  	_ =	shalt  }
0x7f: {  	_ =	shalt  }
0x80: {  	_ =	shalt  }
0x81: {  	_ =	shalt  }
0x82: {  	_ =	shalt  }
0x83: {  	_ =	shalt  }
0x84: {  	_ =	shalt  }
0x85: {  	_ =	shalt  }
0x86: {  	_ =	shalt  }
0x87: {  	_ =	shalt  }
.Lfunc_end0:
.L_simem_size_0:
called_computation.2_lowered:
.L_overlay_start_0:
0x88: {  	s2 =	sld [smem:$0x3FD9]  }
0x89: {  	s3 =	sld [smem:$0x3FFE];
	_ =	sdelay $0x1  }
0x8a: {  	s1 =	srdreg.scid  }
0x8b: {  	s0 =	sand.u32 $0x1, s1  }
0x8c: {  	s16 =	sshll.u32 s0, $0xA;
	s2 =	sadd.s32 s3, s2  }
0x8d: {  	s2 =	sadd.s32 s2, s16  }
0x8e: {  	[smem:$0x3FBA] =	sst s2  }
0x8f: {  	_ = 	snop  }
0x90: {  	(tm) =	ssettm $0x1  }
0x91: {  	s17 =	sld [smem:$0x3FFB];
	_ =	sdelay $0x3  }
0x92: {  	_ =	strace s17  }
0x93: {  	s2 =	sld [smem:$0x3FFC];
	_ =	sdelay $0x3  }
0x94: {  	_ =	strace s2  }
0x95: {  	s2 =	sld [smem:$0x3FFD];
	_ =	sdelay $0x3  }
0x96: {  	_ =	strace s2  }
0x97: {  	_ =	strace $0x8FFFFFFF  }
0x98: {  	s18 =	sld [smem:$0x3FDB];
	_ =	sdelay $0x1  }
0x99: {  	s19 =	simm.s32 $_scs_section_size  }
0x9a: {  	s4 =	simm.s32 $_size__tile_overlayer_lowered;
	s5 =	simm.s32 $_tile_overlayer_lowered  }
0x9b: {  	s22 =	simm.s32 $0x1BFF;
	s21 =	sshll.u32 s5, $0x1;
	s2 =	sadd.s32 s19, s18  }
0x9c: {  	s6 =	simm.s32 $0x0;
	s20 =	sshll.u32 s4, $0x1;
	s4 =	sadd.s32 s21, s2  }
0x9d: {  	[timem:s6], [sflag:s22] =	dma.local [hbm:s4], s20  }
0x9e: {  	_ =	swait.ge [sflag:s22], s20  }
0x9f: {  	s3 =	ssub.s32 $0x0, s20;
	[sflag:s22] =	ssyncset.done $0x0  }
0xa0: {  	[sflag:s22] =	ssyncadd.s32 s3;
	_ =	sdelay $0x1  }
0xa1: {  	s23 =	simm.s32 $0x1B8B  }
0xa2: {  	_ =	swait.ge [sflag:s23], $0x1  }
0xa3: {  	[sflag:s23] =	ssyncset.done $0x0  }
0xa4: {  	s25 =	simm.s32 $0x1B8E;
	s24 =	sld [smem:$0x3FFE];
	[sflag:s23] =	ssyncadd.s32 $0xFFFFFFFF  }
0xa5: {  	s26 =	simm.s32 $execute0_lowered;
	[smem:$0x3FD2] =	sst s25  }
0xa6: {  	s4 =	sshll.u32 s26, $0x1;
	_ =	strace $0x8000004C;
	[dreg:$0x1] =	wrdreg $0xFFFFFFFF  }
0xa7: {  	s28 =	simm.s32 $_size_execute0_lowered;
	s2 =	sadd.s32 s2, s4;
	[dreg:$0x0] =	wrdreg $0x0  }
0xa8: {  	s4 =	sshll.u32 s28, $0x1;
	[dreg:$0x2] =	wrdreg s2  }
0xa9: {  	[dreg:$0x3] =	wrdreg s4  }
0xaa: {  	[dreg:$0x4] =	wrdreg $0xC0  }
0xab: {  	_ =	task [dreg:s6], $0x5FFFF  }
0xac: {  	[dreg:$0x1] =	wrdreg $0xFFFFFFFF  }
0xad: {  	[dreg:$0x0] =	wrdreg $0x60  }
0xae: {  	[dreg:$0x2] =	wrdreg s24  }
0xaf: {  	[dreg:$0x3] =	wrdreg $0xA0000  }
0xb0: {  	[dreg:$0x4] =	wrdreg $0x9  }
0xb1: {  	_ =	task.clear_ibuf [dreg:s6], $0x5FFFF;
	_ =	strace $0x9000004C  }
0xb2: {  	s29 =	simm.s32 $0x9;
	_ =	strace $0x8000004E  }
0xb3: {  	_ =	swait.ge [sflag:s29], $0x1  }
0xb4: {  	[sflag:s29] =	ssyncadd.s32 $0xFFFFFFFF  }
0xb5: {  	_ =	strace $0x9000004E  }
0xb6: {  	_ =	sfence  }
0xb7: {  	s30 =	sld [smem:$0x0];
	_ =	sdelay $0x2  }
0xb8: {  	s31 =	sshll.u32 s1, $0xD;
	s1 =	sshrl.u32 s1, $0x2  }
0xb9: {  	s3 =	sand.u32 $0x4000, s31;
	s1 =	sadd.s32 s1, s30  }
0xba: {  	s0 =	sor.u32 s3, s0;
	s1 =	sshll.u32 s1, $0x11  }
0xbb: {  	s0 =	sor.u32 s1, s0  }
0xbc: {  	s0 =	sadd.s32 $0x8F2B, s0  }
0xbd: {  	[sflag:s0] =	ssyncadd.remote.s32 $0x1  }
0xbe: {  	_ =	sfence.sel $0xFFFF  }
0xbf: {  	[dreg:$0x0] =	wrdreg $0xFFFFFFFF;
	(pc) =	sbr.abs _section_cstart, $3  }
0xc0: {  	[dreg:$0x1] =	wrdreg $0xFFFFFFFF  }
0xc1: {  	_ =	task.clear_ibuf [dreg:s6], $0x2FFFF;
	_ =	strace $0x9FFFFFFF  }
0xc2: {  	(tm) =	ssettm $0x7FFFFFFF  }
0xc3: {  	_ =	shalt  }
tec
execute0_lowered:
.L_overlay_start_1:
0x0: {  	(tag) =	ssettag $0x1  }
0x1: {  	s0 =	rddreg [dreg:$0x0]  }
0x2: {  	s1 =	rddreg [dreg:$0x1];
	s2 =	srdreg.scid  }
0x3: {  	s4 =	simm.s32 $0x0;
	s22 =	stileid.u32;
	s17 =	simm.s32 $0x5  }
0x4: {  	s19 =	simm.s32 $0x80;
	s20 =	simm.s32 $0x6000;
	s21 =	simm.s32 $0x2000  }
0x5: {  	s28 =	simm.s32 $0x4;
	s31 =	simm.s32 $0x0;
	s6 =	smul.u32 $0x50000, s22  }
0x6: {  	s2 =	sand.u32 $0x1, s2;
	[smem:$0x7FF] =	sst s4;
	s10 =	smul.u32 $0x4E000, s22  }
0x7: {  	s4 =	sadd.s32 $0x3C00, s0;
	s5 =	sadd.s32 $0x2AE00, s0;
	s13 =	smul.u32 $0x2700, s22  }
0x8: {  	s7 =	sadd.s32 $0x34E00, s0;
	s0 =	sadd.s32 $0x3EE00, s0;
	s16 =	smul.u32 $0x2800, s22  }
0x9: {  	p0 =	seq.s32 s22, $0xF;
	s3 =	sshll.u32 s2, $0x4;
	s12 =	smul.u32 $0x27100, s2  }
0xa: {  	_ =	strace $0x8000004D;
	s8 =	ssub.s32 $0x2, s2;
	s15 =	smul.u32 $0x138800, s2  }
0xb: {  	s2 =	smul.u32 $0x28000, s2;
	s3 =	sor.u32 s22, s3;
	s9 =	sshrl.u32 s8, $0x1  }
0xc: {  	s6 =	sshrl.u32 s6, $0x2;
	s26 =	sshrl.u32 s10, $0x2;
	s22 =	simm.s32 $0x1  }
0xd: {  	s3 =	smul.u32 $0x500, s3;
	s14 =	ssub.s32 s8, s9;
	s6 =	sadd.s32 s6, s1  }
0xe: {  	s12 =	sadd.s32 s13, s12;
	s29 =	sshrl.u32 s15, $0x3;
	s2 =	sadd.s32 s16, s2  }
0xf: {  	s15 =	sadd.s32 $0x124800, s1;
	s24 =	sadd.s32 $0x4000, s6;
	s25 =	sadd.s32 $0x8000, s6  }
0x10: {  	s10 =	sadd.s32 $0xC000, s6;
	s11 =	sadd.s32 $0x10000, s6;
	s12 =	sadd.s32 s0, s12  }
0x11: {  	s0 =	sadd.s32 s0, s29;
	s2 =	sadd.s32 $0x800, s2;
	[dreg:$0x5] =	wrdreg s24  }
0x12: {  	s14 =	smax.u32 s14, $0x1;
	s23 =	sadd.s32 s5, s3;
	[dreg:$0x6] =	wrdreg s25  }
0x13: {  	s3 =	sadd.s32 s7, s3;
	s13 =	sadd.s32 $0x24900, s0;
	[dreg:$0x3] =	wrdreg s23  }
0x14: {  	s30 =	sshrl.u32 s2, $0x3;
	s24 =	sshrl.u32 @p0 s15, $0x3;
	[dreg:$0x4] =	wrdreg s3  }
0x15: {  	s3 =	sadd.s32 s26, s1;
	s18 =	sadd.s32 s30, s7;
	s16 =	sadd.s32 s30, s5  }
0x16: {  	v0 =	vimm.f32 $0.0e+00;
	s23 =	simm.s32 $0x2;
	s26 =	simm.s32 $0x3;
	s25 =	sshrl.u32 @!p0 s3, $0x3  }
.LBB2_1:
0x17: {  	s0 =	simm.s32 $0x0;
	s2 =	rddreg [dreg:$0x3]  }
0x18: {  	[tilespmem:s0], [sflag:$0x5] =	stream.linear.gather [hbm4b:s2+s0], $0x800, $0x38;
	[tilespmem:$0x1E000] =	vst v63  }
0x19: {  	_ =	swait.ge [sflag:s17], $0x800  }
0x1a: {  	[sflag:s17] =	ssyncset.done $0x0  }
0x1b: {  	s3 =	simm.s32 $0x1000;
	s30 =	rddreg [dreg:$0x4];
	[sflag:s17] =	ssyncadd.s32 $0xFFFFF800  }
0x1c: {  	[tilespmem:s3], [sflag:$0x5] =	stream.linear.gather [hbm4b:s30+s0], $0x800, $0x38;
	[tilespmem:$0x1E000] =	vst v63  }
0x1d: {  	_ =	swait.ge [sflag:s17], $0x800  }
0x1e: {  	[sflag:s17] =	ssyncset.done $0x0  }
0x1f: {  	s2 =	simm.s32 $0x200;
	s0 =	simm.s32 $0x0;
	[sflag:s17] =	ssyncadd.s32 $0xFFFFF800  }
0x20: {  	[tilespmem:s20], [sflag:$0x2] =	stream.indirect.gather [hbm4b:s4+s19], $0x80, s19, s19, $0xb8;
	[tilespmem:$0x1E000] =	vst v63  }
.LBB2_2:
0x21: {  	p1 =	sne.s32 s2, $0xFE00;
	[tilespmem:s0+$0x2070] =	vst v0  }
0x22: {  	[tilespmem:s0+$0x2000] =	vst v0  }
0x23: {  	[tilespmem:s0+$0x2010] =	vst v0  }
.Ltmp0:
0x24: {  	[tilespmem:s0+$0x2020] =	vst v0;
	(pc) =	sbr.rel @p1 .LBB2_2-.Ltmp0, $4  }
0x25: {  	[tilespmem:s0+$0x2030] =	vst v0  }
0x26: {  	[tilespmem:s0+$0x2040] =	vst v0  }
0x27: {  	[tilespmem:s0+$0x2050] =	vst v0  }
0x28: {  	[tilespmem:s0+$0x2060] =	vst v0;
	s0 =	sshra.s32 s2, $0x2;
	s2 =	sadd.s32 $0x200, s2  }
0x29: {  	[tilespmem:s0+$0x2070] =	vst v0  }
0x2a: {  	[tilespmem:s0+$0x2000] =	vst v0  }
0x2b: {  	[tilespmem:s0+$0x2010] =	vst v0  }
0x2c: {  	[tilespmem:s0+$0x2020] =	vst v0  }
0x2d: {  	[tilespmem:s0+$0x2030] =	vst v0  }
0x2e: {  	[tilespmem:s0+$0x2040] =	vst v0  }
0x2f: {  	[tilespmem:s0+$0x2050] =	vst v0  }
0x30: {  	[tilespmem:s0+$0x2060] =	vst v0  }
0x31: {  	[spmem:s6] =	stream.linear.scatter [tilespmem:s21], [sflag:$0x5], $0x4000, $0x38;
	[tilespmem:$0x1E000] =	vst v63  }
0x32: {  	_ =	swait.ge [sflag:s17], $0x4000  }
0x33: {  	[sflag:s17] =	ssyncset.done $0x0  }
0x34: {  	s2 =	rddreg [dreg:$0x5];
	[sflag:s17] =	ssyncadd.s32 $0xFFFFC000  }
0x35: {  	[spmem:s2] =	stream.linear.scatter [tilespmem:s21], [sflag:$0x5], $0x4000, $0x38;
	[tilespmem:$0x1E000] =	vst v63  }
0x36: {  	_ =	swait.ge [sflag:s17], $0x4000  }
0x37: {  	[sflag:s17] =	ssyncset.done $0x0  }
0x38: {  	s3 =	rddreg [dreg:$0x6];
	[sflag:s17] =	ssyncadd.s32 $0xFFFFC000  }
0x39: {  	[spmem:s3] =	stream.linear.scatter [tilespmem:s21], [sflag:$0x5], $0x4000, $0x38;
	[tilespmem:$0x1E000] =	vst v63  }
0x3a: {  	_ =	swait.ge [sflag:s17], $0x4000  }
0x3b: {  	[sflag:s17] =	ssyncset.done $0x0  }
0x3c: {  	[sflag:s17] =	ssyncadd.s32 $0xFFFFC000  }
0x3d: {  	[spmem:s10] =	stream.linear.scatter [tilespmem:s21], [sflag:$0x5], $0x4000, $0x38;
	[tilespmem:$0x1E000] =	vst v63  }
0x3e: {  	_ =	swait.ge [sflag:s17], $0x4000  }
0x3f: {  	[sflag:s17] =	ssyncset.done $0x0  }
0x40: {  	s0 =	simm.s32 $0x0;
	[sflag:s17] =	ssyncadd.s32 $0xFFFFC000  }
0x41: {  	[spmem:s11] =	stream.linear.scatter [tilespmem:s21], [sflag:$0x5], $0x4000, $0x38;
	[tilespmem:$0x1E000] =	vst v63  }
0x42: {  	s2 =	sand.u32 $0x27, s0;
	_ =	swait.ge [sflag:s17], $0x4000  }
0x43: {  	p1 =	sne.s32 s2, $0x0;
	[sflag:s17] =	ssyncset.done $0x0  }
0x44: {  	s2 =	sxor.u32 @!p1 $0xFFFFFFFF, s0;
	s5 =	simm.s32 @!p1 $0x5;
	[sflag:s17] =	ssyncadd.s32 $0xFFFFC000  }
0x45: {  	[tilespmem:s21], [sflag:$0x1] =	stream.indirect.gather [hbm4b:s4+s19], $0x80, s0, s19, $0xb8;
	[tilespmem:$0x1E000] =	vst v63  }
0x46: {  	s2 =	sand.u32 @!p1 $0x800, s2;
	s3 =	simm.s32 @!p1 $0x0;
	[bflag:$0x0] =	sbarrier.arrive $0xFFFF  }
0x47: {  	[tilespmem:s2], [sflag:$0x5] =	stream.linear.gather @!p1 [hbm4b:s16+s3], $0x800, $0x38;
	[tilespmem:$0x1E000] =	vst v63  }
0x48: {  	_ =	swait.ge @!p1 [sflag:s5], $0x800  }
0x49: {  	[sflag:s5] =	ssyncset.done @!p1 $0x0  }
0x4a: {  	s2 =	sor.u32 @!p1 $0x1000, s2;
	[sflag:s5] =	ssyncadd.s32 @!p1 $0xFFFFF800  }
0x4b: {  	[tilespmem:s2], [sflag:$0x5] =	stream.linear.gather @!p1 [hbm4b:s18+s3], $0x800, $0x38;
	[tilespmem:$0x1E000] =	vst v63  }
0x4c: {  	_ =	swait.ge @!p1 [sflag:s5], $0x800  }
0x4d: {  	[sflag:s5] =	ssyncset.done @!p1 $0x0  }
0x4e: {  	[sflag:s5] =	ssyncadd.s32 @!p1 $0xFFFFF800  }
0x4f: {  	_ =	swait.ge [sflag:s22], $0x4000  }
0x50: {  	s5 =	sand.u32 $0xF00, s0;
	[sflag:s22] =	ssyncset.done $0x0  }
0x51: {  	s0 =	sor.u32 $0x1000, s5;
	[sflag:s22] =	ssyncadd.s32 $0xFFFFC000  }
0x52: {  	[spmem:s1] =	stream.indirect.scatter.add.f32 [tilespmem:s21], [sflag:$0x3], $0x80, s0, s19, $0xb8;
	[tilespmem:$0x1E000] =	vst v63  }
0x53: {  	_ =	swait.ge [sflag:s23], $0x4000  }
0x54: {  	[sflag:s23] =	ssyncset.done $0x0  }
0x55: {  	[sflag:s23] =	ssyncadd.s32 $0xFFFFC000  }
0x56: {  	s8 =	simm.s32 $0x1;
	_ =	swait.ge [sflag:s26], $0x4000  }
0x57: {  	s9 =	simm.s32 $0x180;
	s0 =	simm.s32 $0x100;
	[sflag:s26] =	ssyncset.done $0x0  }
0x58: {  	s15 =	simm.s32 $0x280;
	s7 =	sand.u32 $0xF00, s0;
	[sflag:s26] =	ssyncadd.s32 $0xFFFFC000  }
0x59: {  	[tilespmem:s21], [sflag:$0x1] =	stream.indirect.gather [hbm4b:s4+s19], $0x80, s7, s19, $0xb8;
	[tilespmem:$0x1E000] =	vst v63  }
0x5a: {  	s29 =	sadd.s32 $0x20, s16;
	s30 =	sand.u32 $0xF80, s9;
	s2 =	sor.u32 $0x1080, s5  }
0x5b: {  	[spmem:s1] =	stream.indirect.scatter.add.f32 [tilespmem:s20], [sflag:$0x4], $0x80, s2, s19, $0xb8;
	[tilespmem:$0x1E000] =	vst v63  }
0x5c: {  	s3 =	sand.u32 $0xF80, s15;
	s15 =	smov.u32 s18;
	_ =	swait.ge [sflag:s28], $0x4000  }
0x5d: {  	s5 =	sand.u32 $0x27, s8;
	s2 =	simm.s32 $0x2;
	[sflag:s28] =	ssyncset.done $0x0  }
.LBB2_4:
0x5e: {  	p2 =	sne.s32 s5, $0x0  }
0x5f: {  	s15 =	sadd.s32 $0x20, s15;
	s5 =	smov.u32 s2;
	s2 =	sadd.s32 $0x1, s2  }
0x60: {  	p1 =	sne.s32 s2, $0x27;
	s7 =	sxor.u32 @!p2 $0xFFFFFFFF, s0;
	[sflag:s28] =	ssyncadd.s32 $0xFFFFC000  }
0x61: {  	[tilespmem:s20], [sflag:$0x2] =	stream.indirect.gather [hbm4b:s4+s19], $0x80, s30, s19, $0xb8;
	[tilespmem:$0x1E000] =	vst v63  }
0x62: {  	s8 =	simm.s32 @!p2 $0x0;
	s9 =	simm.s32 @!p2 $0x5;
	s7 =	sand.u32 @!p2 $0x800, s7  }
0x63: {  	[tilespmem:s7], [sflag:$0x5] =	stream.linear.gather @!p2 [hbm4b:s29+s8], $0x800, $0x38;
	[tilespmem:$0x1E000] =	vst v63  }
0x64: {  	s30 =	smov.u32 s3;
	s7 =	sor.u32 @!p2 $0x1000, s7;
	_ =	swait.ge @!p2 [sflag:s9], $0x800  }
0x65: {  	[sflag:s9] =	ssyncset.done @!p2 $0x0  }
0x66: {  	[sflag:s9] =	ssyncadd.s32 @!p2 $0xFFFFF800  }
0x67: {  	[tilespmem:s7], [sflag:$0x5] =	stream.linear.gather @!p2 [hbm4b:s15+s8], $0x800, $0x38;
	[tilespmem:$0x1E000] =	vst v63  }
0x68: {  	_ =	swait.ge @!p2 [sflag:s9], $0x800  }
0x69: {  	[sflag:s9] =	ssyncset.done @!p2 $0x0  }
0x6a: {  	[sflag:s9] =	ssyncadd.s32 @!p2 $0xFFFFF800  }
0x6b: {  	_ =	swait.ge [sflag:s22], $0x4000  }
0x6c: {  	s8 =	sand.u32 $0xF00, s0;
	[sflag:s22] =	ssyncset.done $0x0  }
0x6d: {  	s3 =	sor.u32 $0x1000, s8;
	[sflag:s22] =	ssyncadd.s32 $0xFFFFC000  }
0x6e: {  	[spmem:s1] =	stream.indirect.scatter.add.f32 [tilespmem:s21], [sflag:$0x3], $0x80, s3, s19, $0xb8;
	[tilespmem:$0x1E000] =	vst v63  }
0x6f: {  	_ =	swait.ge [sflag:s23], $0x4000  }
0x70: {  	[sflag:s23] =	ssyncset.done $0x0  }
0x71: {  	[sflag:s23] =	ssyncadd.s32 $0xFFFFC000  }
0x72: {  	_ =	swait.ge [sflag:s26], $0x4000  }
0x73: {  	s0 =	sadd.s32 $0x100, s0;
	[sflag:s26] =	ssyncset.done $0x0  }
0x74: {  	s7 =	sand.u32 $0xF00, s0;
	s3 =	sadd.s32 $0x180, s0;
	[sflag:s26] =	ssyncadd.s32 $0xFFFFC000  }
0x75: {  	[tilespmem:s21], [sflag:$0x1] =	stream.indirect.gather [hbm4b:s4+s19], $0x80, s7, s19, $0xb8;
	[tilespmem:$0x1E000] =	vst v63  }
.Ltmp1:
0x76: {  	_ = 	snop;
	(pc) =	sbr.rel @p1 .LBB2_4-.Ltmp1, $4  }
0x77: {  	s8 =	sor.u32 $0x1080, s8;
	s3 =	sand.u32 $0xF80, s3  }
0x78: {  	[spmem:s1] =	stream.indirect.scatter.add.f32 [tilespmem:s20], [sflag:$0x4], $0x80, s8, s19, $0xb8;
	[tilespmem:$0x1E000] =	vst v63  }
0x79: {  	_ =	swait.ge [sflag:s28], $0x4000  }
0x7a: {  	s5 =	sand.u32 $0x27, s5;
	s29 =	sadd.s32 $0x20, s29;
	[sflag:s28] =	ssyncset.done $0x0  }
0x7b: {  	p1 =	sne.s32 s5, $0x0  }
0x7c: {  	[sflag:s28] =	ssyncadd.s32 $0xFFFFC000;
	s2 =	sxor.u32 @!p1 $0xFFFFFFFF, s0  }
0x7d: {  	[tilespmem:s20], [sflag:$0x2] =	stream.indirect.gather [hbm4b:s4+s19], $0x80, s30, s19, $0xb8;
	[tilespmem:$0x1E000] =	vst v63  }
0x7e: {  	s5 =	simm.s32 @!p1 $0x0;
	s8 =	simm.s32 @!p1 $0x5;
	s2 =	sand.u32 @!p1 $0x800, s2  }
0x7f: {  	[tilespmem:s2], [sflag:$0x5] =	stream.linear.gather @!p1 [hbm4b:s29+s5], $0x800, $0x38;
	[tilespmem:$0x1E000] =	vst v63  }
0x80: {  	_ =	swait.ge @!p1 [sflag:s8], $0x800  }
0x81: {  	[sflag:s8] =	ssyncset.done @!p1 $0x0  }
0x82: {  	s9 =	sadd.s32 $0x20, s15;
	s2 =	sor.u32 @!p1 $0x1000, s2;
	[sflag:s8] =	ssyncadd.s32 @!p1 $0xFFFFF800  }
0x83: {  	[tilespmem:s2], [sflag:$0x5] =	stream.linear.gather @!p1 [hbm4b:s9+s5], $0x800, $0x38;
	[tilespmem:$0x1E000] =	vst v63  }
0x84: {  	_ =	swait.ge @!p1 [sflag:s8], $0x800  }
0x85: {  	[sflag:s8] =	ssyncset.done @!p1 $0x0  }
0x86: {  	[sflag:s8] =	ssyncadd.s32 @!p1 $0xFFFFF800  }
0x87: {  	_ =	swait.ge [sflag:s22], $0x4000  }
0x88: {  	[sflag:s22] =	ssyncset.done $0x0  }
0x89: {  	s8 =	sor.u32 $0x1000, s7;
	[sflag:s22] =	ssyncadd.s32 $0xFFFFC000  }
0x8a: {  	[spmem:s1] =	stream.indirect.scatter.add.f32 [tilespmem:s21], [sflag:$0x3], $0x80, s8, s19, $0xb8;
	[tilespmem:$0x1E000] =	vst v63  }
0x8b: {  	_ =	swait.ge [sflag:s23], $0x4000  }
0x8c: {  	[sflag:s23] =	ssyncset.done $0x0  }
0x8d: {  	[sflag:s23] =	ssyncadd.s32 $0xFFFFC000  }
0x8e: {  	_ =	swait.ge [sflag:s26], $0x4000  }
0x8f: {  	s9 =	sadd.s32 $0x100, s0;
	[sflag:s26] =	ssyncset.done $0x0  }
0x90: {  	s0 =	sand.u32 $0xF00, s9;
	[sflag:s26] =	ssyncadd.s32 $0xFFFFC000  }
0x91: {  	[tilespmem:s21], [sflag:$0x1] =	stream.indirect.gather [hbm4b:s4+s19], $0x80, s0, s19, $0xb8;
	[tilespmem:$0x1E000] =	vst v63  }
0x92: {  	s15 =	sor.u32 $0x1080, s7  }
0x93: {  	[spmem:s1] =	stream.indirect.scatter.add.f32 [tilespmem:s20], [sflag:$0x4], $0x80, s15, s19, $0xb8;
	[tilespmem:$0x1E000] =	vst v63  }
0x94: {  	_ =	swait.ge [sflag:s28], $0x4000  }
0x95: {  	[sflag:s28] =	ssyncset.done $0x0  }
0x96: {  	[sflag:s28] =	ssyncadd.s32 $0xFFFFC000  }
0x97: {  	[tilespmem:s20], [sflag:$0x2] =	stream.indirect.gather [hbm4b:s4+s19], $0x80, s3, s19, $0xb8;
	[tilespmem:$0x1E000] =	vst v63  }
0x98: {  	_ =	swait.ge [sflag:s22], $0x4000  }
0x99: {  	[sflag:s22] =	ssyncset.done $0x0  }
0x9a: {  	s29 =	simm.s32 $0x1700;
	[sflag:s22] =	ssyncadd.s32 $0xFFFFC000  }
0x9b: {  	[spmem:s1] =	stream.indirect.scatter.add.f32 [tilespmem:s21], [sflag:$0x3], $0x80, s29, s19, $0xb8;
	[tilespmem:$0x1E000] =	vst v63  }
0x9c: {  	_ =	swait.ge [sflag:s23], $0x4000  }
0x9d: {  	[sflag:s23] =	ssyncset.done $0x0  }
0x9e: {  	[sflag:s23] =	ssyncadd.s32 $0xFFFFC000  }
0x9f: {  	_ =	swait.ge [sflag:s26], $0x4000  }
0xa0: {  	[sflag:s26] =	ssyncset.done $0x0  }
0xa1: {  	s30 =	simm.s32 $0x1780;
	[sflag:s26] =	ssyncadd.s32 $0xFFFFC000  }
0xa2: {  	[spmem:s1] =	stream.indirect.scatter.add.f32 [tilespmem:s20], [sflag:$0x4], $0x80, s30, s19, $0xb8;
	[tilespmem:$0x1E000] =	vst v63  }
0xa3: {  	_ =	swait.ge [sflag:s28], $0x4000  }
0xa4: {  	[sflag:s28] =	ssyncset.done $0x0  }
0xa5: {  	[sflag:s28] =	ssyncadd.s32 $0xFFFFC000  }
0xa6: {  	s0 =	simm.s32 @p0 $0x1FC5;
	[bflag:$0x0] =	sbarrier.arrive $0xFFFF  }
0xa7: {  	[hbm:s13], [sflag:s0] =	dma.local @p0 [spmem:s24], $0x2800  }
0xa8: {  	s0 =	simm.s32 @p0 $0x5  }
0xa9: {  	s2 =	stileid.u32;
	_ =	swait.ge @p0 [sflag:s0], $0x2800  }
0xaa: {  	s31 =	sadd.s32 $0x1, s31;
	s2 =	sshll.u32 @!p0 s2, $0x6;
	[sflag:s0] =	ssyncset.done @p0 $0x0  }
0xab: {  	p1 =	sne.s32 s31, s14;
	[sflag:s0] =	ssyncadd.s32 @p0 $0xFFFFD800;
	s0 =	sor.u32 @!p0 $0x1C05, s2  }
0xac: {  	[hbm:s12], [sflag:s0] =	dma.local @!p0 [spmem:s25], $0x2700  }
.Ltmp2:
0xad: {  	_ = 	snop;
	(pc) =	sbr.rel @p1 .LBB2_1-.Ltmp2, $4  }
0xae: {  	s0 =	simm.s32 @!p0 $0x5  }
0xaf: {  	_ =	swait.ge @!p0 [sflag:s0], $0x2700  }
0xb0: {  	[sflag:s0] =	ssyncset.done @!p0 $0x0  }
0xb1: {  	[sflag:s0] =	ssyncadd.s32 @!p0 $0xFFFFD900  }
0xb2: {  	_ =	sfence.sel $0x180000  }
0xb3: {  	[bflag:$0x0] =	sbarrier.arrive $0xFFFF  }
0xb4: {  	_ =	strace $0x9000004D  }
0xb5: {  	s0 =	stileid.u32;
	[bflag:$0x2] =	sbarrier.arrive $0xFFFF  }
0xb6: {  	p0 =	sne.s32 s0, $0x0;
	s0 =	rddreg [dreg:$0x2]  }
0xb7: {  	s0 =	sadd.s32 @!p0 $0x100000, s0  }
0xb8: {  	[sflag:s0] =	ssyncadd.tile.s32 @!p0 $0x1;
	_ =	shalt  }
.Lfunc_end2:
_tile_overlayer_lowered:
.L_overlay_start_2:
0xb9: {  	(tag) =	ssettag $0x2  }
0xba: {  	s0 =	rddreg [dreg:$0x0];
	s2 =	stileid.u32  }
0xbb: {  	s1 =	rddreg [dreg:$0x1];
	p0 =	sne.s32 s2, $0x0  }
0xbc: {  	s3 =	rddreg [dreg:$0x2];
	[bflag:$0x3] =	sbarrier.arrive $0xFFFF;
	s2 =	simm.s32 @!p0 $0x1C05  }
0xbd: {  	[timem:s3], [sflag:s2] =	dma.local @!p0 [hbm:s0], s1  }
0xbe: {  	s0 =	simm.s32 @!p0 $0x5  }
0xbf: {  	_ =	swait.ge @!p0 [sflag:s0], s1  }
0xc0: {  	s1 =	ssub.s32 @!p0 $0x0, s1;
	[sflag:s0] =	ssyncset.done @!p0 $0x0  }
0xc1: {  	[sflag:s0] =	ssyncadd.s32 @!p0 s1  }
0xc2: {  	[bflag:$0x3] =	sbarrier.arrive $0xFFFF  }
0xc3: {  	_ =	shalt  }

// kernel: kernel.9.cloned.1.call-start
scs
__scs_entry_jumppad:
0x0: {  	(pc) =	sbr.rel $0x88, $3  }
0x1: {  	(tag) =	ssettag $0x0;
	lr =	simm.s32 $0x1  }
0x2: {  	[smem:$0x3F93] =	sst lr;
	_ =	strace $0xD0000000  }
0x3: {  	_ = 	snop  }
0x4: {  	_ = 	snop  }
0x5: {  	_ = 	snop  }
0x6: {  	_ = 	snop  }
0x7: {  	_ = 	snop  }
__scs_overlays_trampoline_lowered:
0x8: {  	[smem:$0x3FA2] =	sst s0  }
0x9: {  	[smem:$0x3FA3] =	sst s1  }
0xa: {  	[smem:$0x3FA4] =	sst s2  }
0xb: {  	[smem:$0x3FA5] =	sst s3  }
0xc: {  	[smem:$0x3FA6] =	sst s4  }
0xd: {  	[smem:$0x3FA7] =	sst s5  }
0xe: {  	[smem:$0x3FA8] =	sst s6  }
0xf: {  	[smem:$0x3FA9] =	sst s7  }
0x10: {  	[smem:$0x3FAA] =	sst s8  }
0x11: {  	[smem:$0x3FAB] =	sst s9;
	s0 =	simm.s32 @!p0 $0x0  }
0x12: {  	s1 =	sld [smem:$0x3F91];
	s0 =	simm.s32 @p0 $0x1  }
0x13: {  	[smem:$0x3FAC] =	sst s0;
	s0 =	simm.s32 @!p1 $0x0  }
0x14: {  	s2 =	sld [smem:$0x3F90];
	s0 =	simm.s32 @p1 $0x1  }
0x15: {  	[smem:$0x3FAD] =	sst s0;
	s0 =	simm.s32 @!p2 $0x0  }
0x16: {  	s3 =	sld [smem:$0x3FDB];
	s0 =	simm.s32 @p2 $0x1  }
0x17: {  	s4 =	simm.s32 $0x1BF5;
	[smem:$0x3FAF] =	sst s0  }
0x18: {  	s0 =	sld [smem:$0x3F92];
	_ =	swait.ge [sflag:s4], $0x0  }
0x19: {  	s7 =	sld [smem:$0x3F93]  }
0x1a: {  	s8 =	sadd.s32 $0xFFFFE003, lr  }
0x1b: {  	s9 =	sadd.s32 $0xFFFFFEF7, lr;
	s5 =	simm.s32 $0xFFFFFFFF;
	p2 =	slt.u32 s8, $0xFFFFF086  }
0x1c: {  	p1 =	slt.u32 s9, $0xF7A;
	s5 =	simm.s32 @!p2 $0x0  }
0x1d: {  	s5 =	simm.s32 @p1 $0x1;
	p0 =	seq.s32 s7, s2  }
0x1e: {  	s7 =	smul.u32 @!p0 $0xF7A, s2;
	p2 =	seq.s32 @!p0 s5, $0x0  }
0x1f: {  	s9 =	smul.u32 $0xF7A, s1;
	s8 =	simm.s32 @!p0 $0x1BF5;
	p2 =	por !p2, p0  }
0x20: {  	[sflag:s8] =	ssyncset.s32 @!p0 $0xFFFFF086;
	s6 =	sadd.s32 @!p0 s3, s7;
	s7 =	simm.s32 @!p0 $0x108  }
0x21: {  	s3 =	sadd.s32 s3, s9;
	s6 =	sadd.s32 @!p0 $0x88, s6;
	s7 =	simm.s32 @p2 $0x1082  }
0x22: {  	[simem:s7], [sflag:s8] =	dma.local @!p0 [hbm:s6], $0xF7A  }
0x23: {  	s9 =	sor.u32 $0xD0000000, s2;
	s6 =	simm.s32 $0x108;
	_ =	swait.ge @!p0 [sflag:s8], $0x0  }
0x24: {  	s3 =	sadd.s32 $0x88, s3;
	s6 =	simm.s32 @!p1 $0x1082;
	[sflag:s4] =	ssyncset.s32 $0xFFFFF086  }
0x25: {  	[simem:s6], [sflag:s4] =	dma.local [hbm:s3], $0xF7A  }
0x26: {  	[smem:$0x3F93] =	sst s1;
	(tag) =	ssettag s2;
	_ =	strace s9  }
0x27: {  	s1 =	sld [smem:$0x3FA3]  }
0x28: {  	s2 =	sld [smem:$0x3FA4]  }
0x29: {  	s4 =	sld [smem:$0x3FA6]  }
0x2a: {  	p0 =	seq.s32 s5, $0x0;
	s5 =	sld [smem:$0x3FA7]  }
0x2b: {  	s6 =	sld [smem:$0x3FA8]  }
0x2c: {  	s7 =	sld [smem:$0x3FA9]  }
0x2d: {  	s3 =	simm.s32 $0x108;
	s8 =	sld [smem:$0x3FAA]  }
0x2e: {  	s3 =	simm.s32 @!p0 $0x1082;
	s9 =	sld [smem:$0x3FAB]  }
0x2f: {  	lr =	sadd.s32 s0, s3;
	s0 =	sld [smem:$0x3FA2]  }
0x30: {  	s3 =	sld [smem:$0x3FA5]  }
0x31: {  	[smem:$0x3FAE] =	sst s10  }
0x32: {  	s10 =	sld [smem:$0x3FAC];
	_ =	sdelay $0x3  }
0x33: {  	p0 =	seq.s32 s10, $0x1;
	s10 =	sld [smem:$0x3FAE];
	_ =	sdelay $0x3  }
0x34: {  	[smem:$0x3FAE] =	sst s10  }
0x35: {  	s10 =	sld [smem:$0x3FAD];
	_ =	sdelay $0x3  }
0x36: {  	p1 =	seq.s32 s10, $0x1;
	s10 =	sld [smem:$0x3FAE];
	_ =	sdelay $0x3  }
0x37: {  	[smem:$0x3FAE] =	sst s10  }
0x38: {  	s10 =	sld [smem:$0x3FAF]  }
0x39: {  	_ = 	snop;
	(pc) =	sbr.ind lr, $3  }
0x3a: {  	_ = 	snop  }
0x3b: {  	_ = 	snop  }
0x3c: {  	p2 =	seq.s32 s10, $0x1;
	s10 =	sld [smem:$0x3FAE]  }
0x3d: {  	_ =	shalt  }
0x3e: {  	_ =	shalt  }
0x3f: {  	_ =	shalt  }
0x40: {  	_ =	shalt  }
0x41: {  	_ =	shalt  }
0x42: {  	_ =	shalt  }
0x43: {  	_ =	shalt  }
0x44: {  	_ =	shalt  }
0x45: {  	_ =	shalt  }
0x46: {  	_ =	shalt  }
0x47: {  	_ =	shalt  }
0x48: {  	_ =	shalt  }
0x49: {  	_ =	shalt  }
0x4a: {  	_ =	shalt  }
0x4b: {  	_ =	shalt  }
0x4c: {  	_ =	shalt  }
0x4d: {  	_ =	shalt  }
0x4e: {  	_ =	shalt  }
0x4f: {  	_ =	shalt  }
0x50: {  	_ =	shalt  }
0x51: {  	_ =	shalt  }
0x52: {  	_ =	shalt  }
0x53: {  	_ =	shalt  }
0x54: {  	_ =	shalt  }
0x55: {  	_ =	shalt  }
0x56: {  	_ =	shalt  }
0x57: {  	_ =	shalt  }
0x58: {  	_ =	shalt  }
0x59: {  	_ =	shalt  }
0x5a: {  	_ =	shalt  }
0x5b: {  	_ =	shalt  }
0x5c: {  	_ =	shalt  }
0x5d: {  	_ =	shalt  }
0x5e: {  	_ =	shalt  }
0x5f: {  	_ =	shalt  }
0x60: {  	_ =	shalt  }
0x61: {  	_ =	shalt  }
0x62: {  	_ =	shalt  }
0x63: {  	_ =	shalt  }
0x64: {  	_ =	shalt  }
0x65: {  	_ =	shalt  }
0x66: {  	_ =	shalt  }
0x67: {  	_ =	shalt  }
0x68: {  	_ =	shalt  }
0x69: {  	_ =	shalt  }
0x6a: {  	_ =	shalt  }
0x6b: {  	_ =	shalt  }
0x6c: {  	_ =	shalt  }
0x6d: {  	_ =	shalt  }
0x6e: {  	_ =	shalt  }
0x6f: {  	_ =	shalt  }
0x70: {  	_ =	shalt  }
0x71: {  	_ =	shalt  }
0x72: {  	_ =	shalt  }
0x73: {  	_ =	shalt  }
0x74: {  	_ =	shalt  }
0x75: {  	_ =	shalt  }
0x76: {  	_ =	shalt  }
0x77: {  	_ =	shalt  }
0x78: {  	_ =	shalt  }
0x79: {  	_ =	shalt  }
0x7a: {  	_ =	shalt  }
0x7b: {  	_ =	shalt  }
0x7c: {  	_ =	shalt  }
0x7d: {  	_ =	shalt  }
0x7e: {  	_ =	shalt  }
0x7f: {  	_ =	shalt  }
0x80: {  	_ =	shalt  }
0x81: {  	_ =	shalt  }
0x82: {  	_ =	shalt  }
0x83: {  	_ =	shalt  }
0x84: {  	_ =	shalt  }
0x85: {  	_ =	shalt  }
0x86: {  	_ =	shalt  }
0x87: {  	_ =	shalt  }
.Lfunc_end0:
.L_simem_size_0:
called_computation_lowered:
.L_overlay_start_0:
0x88: {  	s2 =	sld [smem:$0x3FD9]  }
0x89: {  	s3 =	sld [smem:$0x3FFE];
	_ =	sdelay $0x1  }
0x8a: {  	s1 =	srdreg.scid  }
0x8b: {  	s0 =	sand.u32 $0x1, s1  }
0x8c: {  	s16 =	sshll.u32 s0, $0xA;
	s2 =	sadd.s32 s3, s2  }
0x8d: {  	s2 =	sadd.s32 s2, s16  }
0x8e: {  	[smem:$0x3FBA] =	sst s2  }
0x8f: {  	_ = 	snop  }
0x90: {  	(tm) =	ssettm $0x1  }
0x91: {  	s17 =	sld [smem:$0x3FFB];
	_ =	sdelay $0x3  }
0x92: {  	_ =	strace s17  }
0x93: {  	s2 =	sld [smem:$0x3FFC];
	_ =	sdelay $0x3  }
0x94: {  	_ =	strace s2  }
0x95: {  	s2 =	sld [smem:$0x3FFD];
	_ =	sdelay $0x3  }
0x96: {  	_ =	strace s2  }
0x97: {  	_ =	strace $0x8FFFFFFF  }
0x98: {  	s18 =	sld [smem:$0x3FDB];
	_ =	sdelay $0x1  }
0x99: {  	s19 =	simm.s32 $_scs_section_size  }
0x9a: {  	s4 =	simm.s32 $_size__tile_overlayer_lowered;
	s5 =	simm.s32 $_tile_overlayer_lowered  }
0x9b: {  	s22 =	simm.s32 $0x1BFF;
	s21 =	sshll.u32 s5, $0x1;
	s2 =	sadd.s32 s19, s18  }
0x9c: {  	s6 =	simm.s32 $0x0;
	s20 =	sshll.u32 s4, $0x1;
	s4 =	sadd.s32 s21, s2  }
0x9d: {  	[timem:s6], [sflag:s22] =	dma.local [hbm:s4], s20  }
0x9e: {  	_ =	swait.ge [sflag:s22], s20  }
0x9f: {  	s3 =	ssub.s32 $0x0, s20;
	[sflag:s22] =	ssyncset.done $0x0  }
0xa0: {  	[sflag:s22] =	ssyncadd.s32 s3;
	_ =	sdelay $0x1  }
0xa1: {  	s23 =	simm.s32 $0x1B8B  }
0xa2: {  	_ =	swait.ge [sflag:s23], $0x1  }
0xa3: {  	[sflag:s23] =	ssyncset.done $0x0  }
0xa4: {  	s25 =	simm.s32 $0x1B8E;
	s24 =	sld [smem:$0x3FFE];
	[sflag:s23] =	ssyncadd.s32 $0xFFFFFFFF  }
0xa5: {  	s26 =	simm.s32 $execute0_lowered;
	[smem:$0x3FD2] =	sst s25  }
0xa6: {  	s4 =	sshll.u32 s26, $0x1;
	_ =	strace $0x80000046;
	[dreg:$0x1] =	wrdreg $0xFFFFFFFF  }
0xa7: {  	s28 =	simm.s32 $_size_execute0_lowered;
	s2 =	sadd.s32 s2, s4;
	[dreg:$0x0] =	wrdreg $0x0  }
0xa8: {  	s4 =	sshll.u32 s28, $0x1;
	[dreg:$0x2] =	wrdreg s2  }
0xa9: {  	[dreg:$0x3] =	wrdreg s4  }
0xaa: {  	[dreg:$0x4] =	wrdreg $0xC0  }
0xab: {  	_ =	task [dreg:s6], $0x5FFFF  }
0xac: {  	[dreg:$0x1] =	wrdreg $0xFFFFFFFF  }
0xad: {  	[dreg:$0x0] =	wrdreg $0x60  }
0xae: {  	[dreg:$0x2] =	wrdreg s24  }
0xaf: {  	[dreg:$0x3] =	wrdreg $0xA0000  }
0xb0: {  	[dreg:$0x4] =	wrdreg $0x9  }
0xb1: {  	_ =	task.clear_ibuf [dreg:s6], $0x5FFFF;
	_ =	strace $0x90000046  }
0xb2: {  	s29 =	simm.s32 $0x9;
	_ =	strace $0x80000048  }
0xb3: {  	_ =	swait.ge [sflag:s29], $0x1  }
0xb4: {  	[sflag:s29] =	ssyncadd.s32 $0xFFFFFFFF  }
0xb5: {  	_ =	strace $0x90000048  }
0xb6: {  	_ =	sfence  }
0xb7: {  	s30 =	sld [smem:$0x0];
	_ =	sdelay $0x2  }
0xb8: {  	s31 =	sshll.u32 s1, $0xD;
	s1 =	sshrl.u32 s1, $0x2  }
0xb9: {  	s3 =	sand.u32 $0x4000, s31;
	s1 =	sadd.s32 s1, s30  }
0xba: {  	s0 =	sor.u32 s3, s0;
	s1 =	sshll.u32 s1, $0x11  }
0xbb: {  	s0 =	sor.u32 s1, s0  }
0xbc: {  	s0 =	sadd.s32 $0x8F2B, s0  }
0xbd: {  	[sflag:s0] =	ssyncadd.remote.s32 $0x1  }
0xbe: {  	_ =	sfence.sel $0xFFFF  }
0xbf: {  	[dreg:$0x0] =	wrdreg $0xFFFFFFFF;
	(pc) =	sbr.abs _section_cstart, $3  }
0xc0: {  	[dreg:$0x1] =	wrdreg $0xFFFFFFFF  }
0xc1: {  	_ =	task.clear_ibuf [dreg:s6], $0x2FFFF;
	_ =	strace $0x9FFFFFFF  }
0xc2: {  	(tm) =	ssettm $0x7FFFFFFF  }
0xc3: {  	_ =	shalt  }
tec
execute0_lowered:
.L_overlay_start_1:
0x0: {  	(tag) =	ssettag $0x1  }
0x1: {  	s0 =	rddreg [dreg:$0x0]  }
0x2: {  	s1 =	rddreg [dreg:$0x1];
	s2 =	srdreg.scid  }
0x3: {  	s4 =	simm.s32 $0x0;
	s22 =	stileid.u32;
	s17 =	simm.s32 $0x5  }
0x4: {  	s19 =	simm.s32 $0x80;
	s20 =	simm.s32 $0x6000;
	s21 =	simm.s32 $0x2000  }
0x5: {  	s28 =	simm.s32 $0x4;
	s31 =	simm.s32 $0x0;
	s6 =	smul.u32 $0x50000, s22  }
0x6: {  	s2 =	sand.u32 $0x1, s2;
	[smem:$0x7FF] =	sst s4;
	s10 =	smul.u32 $0x4E000, s22  }
0x7: {  	s4 =	sadd.s32 $0x3C00, s0;
	s5 =	sadd.s32 $0x2AE00, s0;
	s13 =	smul.u32 $0x2700, s22  }
0x8: {  	s7 =	sadd.s32 $0x34E00, s0;
	s0 =	sadd.s32 $0x3EE00, s0;
	s16 =	smul.u32 $0x2800, s22  }
0x9: {  	p0 =	seq.s32 s22, $0xF;
	s3 =	sshll.u32 s2, $0x4;
	s12 =	smul.u32 $0x27100, s2  }
0xa: {  	_ =	strace $0x80000047;
	s8 =	ssub.s32 $0x2, s2;
	s15 =	smul.u32 $0x138800, s2  }
0xb: {  	s2 =	smul.u32 $0x28000, s2;
	s3 =	sor.u32 s22, s3;
	s9 =	sshrl.u32 s8, $0x1  }
0xc: {  	s6 =	sshrl.u32 s6, $0x2;
	s26 =	sshrl.u32 s10, $0x2;
	s22 =	simm.s32 $0x1  }
0xd: {  	s3 =	smul.u32 $0x500, s3;
	s14 =	ssub.s32 s8, s9;
	s6 =	sadd.s32 s6, s1  }
0xe: {  	s12 =	sadd.s32 s13, s12;
	s29 =	sshrl.u32 s15, $0x3;
	s2 =	sadd.s32 s16, s2  }
0xf: {  	s15 =	sadd.s32 $0x124800, s1;
	s24 =	sadd.s32 $0x4000, s6;
	s25 =	sadd.s32 $0x8000, s6  }
0x10: {  	s10 =	sadd.s32 $0xC000, s6;
	s11 =	sadd.s32 $0x10000, s6;
	s12 =	sadd.s32 s0, s12  }
0x11: {  	s0 =	sadd.s32 s0, s29;
	s2 =	sadd.s32 $0x800, s2;
	[dreg:$0x5] =	wrdreg s24  }
0x12: {  	s14 =	smax.u32 s14, $0x1;
	s23 =	sadd.s32 s5, s3;
	[dreg:$0x6] =	wrdreg s25  }
0x13: {  	s3 =	sadd.s32 s7, s3;
	s13 =	sadd.s32 $0x24900, s0;
	[dreg:$0x3] =	wrdreg s23  }
0x14: {  	s30 =	sshrl.u32 s2, $0x3;
	s24 =	sshrl.u32 @p0 s15, $0x3;
	[dreg:$0x4] =	wrdreg s3  }
0x15: {  	s3 =	sadd.s32 s26, s1;
	s18 =	sadd.s32 s30, s7;
	s16 =	sadd.s32 s30, s5  }
0x16: {  	v0 =	vimm.f32 $0.0e+00;
	s23 =	simm.s32 $0x2;
	s26 =	simm.s32 $0x3;
	s25 =	sshrl.u32 @!p0 s3, $0x3  }
.LBB2_1:
0x17: {  	s0 =	simm.s32 $0x0;
	s2 =	rddreg [dreg:$0x3]  }
0x18: {  	[tilespmem:s0], [sflag:$0x5] =	stream.linear.gather [hbm4b:s2+s0], $0x800, $0x38;
	[tilespmem:$0x1E000] =	vst v63  }
0x19: {  	_ =	swait.ge [sflag:s17], $0x800  }
0x1a: {  	[sflag:s17] =	ssyncset.done $0x0  }
0x1b: {  	s3 =	simm.s32 $0x1000;
	s30 =	rddreg [dreg:$0x4];
	[sflag:s17] =	ssyncadd.s32 $0xFFFFF800  }
0x1c: {  	[tilespmem:s3], [sflag:$0x5] =	stream.linear.gather [hbm4b:s30+s0], $0x800, $0x38;
	[tilespmem:$0x1E000] =	vst v63  }
0x1d: {  	_ =	swait.ge [sflag:s17], $0x800  }
0x1e: {  	[sflag:s17] =	ssyncset.done $0x0  }
0x1f: {  	s2 =	simm.s32 $0x200;
	s0 =	simm.s32 $0x0;
	[sflag:s17] =	ssyncadd.s32 $0xFFFFF800  }
0x20: {  	[tilespmem:s20], [sflag:$0x2] =	stream.indirect.gather [hbm4b:s4+s19], $0x80, s19, s19, $0xb8;
	[tilespmem:$0x1E000] =	vst v63  }
.LBB2_2:
0x21: {  	p1 =	sne.s32 s2, $0xFE00;
	[tilespmem:s0+$0x2070] =	vst v0  }
0x22: {  	[tilespmem:s0+$0x2000] =	vst v0  }
0x23: {  	[tilespmem:s0+$0x2010] =	vst v0  }
.Ltmp0:
0x24: {  	[tilespmem:s0+$0x2020] =	vst v0;
	(pc) =	sbr.rel @p1 .LBB2_2-.Ltmp0, $4  }
0x25: {  	[tilespmem:s0+$0x2030] =	vst v0  }
0x26: {  	[tilespmem:s0+$0x2040] =	vst v0  }
0x27: {  	[tilespmem:s0+$0x2050] =	vst v0  }
0x28: {  	[tilespmem:s0+$0x2060] =	vst v0;
	s0 =	sshra.s32 s2, $0x2;
	s2 =	sadd.s32 $0x200, s2  }
0x29: {  	[tilespmem:s0+$0x2070] =	vst v0  }
0x2a: {  	[tilespmem:s0+$0x2000] =	vst v0  }
0x2b: {  	[tilespmem:s0+$0x2010] =	vst v0  }
0x2c: {  	[tilespmem:s0+$0x2020] =	vst v0  }
0x2d: {  	[tilespmem:s0+$0x2030] =	vst v0  }
0x2e: {  	[tilespmem:s0+$0x2040] =	vst v0  }
0x2f: {  	[tilespmem:s0+$0x2050] =	vst v0  }
0x30: {  	[tilespmem:s0+$0x2060] =	vst v0  }
0x31: {  	[spmem:s6] =	stream.linear.scatter [tilespmem:s21], [sflag:$0x5], $0x4000, $0x38;
	[tilespmem:$0x1E000] =	vst v63  }
0x32: {  	_ =	swait.ge [sflag:s17], $0x4000  }
0x33: {  	[sflag:s17] =	ssyncset.done $0x0  }
0x34: {  	s2 =	rddreg [dreg:$0x5];
	[sflag:s17] =	ssyncadd.s32 $0xFFFFC000  }
0x35: {  	[spmem:s2] =	stream.linear.scatter [tilespmem:s21], [sflag:$0x5], $0x4000, $0x38;
	[tilespmem:$0x1E000] =	vst v63  }
0x36: {  	_ =	swait.ge [sflag:s17], $0x4000  }
0x37: {  	[sflag:s17] =	ssyncset.done $0x0  }
0x38: {  	s3 =	rddreg [dreg:$0x6];
	[sflag:s17] =	ssyncadd.s32 $0xFFFFC000  }
0x39: {  	[spmem:s3] =	stream.linear.scatter [tilespmem:s21], [sflag:$0x5], $0x4000, $0x38;
	[tilespmem:$0x1E000] =	vst v63  }
0x3a: {  	_ =	swait.ge [sflag:s17], $0x4000  }
0x3b: {  	[sflag:s17] =	ssyncset.done $0x0  }
0x3c: {  	[sflag:s17] =	ssyncadd.s32 $0xFFFFC000  }
0x3d: {  	[spmem:s10] =	stream.linear.scatter [tilespmem:s21], [sflag:$0x5], $0x4000, $0x38;
	[tilespmem:$0x1E000] =	vst v63  }
0x3e: {  	_ =	swait.ge [sflag:s17], $0x4000  }
0x3f: {  	[sflag:s17] =	ssyncset.done $0x0  }
0x40: {  	s0 =	simm.s32 $0x0;
	[sflag:s17] =	ssyncadd.s32 $0xFFFFC000  }
0x41: {  	[spmem:s11] =	stream.linear.scatter [tilespmem:s21], [sflag:$0x5], $0x4000, $0x38;
	[tilespmem:$0x1E000] =	vst v63  }
0x42: {  	s2 =	sand.u32 $0x27, s0;
	_ =	swait.ge [sflag:s17], $0x4000  }
0x43: {  	p1 =	sne.s32 s2, $0x0;
	[sflag:s17] =	ssyncset.done $0x0  }
0x44: {  	s2 =	sxor.u32 @!p1 $0xFFFFFFFF, s0;
	s5 =	simm.s32 @!p1 $0x5;
	[sflag:s17] =	ssyncadd.s32 $0xFFFFC000  }
0x45: {  	[tilespmem:s21], [sflag:$0x1] =	stream.indirect.gather [hbm4b:s4+s19], $0x80, s0, s19, $0xb8;
	[tilespmem:$0x1E000] =	vst v63  }
0x46: {  	s2 =	sand.u32 @!p1 $0x800, s2;
	s3 =	simm.s32 @!p1 $0x0;
	[bflag:$0x0] =	sbarrier.arrive $0xFFFF  }
0x47: {  	[tilespmem:s2], [sflag:$0x5] =	stream.linear.gather @!p1 [hbm4b:s16+s3], $0x800, $0x38;
	[tilespmem:$0x1E000] =	vst v63  }
0x48: {  	_ =	swait.ge @!p1 [sflag:s5], $0x800  }
0x49: {  	[sflag:s5] =	ssyncset.done @!p1 $0x0  }
0x4a: {  	s2 =	sor.u32 @!p1 $0x1000, s2;
	[sflag:s5] =	ssyncadd.s32 @!p1 $0xFFFFF800  }
0x4b: {  	[tilespmem:s2], [sflag:$0x5] =	stream.linear.gather @!p1 [hbm4b:s18+s3], $0x800, $0x38;
	[tilespmem:$0x1E000] =	vst v63  }
0x4c: {  	_ =	swait.ge @!p1 [sflag:s5], $0x800  }
0x4d: {  	[sflag:s5] =	ssyncset.done @!p1 $0x0  }
0x4e: {  	[sflag:s5] =	ssyncadd.s32 @!p1 $0xFFFFF800  }
0x4f: {  	_ =	swait.ge [sflag:s22], $0x4000  }
0x50: {  	s5 =	sand.u32 $0xF00, s0;
	[sflag:s22] =	ssyncset.done $0x0  }
0x51: {  	s0 =	sor.u32 $0x1000, s5;
	[sflag:s22] =	ssyncadd.s32 $0xFFFFC000  }
0x52: {  	[spmem:s1] =	stream.indirect.scatter.add.f32 [tilespmem:s21], [sflag:$0x3], $0x80, s0, s19, $0xb8;
	[tilespmem:$0x1E000] =	vst v63  }
0x53: {  	_ =	swait.ge [sflag:s23], $0x4000  }
0x54: {  	[sflag:s23] =	ssyncset.done $0x0  }
0x55: {  	[sflag:s23] =	ssyncadd.s32 $0xFFFFC000  }
0x56: {  	s8 =	simm.s32 $0x1;
	_ =	swait.ge [sflag:s26], $0x4000  }
0x57: {  	s9 =	simm.s32 $0x180;
	s0 =	simm.s32 $0x100;
	[sflag:s26] =	ssyncset.done $0x0  }
0x58: {  	s15 =	simm.s32 $0x280;
	s7 =	sand.u32 $0xF00, s0;
	[sflag:s26] =	ssyncadd.s32 $0xFFFFC000  }
0x59: {  	[tilespmem:s21], [sflag:$0x1] =	stream.indirect.gather [hbm4b:s4+s19], $0x80, s7, s19, $0xb8;
	[tilespmem:$0x1E000] =	vst v63  }
0x5a: {  	s29 =	sadd.s32 $0x20, s16;
	s30 =	sand.u32 $0xF80, s9;
	s2 =	sor.u32 $0x1080, s5  }
0x5b: {  	[spmem:s1] =	stream.indirect.scatter.add.f32 [tilespmem:s20], [sflag:$0x4], $0x80, s2, s19, $0xb8;
	[tilespmem:$0x1E000] =	vst v63  }
0x5c: {  	s3 =	sand.u32 $0xF80, s15;
	s15 =	smov.u32 s18;
	_ =	swait.ge [sflag:s28], $0x4000  }
0x5d: {  	s5 =	sand.u32 $0x27, s8;
	s2 =	simm.s32 $0x2;
	[sflag:s28] =	ssyncset.done $0x0  }
.LBB2_4:
0x5e: {  	p2 =	sne.s32 s5, $0x0  }
0x5f: {  	s15 =	sadd.s32 $0x20, s15;
	s5 =	smov.u32 s2;
	s2 =	sadd.s32 $0x1, s2  }
0x60: {  	p1 =	sne.s32 s2, $0x27;
	s7 =	sxor.u32 @!p2 $0xFFFFFFFF, s0;
	[sflag:s28] =	ssyncadd.s32 $0xFFFFC000  }
0x61: {  	[tilespmem:s20], [sflag:$0x2] =	stream.indirect.gather [hbm4b:s4+s19], $0x80, s30, s19, $0xb8;
	[tilespmem:$0x1E000] =	vst v63  }
0x62: {  	s8 =	simm.s32 @!p2 $0x0;
	s9 =	simm.s32 @!p2 $0x5;
	s7 =	sand.u32 @!p2 $0x800, s7  }
0x63: {  	[tilespmem:s7], [sflag:$0x5] =	stream.linear.gather @!p2 [hbm4b:s29+s8], $0x800, $0x38;
	[tilespmem:$0x1E000] =	vst v63  }
0x64: {  	s30 =	smov.u32 s3;
	s7 =	sor.u32 @!p2 $0x1000, s7;
	_ =	swait.ge @!p2 [sflag:s9], $0x800  }
0x65: {  	[sflag:s9] =	ssyncset.done @!p2 $0x0  }
0x66: {  	[sflag:s9] =	ssyncadd.s32 @!p2 $0xFFFFF800  }
0x67: {  	[tilespmem:s7], [sflag:$0x5] =	stream.linear.gather @!p2 [hbm4b:s15+s8], $0x800, $0x38;
	[tilespmem:$0x1E000] =	vst v63  }
0x68: {  	_ =	swait.ge @!p2 [sflag:s9], $0x800  }
0x69: {  	[sflag:s9] =	ssyncset.done @!p2 $0x0  }
0x6a: {  	[sflag:s9] =	ssyncadd.s32 @!p2 $0xFFFFF800  }
0x6b: {  	_ =	swait.ge [sflag:s22], $0x4000  }
0x6c: {  	s8 =	sand.u32 $0xF00, s0;
	[sflag:s22] =	ssyncset.done $0x0  }
0x6d: {  	s3 =	sor.u32 $0x1000, s8;
	[sflag:s22] =	ssyncadd.s32 $0xFFFFC000  }
0x6e: {  	[spmem:s1] =	stream.indirect.scatter.add.f32 [tilespmem:s21], [sflag:$0x3], $0x80, s3, s19, $0xb8;
	[tilespmem:$0x1E000] =	vst v63  }
0x6f: {  	_ =	swait.ge [sflag:s23], $0x4000  }
0x70: {  	[sflag:s23] =	ssyncset.done $0x0  }
0x71: {  	[sflag:s23] =	ssyncadd.s32 $0xFFFFC000  }
0x72: {  	_ =	swait.ge [sflag:s26], $0x4000  }
0x73: {  	s0 =	sadd.s32 $0x100, s0;
	[sflag:s26] =	ssyncset.done $0x0  }
0x74: {  	s7 =	sand.u32 $0xF00, s0;
	s3 =	sadd.s32 $0x180, s0;
	[sflag:s26] =	ssyncadd.s32 $0xFFFFC000  }
0x75: {  	[tilespmem:s21], [sflag:$0x1] =	stream.indirect.gather [hbm4b:s4+s19], $0x80, s7, s19, $0xb8;
	[tilespmem:$0x1E000] =	vst v63  }
.Ltmp1:
0x76: {  	_ = 	snop;
	(pc) =	sbr.rel @p1 .LBB2_4-.Ltmp1, $4  }
0x77: {  	s8 =	sor.u32 $0x1080, s8;
	s3 =	sand.u32 $0xF80, s3  }
0x78: {  	[spmem:s1] =	stream.indirect.scatter.add.f32 [tilespmem:s20], [sflag:$0x4], $0x80, s8, s19, $0xb8;
	[tilespmem:$0x1E000] =	vst v63  }
0x79: {  	_ =	swait.ge [sflag:s28], $0x4000  }
0x7a: {  	s5 =	sand.u32 $0x27, s5;
	s29 =	sadd.s32 $0x20, s29;
	[sflag:s28] =	ssyncset.done $0x0  }
0x7b: {  	p1 =	sne.s32 s5, $0x0  }
0x7c: {  	[sflag:s28] =	ssyncadd.s32 $0xFFFFC000;
	s2 =	sxor.u32 @!p1 $0xFFFFFFFF, s0  }
0x7d: {  	[tilespmem:s20], [sflag:$0x2] =	stream.indirect.gather [hbm4b:s4+s19], $0x80, s30, s19, $0xb8;
	[tilespmem:$0x1E000] =	vst v63  }
0x7e: {  	s5 =	simm.s32 @!p1 $0x0;
	s8 =	simm.s32 @!p1 $0x5;
	s2 =	sand.u32 @!p1 $0x800, s2  }
0x7f: {  	[tilespmem:s2], [sflag:$0x5] =	stream.linear.gather @!p1 [hbm4b:s29+s5], $0x800, $0x38;
	[tilespmem:$0x1E000] =	vst v63  }
0x80: {  	_ =	swait.ge @!p1 [sflag:s8], $0x800  }
0x81: {  	[sflag:s8] =	ssyncset.done @!p1 $0x0  }
0x82: {  	s9 =	sadd.s32 $0x20, s15;
	s2 =	sor.u32 @!p1 $0x1000, s2;
	[sflag:s8] =	ssyncadd.s32 @!p1 $0xFFFFF800  }
0x83: {  	[tilespmem:s2], [sflag:$0x5] =	stream.linear.gather @!p1 [hbm4b:s9+s5], $0x800, $0x38;
	[tilespmem:$0x1E000] =	vst v63  }
0x84: {  	_ =	swait.ge @!p1 [sflag:s8], $0x800  }
0x85: {  	[sflag:s8] =	ssyncset.done @!p1 $0x0  }
0x86: {  	[sflag:s8] =	ssyncadd.s32 @!p1 $0xFFFFF800  }
0x87: {  	_ =	swait.ge [sflag:s22], $0x4000  }
0x88: {  	[sflag:s22] =	ssyncset.done $0x0  }
0x89: {  	s8 =	sor.u32 $0x1000, s7;
	[sflag:s22] =	ssyncadd.s32 $0xFFFFC000  }
0x8a: {  	[spmem:s1] =	stream.indirect.scatter.add.f32 [tilespmem:s21], [sflag:$0x3], $0x80, s8, s19, $0xb8;
	[tilespmem:$0x1E000] =	vst v63  }
0x8b: {  	_ =	swait.ge [sflag:s23], $0x4000  }
0x8c: {  	[sflag:s23] =	ssyncset.done $0x0  }
0x8d: {  	[sflag:s23] =	ssyncadd.s32 $0xFFFFC000  }
0x8e: {  	_ =	swait.ge [sflag:s26], $0x4000  }
0x8f: {  	s9 =	sadd.s32 $0x100, s0;
	[sflag:s26] =	ssyncset.done $0x0  }
0x90: {  	s0 =	sand.u32 $0xF00, s9;
	[sflag:s26] =	ssyncadd.s32 $0xFFFFC000  }
0x91: {  	[tilespmem:s21], [sflag:$0x1] =	stream.indirect.gather [hbm4b:s4+s19], $0x80, s0, s19, $0xb8;
	[tilespmem:$0x1E000] =	vst v63  }
0x92: {  	s15 =	sor.u32 $0x1080, s7  }
0x93: {  	[spmem:s1] =	stream.indirect.scatter.add.f32 [tilespmem:s20], [sflag:$0x4], $0x80, s15, s19, $0xb8;
	[tilespmem:$0x1E000] =	vst v63  }
0x94: {  	_ =	swait.ge [sflag:s28], $0x4000  }
0x95: {  	[sflag:s28] =	ssyncset.done $0x0  }
0x96: {  	[sflag:s28] =	ssyncadd.s32 $0xFFFFC000  }
0x97: {  	[tilespmem:s20], [sflag:$0x2] =	stream.indirect.gather [hbm4b:s4+s19], $0x80, s3, s19, $0xb8;
	[tilespmem:$0x1E000] =	vst v63  }
0x98: {  	_ =	swait.ge [sflag:s22], $0x4000  }
0x99: {  	[sflag:s22] =	ssyncset.done $0x0  }
0x9a: {  	s29 =	simm.s32 $0x1700;
	[sflag:s22] =	ssyncadd.s32 $0xFFFFC000  }
0x9b: {  	[spmem:s1] =	stream.indirect.scatter.add.f32 [tilespmem:s21], [sflag:$0x3], $0x80, s29, s19, $0xb8;
	[tilespmem:$0x1E000] =	vst v63  }
0x9c: {  	_ =	swait.ge [sflag:s23], $0x4000  }
0x9d: {  	[sflag:s23] =	ssyncset.done $0x0  }
0x9e: {  	[sflag:s23] =	ssyncadd.s32 $0xFFFFC000  }
0x9f: {  	_ =	swait.ge [sflag:s26], $0x4000  }
0xa0: {  	[sflag:s26] =	ssyncset.done $0x0  }
0xa1: {  	s30 =	simm.s32 $0x1780;
	[sflag:s26] =	ssyncadd.s32 $0xFFFFC000  }
0xa2: {  	[spmem:s1] =	stream.indirect.scatter.add.f32 [tilespmem:s20], [sflag:$0x4], $0x80, s30, s19, $0xb8;
	[tilespmem:$0x1E000] =	vst v63  }
0xa3: {  	_ =	swait.ge [sflag:s28], $0x4000  }
0xa4: {  	[sflag:s28] =	ssyncset.done $0x0  }
0xa5: {  	[sflag:s28] =	ssyncadd.s32 $0xFFFFC000  }
0xa6: {  	s0 =	simm.s32 @p0 $0x1FC5;
	[bflag:$0x0] =	sbarrier.arrive $0xFFFF  }
0xa7: {  	[hbm:s13], [sflag:s0] =	dma.local @p0 [spmem:s24], $0x2800  }
0xa8: {  	s0 =	simm.s32 @p0 $0x5  }
0xa9: {  	s2 =	stileid.u32;
	_ =	swait.ge @p0 [sflag:s0], $0x2800  }
0xaa: {  	s31 =	sadd.s32 $0x1, s31;
	s2 =	sshll.u32 @!p0 s2, $0x6;
	[sflag:s0] =	ssyncset.done @p0 $0x0  }
0xab: {  	p1 =	sne.s32 s31, s14;
	[sflag:s0] =	ssyncadd.s32 @p0 $0xFFFFD800;
	s0 =	sor.u32 @!p0 $0x1C05, s2  }
0xac: {  	[hbm:s12], [sflag:s0] =	dma.local @!p0 [spmem:s25], $0x2700  }
.Ltmp2:
0xad: {  	_ = 	snop;
	(pc) =	sbr.rel @p1 .LBB2_1-.Ltmp2, $4  }
0xae: {  	s0 =	simm.s32 @!p0 $0x5  }
0xaf: {  	_ =	swait.ge @!p0 [sflag:s0], $0x2700  }
0xb0: {  	[sflag:s0] =	ssyncset.done @!p0 $0x0  }
0xb1: {  	[sflag:s0] =	ssyncadd.s32 @!p0 $0xFFFFD900  }
0xb2: {  	_ =	sfence.sel $0x180000  }
0xb3: {  	[bflag:$0x0] =	sbarrier.arrive $0xFFFF  }
0xb4: {  	_ =	strace $0x90000047  }
0xb5: {  	s0 =	stileid.u32;
	[bflag:$0x2] =	sbarrier.arrive $0xFFFF  }
0xb6: {  	p0 =	sne.s32 s0, $0x0;
	s0 =	rddreg [dreg:$0x2]  }
0xb7: {  	s0 =	sadd.s32 @!p0 $0x100000, s0  }
0xb8: {  	[sflag:s0] =	ssyncadd.tile.s32 @!p0 $0x1;
	_ =	shalt  }
.Lfunc_end2:
_tile_overlayer_lowered:
.L_overlay_start_2:
0xb9: {  	(tag) =	ssettag $0x2  }
0xba: {  	s0 =	rddreg [dreg:$0x0];
	s2 =	stileid.u32  }
0xbb: {  	s1 =	rddreg [dreg:$0x1];
	p0 =	sne.s32 s2, $0x0  }
0xbc: {  	s3 =	rddreg [dreg:$0x2];
	[bflag:$0x3] =	sbarrier.arrive $0xFFFF;
	s2 =	simm.s32 @!p0 $0x1C05  }
0xbd: {  	[timem:s3], [sflag:s2] =	dma.local @!p0 [hbm:s0], s1  }
0xbe: {  	s0 =	simm.s32 @!p0 $0x5  }
0xbf: {  	_ =	swait.ge @!p0 [sflag:s0], s1  }
0xc0: {  	s1 =	ssub.s32 @!p0 $0x0, s1;
	[sflag:s0] =	ssyncset.done @!p0 $0x0  }
0xc1: {  	[sflag:s0] =	ssyncadd.s32 @!p0 s1  }
0xc2: {  	[bflag:$0x3] =	sbarrier.arrive $0xFFFF  }
0xc3: {  	_ =	shalt  }

</sc_bundles>
